<compile_context>
chip_gen: v7x
topology: tpu7x:2x2x1
jax: 0.10.2.dev20260603
libtpu: 0.0.44.dev20260713+nightly
codegen_flags: <defaults>
</compile_context>

<pallas_src>
import functools

import jax
import jax.numpy as jnp
from jax import lax
from jax.experimental import pallas as pl
from jax.experimental.pallas import tpu as pltpu
from jax.experimental.pallas import tpu_sc as plsc

N, E, D, DE, H, Z = 10000, 320000, 128, 16, 1024, 64

LANES = 16
NC, NS = 2, 16
NW = NC * NS
EPW = E // NW
C = 40
NCH = EPW // C
ROWS_PER_SUB = 640
LAST_ROWS = N - (NS - 1) * ROWS_PER_SUB

EDGE_BLK = 12800
X_BLK = N // (E // EDGE_BLK)
N_BLK = 1000

_PREC = lax.Precision.DEFAULT


def _edge_lin_body(ea_ref, We_ref, be_ref, x_ref, o_ref, xo_ref):
    o_ref[...] = lax.dot_general(
        ea_ref[...], We_ref[...],
        dimension_numbers=(((0,), (0,)), ((), ())),
        preferred_element_type=jnp.float32,
        precision=_PREC) + be_ref[...]
    xo_ref[...] = x_ref[...]


_edge_lin = pl.pallas_call(
    _edge_lin_body,
    grid=(E // EDGE_BLK,),
    in_specs=[
        pl.BlockSpec((DE, EDGE_BLK), lambda i: (0, i)),
        pl.BlockSpec((DE, D), lambda i: (0, 0)),
        pl.BlockSpec((1, D), lambda i: (0, 0)),
        pl.BlockSpec((X_BLK, D), lambda i: (i, 0)),
    ],
    out_specs=[
        pl.BlockSpec((EDGE_BLK, D), lambda i: (i, 0)),
        pl.BlockSpec((X_BLK, D), lambda i: (i, 0)),
    ],
    out_shape=[
        jax.ShapeDtypeStruct((E, D), jnp.float32),
        jax.ShapeDtypeStruct((N, D), jnp.float32),
    ],
)


_mesh = plsc.VectorSubcoreMesh(core_axis_name="c", subcore_axis_name="s")


@functools.partial(
    pl.kernel,
    out_type=jax.ShapeDtypeStruct((NC, N, D), jnp.float32),
    mesh=_mesh,
    scratch_types=[
        [pltpu.VMEM((C,), jnp.int32) for _ in range(4)],
        [pltpu.VMEM((C,), jnp.int32) for _ in range(4)],
        pltpu.VMEM((C, D), jnp.float32),
        pltpu.VMEM((C, D), jnp.float32),
        pltpu.VMEM((C, D), jnp.float32),
        pltpu.VMEM((C, D), jnp.float32),
        pltpu.VMEM_SHARED((N, D), jnp.float32),
        [pltpu.SemaphoreType.DMA for _ in range(4)],
        pltpu.SemaphoreType.DMA,
        pltpu.SemaphoreType.DMA,
        pltpu.SemaphoreType.DMA,
        pltpu.SemaphoreType.DMA,
    ],
)
def _sc_aggregate(x_hbm, e_hbm, ei_hbm, out_hbm,
                  srcs, dsts, rows0, rows1, e0, e1, aggr_sh,
                  isems, gsem0, gsem1, esem0, esem1):
    cid = lax.axis_index("c")
    sid = lax.axis_index("s")
    wid = sid * NC + cid
    ebase = wid * EPW
    zrow = sid * ROWS_PER_SUB
    nzrows = jnp.where(sid == NS - 1, LAST_ROWS, ROWS_PER_SUB)

    @pl.loop(0, C)
    def _(r):
        for j in range(0, D, LANES):
            rows0[r, pl.ds(j, LANES)] = jnp.zeros((LANES,), jnp.float32)

    @pl.loop(0, nzrows, step=C)
    def _(r0):
        pltpu.sync_copy(rows0, aggr_sh.at[pl.ds(zrow + r0, C)])

    def issue_idx(c, slot):
        pltpu.async_copy(ei_hbm.at[0, wid, c], srcs[slot], isems[slot])
        pltpu.async_copy(ei_hbm.at[1, wid, c], dsts[slot], isems[slot])

    def wait_idx(c, slot):
        pltpu.make_async_copy(ei_hbm.at[0, wid, c], srcs[slot],
                              isems[slot]).wait()
        pltpu.make_async_copy(ei_hbm.at[1, wid, c], dsts[slot],
                              isems[slot]).wait()

    def issue_data(c, src_b, rows_b, e_b, gsem_b, esem_b):
        pltpu.async_copy(x_hbm.at[src_b], rows_b, gsem_b)
        pltpu.async_copy(e_hbm.at[pl.ds(ebase + c * C, C)], e_b, esem_b)

    def process(c, src_b, dst_b, rows_b, e_b, gsem_b, esem_b):
        pltpu.make_async_copy(x_hbm.at[src_b], rows_b, gsem_b).wait()
        pltpu.make_async_copy(e_hbm.at[pl.ds(ebase + c * C, C)], e_b,
                              esem_b).wait()

        @pl.loop(0, C)
        def _(i):
            for j in range(0, D, LANES):
                s = pl.ds(j, LANES)
                rows_b[i, s] = jnp.maximum(rows_b[i, s] + e_b[i, s], 0.0)

        pltpu.sync_copy(rows_b, aggr_sh.at[dst_b], add=True)

    issue_idx(0, 0)
    issue_idx(1, 1)
    issue_idx(2, 2)
    plsc.subcore_barrier()
    wait_idx(0, 0)
    issue_data(0, srcs[0], rows0, e0, gsem0, esem0)

    data = [(rows0, e0, gsem0, esem0), (rows1, e1, gsem1, esem1)]

    @pl.loop(0, NCH - 2, step=4)
    def _(k):
        issue_idx(k + 3, 3)
        for u in range(4):
            c = k + u
            rows_b, e_b, gsem_b, esem_b = data[u % 2]
            nrows_b, ne_b, ngsem_b, nesem_b = data[(u + 1) % 2]
            wait_idx(c + 1, (u + 1) % 4)
            issue_data(c + 1, srcs[(u + 1) % 4], nrows_b, ne_b,
                       ngsem_b, nesem_b)
            process(c, srcs[u % 4], dsts[u % 4], rows_b, e_b,
                    gsem_b, esem_b)
            if u < 3:
                nxt = c + 4
                if u == 2:
                    @pl.when(nxt < NCH)
                    def _():
                        issue_idx(nxt, (u + 4) % 4)
                else:
                    issue_idx(nxt, u % 4)

    wait_idx(NCH - 1, (NCH - 1) % 4)
    issue_data(NCH - 1, srcs[(NCH - 1) % 4], rows1, e1, gsem1, esem1)
    process(NCH - 2, srcs[(NCH - 2) % 4], dsts[(NCH - 2) % 4],
            rows0, e0, gsem0, esem0)
    process(NCH - 1, srcs[(NCH - 1) % 4], dsts[(NCH - 1) % 4],
            rows1, e1, gsem1, esem1)

    plsc.subcore_barrier()

    @pl.when(sid < NS - 1)
    def _():
        pltpu.sync_copy(aggr_sh.at[pl.ds(zrow, ROWS_PER_SUB)],
                        out_hbm.at[cid, pl.ds(zrow, ROWS_PER_SUB)])

    @pl.when(sid == NS - 1)
    def _():
        pltpu.sync_copy(aggr_sh.at[pl.ds((NS - 1) * ROWS_PER_SUB, LAST_ROWS)],
                        out_hbm.at[cid, pl.ds((NS - 1) * ROWS_PER_SUB,
                                              LAST_ROWS)])


def _mlp_body(eps_ref, x_ref, a_ref, W1_ref, b1_ref, W2_ref, b2_ref, o_ref):
    h0 = (1.0 + eps_ref[0]) * x_ref[...] + (a_ref[0] + a_ref[1])
    h1 = jnp.maximum(jnp.dot(h0, W1_ref[...],
                             preferred_element_type=jnp.float32,
                             precision=_PREC) + b1_ref[...], 0.0)
    o_ref[...] = jnp.dot(h1, W2_ref[...],
                         preferred_element_type=jnp.float32,
                         precision=_PREC) + b2_ref[...]


_mlp = pl.pallas_call(
    _mlp_body,
    grid=(N // N_BLK,),
    in_specs=[
        pl.BlockSpec(memory_space=pltpu.SMEM),
        pl.BlockSpec((N_BLK, D), lambda i: (i, 0)),
        pl.BlockSpec((NC, N_BLK, D), lambda i: (0, i, 0)),
        pl.BlockSpec((D, H), lambda i: (0, 0)),
        pl.BlockSpec((1, H), lambda i: (0, 0)),
        pl.BlockSpec((H, Z), lambda i: (0, 0)),
        pl.BlockSpec((1, Z), lambda i: (0, 0)),
    ],
    out_specs=pl.BlockSpec((N_BLK, Z), lambda i: (i, 0)),
    out_shape=jax.ShapeDtypeStruct((N, Z), jnp.float32),
)


def kernel(x, edge_index, edge_attr, We, be, W1, b1, W2, b2, eps):
    e, x_sc = _edge_lin(edge_attr.T, We, be.reshape(1, D), x)
    ei = edge_index.reshape(2, NW, NCH, C)
    parts = _sc_aggregate(x_sc, e, ei)
    return _mlp(eps.reshape(1), x, parts, W1, b1.reshape(1, H),
                W2, b2.reshape(1, Z))

# --- scband reference (transcript-rebuilt; emitter-appended) ---
"""Pipeline reference for scband-model2-d-48103633715338 (READ-ONLY COPY).

The authoritative reference and input builder live on the scoring server;
editing this copy changes nothing except your own understanding.
"""

import jax, jax.numpy as jnp
import numpy as np

N, E, D, DE, H, Z = 10000, 320000, 128, 16, 1024, 64

def setup_inputs(seed: int = 0) -> dict:
    key = jax.random.key(seed)
    ks = jax.random.split(key, 10)
    x = jax.random.normal(ks[0], (N, D), dtype=jnp.float32)
    edge_index = jax.random.randint(ks[1], (2, E), 0, N, dtype=jnp.int32)
    edge_attr = jax.random.normal(ks[2], (E, DE), dtype=jnp.float32)
    # learned params: edge linear (edge_dim->init_dim), GIN MLP (init_dim->hidden->embed), eps
    We = jax.random.normal(ks[3], (DE, D), dtype=jnp.float32) * (1.0 / np.sqrt(DE))
    be = jnp.zeros((D,), dtype=jnp.float32)
    W1 = jax.random.normal(ks[4], (D, H), dtype=jnp.float32) * (1.0 / np.sqrt(D))
    b1 = jnp.zeros((H,), dtype=jnp.float32)
    W2 = jax.random.normal(ks[5], (H, Z), dtype=jnp.float32) * (1.0 / np.sqrt(H))
    b2 = jnp.zeros((Z,), dtype=jnp.float32)
    eps = jnp.zeros((), dtype=jnp.float32)
    return {"x": x, "edge_index": edge_index, "edge_attr": edge_attr, "We": We, "be": be, "W1": W1, "b1": b1, "W2": W2, "b2": b2, "eps": eps}

def reference(x, edge_index, edge_attr, We, be, W1, b1, W2, b2, eps):
    # GINE-style conv: msg = relu(x[src] + lin_e(edge_attr)); aggr = scatter-sum to dst;
    # out = MLP((1+eps)*x + aggr); returns node embeddings (node_embeddings=True)
    src = edge_index[0]
    dst = edge_index[1]
    e = edge_attr @ We + be                      # [E, D]
    msg = jax.nn.relu(jnp.take(x, src, axis=0) + e)   # gather + fuse  [E, D]
    aggr = jax.ops.segment_sum(msg, dst, num_segments=x.shape[0])  # scatter-add [N, D]
    h = (1.0 + eps) * x + aggr
    h = jax.nn.relu(h @ W1 + b1)
    out = h @ W2 + b2                            # [N, Z] node embeddings
    return out

if __name__ == "__main__":
    import jax
    _d = setup_inputs()
    print(jax.jit(kernel)(*tuple(_d.values())))

</pallas_src>

<mosaic_0001>
#map = affine_map<(d0, d1) -> (0, 0)>
#map1 = affine_map<(d0, d1) -> (0, 0, 0, 0)>
#map2 = affine_map<(d0, d1) -> (0, 0, 0)>
module attributes {stable_mosaic.version = 14 : i64} {
  func.func @_sc_aggregate(%arg0: i32, %arg1: i32, %arg2: memref<10000x128xf32, #tpu.memory_space<hbm>>, %arg3: memref<320000x128xf32, #tpu.memory_space<hbm>>, %arg4: memref<2x32x250x40xi32, #tpu.memory_space<hbm>>, %arg5: memref<2x10000x128xf32, #tpu.memory_space<hbm>>, %arg6: memref<40xi32, #tpu.memory_space<vmem>>, %arg7: memref<40xi32, #tpu.memory_space<vmem>>, %arg8: memref<40xi32, #tpu.memory_space<vmem>>, %arg9: memref<40xi32, #tpu.memory_space<vmem>>, %arg10: memref<40xi32, #tpu.memory_space<vmem>>, %arg11: memref<40xi32, #tpu.memory_space<vmem>>, %arg12: memref<40xi32, #tpu.memory_space<vmem>>, %arg13: memref<40xi32, #tpu.memory_space<vmem>>, %arg14: memref<40x128xf32, #tpu.memory_space<vmem>>, %arg15: memref<40x128xf32, #tpu.memory_space<vmem>>, %arg16: memref<40x128xf32, #tpu.memory_space<vmem>>, %arg17: memref<40x128xf32, #tpu.memory_space<vmem>>, %arg18: memref<10000x128xf32, #tpu.memory_space<vmem_shared>>, %arg19: memref<!tpu.dma_semaphore, #tpu.memory_space<semaphore_mem>>, %arg20: memref<!tpu.dma_semaphore, #tpu.memory_space<semaphore_mem>>, %arg21: memref<!tpu.dma_semaphore, #tpu.memory_space<semaphore_mem>>, %arg22: memref<!tpu.dma_semaphore, #tpu.memory_space<semaphore_mem>>, %arg23: memref<!tpu.dma_semaphore, #tpu.memory_space<semaphore_mem>>, %arg24: memref<!tpu.dma_semaphore, #tpu.memory_space<semaphore_mem>>, %arg25: memref<!tpu.dma_semaphore, #tpu.memory_space<semaphore_mem>>, %arg26: memref<!tpu.dma_semaphore, #tpu.memory_space<semaphore_mem>>) attributes {dimension_semantics = [#tpu.dimension_semantics<core_parallel>, #tpu.dimension_semantics<subcore_parallel>], iteration_bounds = array<i64: 2, 16>, scalar_prefetch = 0 : i64, scratch_operands = 21 : i64, tpu.core_type = #tpu.core_type<sc_vector_subcore>, window_params = [{transform_indices = #map}, {transform_indices = #map}, {transform_indices = #map1}, {transform_indices = #map2}]} {
    %mul3A = arith.constant 2 : i32
    %mul3A_0 = arith.muli %arg1, %mul3A : i32
    %add3A = arith.addi %mul3A_0, %arg0 : i32
    %mul3A_1 = arith.constant 10000 : i32
    %mul3A_2 = arith.muli %add3A, %mul3A_1 : i32
    %mul3A_3 = arith.constant 640 : i32
    %mul3A_4 = arith.muli %arg1, %mul3A_3 : i32
    %eq3A = arith.constant 15 : i32
    %eq3A_5 = arith.cmpi eq, %arg1, %eq3A : i32
    %jit3A = arith.constant 400 : i32
    %jit3A_6 = arith.constant 640 : i32
    %select_n3A = arith.select %eq3A_5, %jit3A, %jit3A_6 : i32
    %scan3A = arith.constant 0 : i32
    %scan3A_7 = arith.constant 40 : i32
    %scan3A_8 = arith.addi %scan3A, %scan3A_7 : i32
    %scan3A_9 = arith.constant 1 : i32
    scf.for %scan3A_164 = %scan3A to %scan3A_8 step %scan3A_9  : i32 {
      %mul3A_165 = arith.constant 1 : i32
      %mul3A_166 = arith.muli %scan3A_164, %mul3A_165 : i32
      %add3A_167 = arith.constant 0 : i32
      %add3A_168 = arith.addi %add3A_167, %mul3A_166 : i32
      %broadcast_in_dim3A = arith.constant 0.000000e+00 : f32
      %broadcast_in_dim3A_169 = vector.broadcast %broadcast_in_dim3A : f32 to vector<16xf32>
      %swap3A = arith.index_cast %add3A_168 : i32 to index
      %swap3A_170 = arith.constant 0 : index
      %swap3A_171 = tpu.vector_load %arg14[%swap3A, %swap3A_170] {strides = array<i32>} : memref<40x128xf32, #tpu.memory_space<vmem>>, vector<1x16xf32>,
      %swap3A_172 = vector.shape_cast %swap3A_171 : vector<1x16xf32> to vector<16xf32>
      %swap3A_173 = vector.shape_cast %broadcast_in_dim3A_169 : vector<16xf32> to vector<1x16xf32>
      tpu.vector_store %arg14[%swap3A, %swap3A_170], %swap3A_173 {strides = array<i32>} : memref<40x128xf32, #tpu.memory_space<vmem>>, vector<1x16xf32>,
      %broadcast_in_dim3A_174 = arith.constant 0.000000e+00 : f32
      %broadcast_in_dim3A_175 = vector.broadcast %broadcast_in_dim3A_174 : f32 to vector<16xf32>
      %swap3A_176 = arith.index_cast %add3A_168 : i32 to index
      %swap3A_177 = arith.constant 16 : index
      %swap3A_178 = tpu.vector_load %arg14[%swap3A_176, %swap3A_177] {strides = array<i32>} : memref<40x128xf32, #tpu.memory_space<vmem>>, vector<1x16xf32>,
      %swap3A_179 = vector.shape_cast %swap3A_178 : vector<1x16xf32> to vector<16xf32>
      %swap3A_180 = vector.shape_cast %broadcast_in_dim3A_175 : vector<16xf32> to vector<1x16xf32>
      tpu.vector_store %arg14[%swap3A_176, %swap3A_177], %swap3A_180 {strides = array<i32>} : memref<40x128xf32, #tpu.memory_space<vmem>>, vector<1x16xf32>,
      %broadcast_in_dim3A_181 = arith.constant 0.000000e+00 : f32
      %broadcast_in_dim3A_182 = vector.broadcast %broadcast_in_dim3A_181 : f32 to vector<16xf32>
      %swap3A_183 = arith.index_cast %add3A_168 : i32 to index
      %swap3A_184 = arith.constant 32 : index
      %swap3A_185 = tpu.vector_load %arg14[%swap3A_183, %swap3A_184] {strides = array<i32>} : memref<40x128xf32, #tpu.memory_space<vmem>>, vector<1x16xf32>,
      %swap3A_186 = vector.shape_cast %swap3A_185 : vector<1x16xf32> to vector<16xf32>
      %swap3A_187 = vector.shape_cast %broadcast_in_dim3A_182 : vector<16xf32> to vector<1x16xf32>
      tpu.vector_store %arg14[%swap3A_183, %swap3A_184], %swap3A_187 {strides = array<i32>} : memref<40x128xf32, #tpu.memory_space<vmem>>, vector<1x16xf32>,
      %broadcast_in_dim3A_188 = arith.constant 0.000000e+00 : f32
      %broadcast_in_dim3A_189 = vector.broadcast %broadcast_in_dim3A_188 : f32 to vector<16xf32>
      %swap3A_190 = arith.index_cast %add3A_168 : i32 to index
      %swap3A_191 = arith.constant 48 : index
      %swap3A_192 = tpu.vector_load %arg14[%swap3A_190, %swap3A_191] {strides = array<i32>} : memref<40x128xf32, #tpu.memory_space<vmem>>, vector<1x16xf32>,
      %swap3A_193 = vector.shape_cast %swap3A_192 : vector<1x16xf32> to vector<16xf32>
      %swap3A_194 = vector.shape_cast %broadcast_in_dim3A_189 : vector<16xf32> to vector<1x16xf32>
      tpu.vector_store %arg14[%swap3A_190, %swap3A_191], %swap3A_194 {strides = array<i32>} : memref<40x128xf32, #tpu.memory_space<vmem>>, vector<1x16xf32>,
      %broadcast_in_dim3A_195 = arith.constant 0.000000e+00 : f32
      %broadcast_in_dim3A_196 = vector.broadcast %broadcast_in_dim3A_195 : f32 to vector<16xf32>
      %swap3A_197 = arith.index_cast %add3A_168 : i32 to index
      %swap3A_198 = arith.constant 64 : index
      %swap3A_199 = tpu.vector_load %arg14[%swap3A_197, %swap3A_198] {strides = array<i32>} : memref<40x128xf32, #tpu.memory_space<vmem>>, vector<1x16xf32>,
      %swap3A_200 = vector.shape_cast %swap3A_199 : vector<1x16xf32> to vector<16xf32>
      %swap3A_201 = vector.shape_cast %broadcast_in_dim3A_196 : vector<16xf32> to vector<1x16xf32>
      tpu.vector_store %arg14[%swap3A_197, %swap3A_198], %swap3A_201 {strides = array<i32>} : memref<40x128xf32, #tpu.memory_space<vmem>>, vector<1x16xf32>,
      %broadcast_in_dim3A_202 = arith.constant 0.000000e+00 : f32
      %broadcast_in_dim3A_203 = vector.broadcast %broadcast_in_dim3A_202 : f32 to vector<16xf32>
      %swap3A_204 = arith.index_cast %add3A_168 : i32 to index
      %swap3A_205 = arith.constant 80 : index
      %swap3A_206 = tpu.vector_load %arg14[%swap3A_204, %swap3A_205] {strides = array<i32>} : memref<40x128xf32, #tpu.memory_space<vmem>>, vector<1x16xf32>,
      %swap3A_207 = vector.shape_cast %swap3A_206 : vector<1x16xf32> to vector<16xf32>
      %swap3A_208 = vector.shape_cast %broadcast_in_dim3A_203 : vector<16xf32> to vector<1x16xf32>
      tpu.vector_store %arg14[%swap3A_204, %swap3A_205], %swap3A_208 {strides = array<i32>} : memref<40x128xf32, #tpu.memory_space<vmem>>, vector<1x16xf32>,
      %broadcast_in_dim3A_209 = arith.constant 0.000000e+00 : f32
      %broadcast_in_dim3A_210 = vector.broadcast %broadcast_in_dim3A_209 : f32 to vector<16xf32>
      %swap3A_211 = arith.index_cast %add3A_168 : i32 to index
      %swap3A_212 = arith.constant 96 : index
      %swap3A_213 = tpu.vector_load %arg14[%swap3A_211, %swap3A_212] {strides = array<i32>} : memref<40x128xf32, #tpu.memory_space<vmem>>, vector<1x16xf32>,
      %swap3A_214 = vector.shape_cast %swap3A_213 : vector<1x16xf32> to vector<16xf32>
      %swap3A_215 = vector.shape_cast %broadcast_in_dim3A_210 : vector<16xf32> to vector<1x16xf32>
      tpu.vector_store %arg14[%swap3A_211, %swap3A_212], %swap3A_215 {strides = array<i32>} : memref<40x128xf32, #tpu.memory_space<vmem>>, vector<1x16xf32>,
      %broadcast_in_dim3A_216 = arith.constant 0.000000e+00 : f32
      %broadcast_in_dim3A_217 = vector.broadcast %broadcast_in_dim3A_216 : f32 to vector<16xf32>
      %swap3A_218 = arith.index_cast %add3A_168 : i32 to index
      %swap3A_219 = arith.constant 112 : index
      %swap3A_220 = tpu.vector_load %arg14[%swap3A_218, %swap3A_219] {strides = array<i32>} : memref<40x128xf32, #tpu.memory_space<vmem>>, vector<1x16xf32>,
      %swap3A_221 = vector.shape_cast %swap3A_220 : vector<1x16xf32> to vector<16xf32>
      %swap3A_222 = vector.shape_cast %broadcast_in_dim3A_217 : vector<16xf32> to vector<1x16xf32>
      tpu.vector_store %arg14[%swap3A_218, %swap3A_219], %swap3A_222 {strides = array<i32>} : memref<40x128xf32, #tpu.memory_space<vmem>>, vector<1x16xf32>,
    }
    %scan3A_10 = arith.constant 40 : i32
    %sub3A = arith.constant 0 : i32
    %sub3A_11 = arith.subi %select_n3A, %sub3A : i32
    %sub3A_12 = arith.constant 40 : i32
    %sub3A_13 = arith.constant 1 : i32
    %sub3A_14 = arith.subi %sub3A_12, %sub3A_13 : i32
    %add3A_15 = arith.addi %sub3A_11, %sub3A_14 : i32
    %div3A = arith.constant 40 : i32
    %div3A_16 = arith.divsi %add3A_15, %div3A : i32
    %while3A = arith.constant 40 : i32
    %while3A_17 = arith.constant 0 : i32
    %while3A_18 = arith.constant 0 : i32
    %while3A_19 = arith.subi %div3A_16, %while3A_18 : i32
    %while3A_20 = arith.addi %while3A_18, %while3A_19 : i32
    %while3A_21 = arith.constant 1 : i32
    %while3A_22 = arith.divsi %while3A_19, %while3A_21 : i32
    %while3A_23 = arith.muli %while3A_22, %while3A_21 : i32
    %while3A_24 = arith.addi %while3A_18, %while3A_23 : i32
    %while3A_25 = arith.constant 1 : i32
    scf.for %while3A_164 = %while3A_18 to %while3A_24 step %while3A_25  : i32 {
      %mul3A_165 = arith.muli %while3A_164, %while3A : i32
      %add3A_166 = arith.addi %while3A_17, %mul3A_165 : i32
      %add3A_167 = arith.addi %mul3A_4, %add3A_166 : i32
      "tpu.region"() ({
        %run_scoped3A = tpu.sem_alloc : memref<!tpu.dma_semaphore, #tpu.memory_space<semaphore_mem>>
        %dma_start3A_168 = arith.constant 0 : i32
        %dma_start3A_169 = tpu.memref_slice %arg18[%add3A_167, %dma_start3A_168] : memref<10000x128xf32, #tpu.memory_space<vmem_shared>> -> memref<40x128xf32, #tpu.memory_space<vmem_shared>>
        %dma_start3A_170 = arith.constant 0 : i32
        %dma_start3A_171 = tpu.memref_slice %arg18[%add3A_167, %dma_start3A_170] : memref<10000x128xf32, #tpu.memory_space<vmem_shared>> -> memref<40x128xf32, #tpu.memory_space<vmem_shared>>
        tpu.enqueue_dma source(%arg14 : memref<40x128xf32, #tpu.memory_space<vmem>>) target(%dma_start3A_171 : memref<40x128xf32, #tpu.memory_space<vmem_shared>>) target_semaphore(%run_scoped3A : memref<!tpu.dma_semaphore, #tpu.memory_space<semaphore_mem>>)
        %dma_wait3A_172 = arith.constant 0 : i32
        %dma_wait3A_173 = tpu.memref_slice %arg18[%add3A_167, %dma_wait3A_172] : memref<10000x128xf32, #tpu.memory_space<vmem_shared>> -> memref<40x128xf32, #tpu.memory_space<vmem_shared>>
        %dma_wait3A_174 = arith.constant 0 : i32
        %dma_wait3A_175 = tpu.memref_slice %arg18[%add3A_167, %dma_wait3A_174] : memref<10000x128xf32, #tpu.memory_space<vmem_shared>> -> memref<40x128xf32, #tpu.memory_space<vmem_shared>>
        tpu.wait_dma2 semaphore(%run_scoped3A : memref<!tpu.dma_semaphore, #tpu.memory_space<semaphore_mem>>) src(%arg14 : memref<40x128xf32, #tpu.memory_space<vmem>>) dst(%dma_wait3A_175 : memref<40x128xf32, #tpu.memory_space<vmem_shared>>)
        tpu.yield
      }) : () -> ()
    }
    %while3A_26 = arith.constant 1 : i32
    scf.for %while3A_164 = %while3A_24 to %while3A_20 step %while3A_26  : i32 {
      %mul3A_165 = arith.muli %while3A_164, %while3A : i32
      %add3A_166 = arith.addi %while3A_17, %mul3A_165 : i32
      %add3A_167 = arith.addi %mul3A_4, %add3A_166 : i32
      "tpu.region"() ({
        %run_scoped3A = tpu.sem_alloc : memref<!tpu.dma_semaphore, #tpu.memory_space<semaphore_mem>>
        %dma_start3A_168 = arith.constant 0 : i32
        %dma_start3A_169 = tpu.memref_slice %arg18[%add3A_167, %dma_start3A_168] : memref<10000x128xf32, #tpu.memory_space<vmem_shared>> -> memref<40x128xf32, #tpu.memory_space<vmem_shared>>
        %dma_start3A_170 = arith.constant 0 : i32
        %dma_start3A_171 = tpu.memref_slice %arg18[%add3A_167, %dma_start3A_170] : memref<10000x128xf32, #tpu.memory_space<vmem_shared>> -> memref<40x128xf32, #tpu.memory_space<vmem_shared>>
        tpu.enqueue_dma source(%arg14 : memref<40x128xf32, #tpu.memory_space<vmem>>) target(%dma_start3A_171 : memref<40x128xf32, #tpu.memory_space<vmem_shared>>) target_semaphore(%run_scoped3A : memref<!tpu.dma_semaphore, #tpu.memory_space<semaphore_mem>>)
        %dma_wait3A_172 = arith.constant 0 : i32
        %dma_wait3A_173 = tpu.memref_slice %arg18[%add3A_167, %dma_wait3A_172] : memref<10000x128xf32, #tpu.memory_space<vmem_shared>> -> memref<40x128xf32, #tpu.memory_space<vmem_shared>>
        %dma_wait3A_174 = arith.constant 0 : i32
        %dma_wait3A_175 = tpu.memref_slice %arg18[%add3A_167, %dma_wait3A_174] : memref<10000x128xf32, #tpu.memory_space<vmem_shared>> -> memref<40x128xf32, #tpu.memory_space<vmem_shared>>
        tpu.wait_dma2 semaphore(%run_scoped3A : memref<!tpu.dma_semaphore, #tpu.memory_space<semaphore_mem>>) src(%arg14 : memref<40x128xf32, #tpu.memory_space<vmem>>) dst(%dma_wait3A_175 : memref<40x128xf32, #tpu.memory_space<vmem_shared>>)
        tpu.yield
      }) : () -> ()
    }
    %dma_start3A = arith.constant 0 : i32
    %dma_start3A_27 = arith.constant 0 : i32
    %dma_start3A_28 = arith.constant 0 : i32
    %dma_start3A_29 = tpu.memref_slice %arg4[%dma_start3A, %add3A, %dma_start3A_27, %dma_start3A_28] : memref<2x32x250x40xi32, #tpu.memory_space<hbm>> -> memref<1x1x1x40xi32, #tpu.memory_space<hbm>>
    %dma_start3A_30 = tpu.memref_squeeze %dma_start3A_29 : memref<1x1x1x40xi32, #tpu.memory_space<hbm>> -> memref<40xi32, #tpu.memory_space<hbm>>
    %dma_start3A_31 = arith.constant 0 : i32
    %dma_start3A_32 = tpu.memref_slice %arg4[%dma_start3A, %add3A, %dma_start3A_27, %dma_start3A_31] : memref<2x32x250x40xi32, #tpu.memory_space<hbm>> -> memref<1x1x1x40xi32, #tpu.memory_space<hbm>>
    %dma_start3A_33 = tpu.memref_squeeze %dma_start3A_32 : memref<1x1x1x40xi32, #tpu.memory_space<hbm>> -> memref<40xi32, #tpu.memory_space<hbm>>
    tpu.enqueue_dma source(%dma_start3A_33 : memref<40xi32, #tpu.memory_space<hbm>>) target(%arg6 : memref<40xi32, #tpu.memory_space<vmem>>) target_semaphore(%arg19 : memref<!tpu.dma_semaphore, #tpu.memory_space<semaphore_mem>>)
    %dma_start3A_34 = arith.constant 1 : i32
    %dma_start3A_35 = arith.constant 0 : i32
    %dma_start3A_36 = arith.constant 0 : i32
    %dma_start3A_37 = tpu.memref_slice %arg4[%dma_start3A_34, %add3A, %dma_start3A_35, %dma_start3A_36] : memref<2x32x250x40xi32, #tpu.memory_space<hbm>> -> memref<1x1x1x40xi32, #tpu.memory_space<hbm>>
    %dma_start3A_38 = tpu.memref_squeeze %dma_start3A_37 : memref<1x1x1x40xi32, #tpu.memory_space<hbm>> -> memref<40xi32, #tpu.memory_space<hbm>>
    %dma_start3A_39 = arith.constant 0 : i32
    %dma_start3A_40 = tpu.memref_slice %arg4[%dma_start3A_34, %add3A, %dma_start3A_35, %dma_start3A_39] : memref<2x32x250x40xi32, #tpu.memory_space<hbm>> -> memref<1x1x1x40xi32, #tpu.memory_space<hbm>>
    %dma_start3A_41 = tpu.memref_squeeze %dma_start3A_40 : memref<1x1x1x40xi32, #tpu.memory_space<hbm>> -> memref<40xi32, #tpu.memory_space<hbm>>
    tpu.enqueue_dma source(%dma_start3A_41 : memref<40xi32, #tpu.memory_space<hbm>>) target(%arg10 : memref<40xi32, #tpu.memory_space<vmem>>) target_semaphore(%arg19 : memref<!tpu.dma_semaphore, #tpu.memory_space<semaphore_mem>>)
    %dma_start3A_42 = arith.constant 0 : i32
    %dma_start3A_43 = arith.constant 1 : i32
    %dma_start3A_44 = arith.constant 0 : i32
    %dma_start3A_45 = tpu.memref_slice %arg4[%dma_start3A_42, %add3A, %dma_start3A_43, %dma_start3A_44] : memref<2x32x250x40xi32, #tpu.memory_space<hbm>> -> memref<1x1x1x40xi32, #tpu.memory_space<hbm>>
    %dma_start3A_46 = tpu.memref_squeeze %dma_start3A_45 : memref<1x1x1x40xi32, #tpu.memory_space<hbm>> -> memref<40xi32, #tpu.memory_space<hbm>>
    %dma_start3A_47 = arith.constant 0 : i32
    %dma_start3A_48 = tpu.memref_slice %arg4[%dma_start3A_42, %add3A, %dma_start3A_43, %dma_start3A_47] : memref<2x32x250x40xi32, #tpu.memory_space<hbm>> -> memref<1x1x1x40xi32, #tpu.memory_space<hbm>>
    %dma_start3A_49 = tpu.memref_squeeze %dma_start3A_48 : memref<1x1x1x40xi32, #tpu.memory_space<hbm>> -> memref<40xi32, #tpu.memory_space<hbm>>
    tpu.enqueue_dma source(%dma_start3A_49 : memref<40xi32, #tpu.memory_space<hbm>>) target(%arg7 : memref<40xi32, #tpu.memory_space<vmem>>) target_semaphore(%arg20 : memref<!tpu.dma_semaphore, #tpu.memory_space<semaphore_mem>>)
    %dma_start3A_50 = arith.constant 1 : i32
    %dma_start3A_51 = arith.constant 1 : i32
    %dma_start3A_52 = arith.constant 0 : i32
    %dma_start3A_53 = tpu.memref_slice %arg4[%dma_start3A_50, %add3A, %dma_start3A_51, %dma_start3A_52] : memref<2x32x250x40xi32, #tpu.memory_space<hbm>> -> memref<1x1x1x40xi32, #tpu.memory_space<hbm>>
    %dma_start3A_54 = tpu.memref_squeeze %dma_start3A_53 : memref<1x1x1x40xi32, #tpu.memory_space<hbm>> -> memref<40xi32, #tpu.memory_space<hbm>>
    %dma_start3A_55 = arith.constant 0 : i32
    %dma_start3A_56 = tpu.memref_slice %arg4[%dma_start3A_50, %add3A, %dma_start3A_51, %dma_start3A_55] : memref<2x32x250x40xi32, #tpu.memory_space<hbm>> -> memref<1x1x1x40xi32, #tpu.memory_space<hbm>>
    %dma_start3A_57 = tpu.memref_squeeze %dma_start3A_56 : memref<1x1x1x40xi32, #tpu.memory_space<hbm>> -> memref<40xi32, #tpu.memory_space<hbm>>
    tpu.enqueue_dma source(%dma_start3A_57 : memref<40xi32, #tpu.memory_space<hbm>>) target(%arg11 : memref<40xi32, #tpu.memory_space<vmem>>) target_semaphore(%arg20 : memref<!tpu.dma_semaphore, #tpu.memory_space<semaphore_mem>>)
    %dma_start3A_58 = arith.constant 0 : i32
    %dma_start3A_59 = arith.constant 2 : i32
    %dma_start3A_60 = arith.constant 0 : i32
    %dma_start3A_61 = tpu.memref_slice %arg4[%dma_start3A_58, %add3A, %dma_start3A_59, %dma_start3A_60] : memref<2x32x250x40xi32, #tpu.memory_space<hbm>> -> memref<1x1x1x40xi32, #tpu.memory_space<hbm>>
    %dma_start3A_62 = tpu.memref_squeeze %dma_start3A_61 : memref<1x1x1x40xi32, #tpu.memory_space<hbm>> -> memref<40xi32, #tpu.memory_space<hbm>>
    %dma_start3A_63 = arith.constant 0 : i32
    %dma_start3A_64 = tpu.memref_slice %arg4[%dma_start3A_58, %add3A, %dma_start3A_59, %dma_start3A_63] : memref<2x32x250x40xi32, #tpu.memory_space<hbm>> -> memref<1x1x1x40xi32, #tpu.memory_space<hbm>>
    %dma_start3A_65 = tpu.memref_squeeze %dma_start3A_64 : memref<1x1x1x40xi32, #tpu.memory_space<hbm>> -> memref<40xi32, #tpu.memory_space<hbm>>
    tpu.enqueue_dma source(%dma_start3A_65 : memref<40xi32, #tpu.memory_space<hbm>>) target(%arg8 : memref<40xi32, #tpu.memory_space<vmem>>) target_semaphore(%arg21 : memref<!tpu.dma_semaphore, #tpu.memory_space<semaphore_mem>>)
    %dma_start3A_66 = arith.constant 1 : i32
    %dma_start3A_67 = arith.constant 2 : i32
    %dma_start3A_68 = arith.constant 0 : i32
    %dma_start3A_69 = tpu.memref_slice %arg4[%dma_start3A_66, %add3A, %dma_start3A_67, %dma_start3A_68] : memref<2x32x250x40xi32, #tpu.memory_space<hbm>> -> memref<1x1x1x40xi32, #tpu.memory_space<hbm>>
    %dma_start3A_70 = tpu.memref_squeeze %dma_start3A_69 : memref<1x1x1x40xi32, #tpu.memory_space<hbm>> -> memref<40xi32, #tpu.memory_space<hbm>>
    %dma_start3A_71 = arith.constant 0 : i32
    %dma_start3A_72 = tpu.memref_slice %arg4[%dma_start3A_66, %add3A, %dma_start3A_67, %dma_start3A_71] : memref<2x32x250x40xi32, #tpu.memory_space<hbm>> -> memref<1x1x1x40xi32, #tpu.memory_space<hbm>>
    %dma_start3A_73 = tpu.memref_squeeze %dma_start3A_72 : memref<1x1x1x40xi32, #tpu.memory_space<hbm>> -> memref<40xi32, #tpu.memory_space<hbm>>
    tpu.enqueue_dma source(%dma_start3A_73 : memref<40xi32, #tpu.memory_space<hbm>>) target(%arg12 : memref<40xi32, #tpu.memory_space<vmem>>) target_semaphore(%arg21 : memref<!tpu.dma_semaphore, #tpu.memory_space<semaphore_mem>>)
    %barrier3A = arith.constant 0 : index
    tpu.barrier barrier_id(%barrier3A)
    %dma_wait3A = arith.constant 0 : i32
    %dma_wait3A_74 = arith.constant 0 : i32
    %dma_wait3A_75 = arith.constant 0 : i32
    %dma_wait3A_76 = tpu.memref_slice %arg4[%dma_wait3A, %add3A, %dma_wait3A_74, %dma_wait3A_75] : memref<2x32x250x40xi32, #tpu.memory_space<hbm>> -> memref<1x1x1x40xi32, #tpu.memory_space<hbm>>
    %dma_wait3A_77 = tpu.memref_squeeze %dma_wait3A_76 : memref<1x1x1x40xi32, #tpu.memory_space<hbm>> -> memref<40xi32, #tpu.memory_space<hbm>>
    %dma_wait3A_78 = arith.constant 0 : i32
    %dma_wait3A_79 = tpu.memref_slice %arg4[%dma_wait3A, %add3A, %dma_wait3A_74, %dma_wait3A_78] : memref<2x32x250x40xi32, #tpu.memory_space<hbm>> -> memref<1x1x1x40xi32, #tpu.memory_space<hbm>>
    %dma_wait3A_80 = tpu.memref_squeeze %dma_wait3A_79 : memref<1x1x1x40xi32, #tpu.memory_space<hbm>> -> memref<40xi32, #tpu.memory_space<hbm>>
    tpu.wait_dma2 semaphore(%arg19 : memref<!tpu.dma_semaphore, #tpu.memory_space<semaphore_mem>>) src(%dma_wait3A_80 : memref<40xi32, #tpu.memory_space<hbm>>) dst(%arg6 : memref<40xi32, #tpu.memory_space<vmem>>)
    %dma_wait3A_81 = arith.constant 1 : i32
    %dma_wait3A_82 = arith.constant 0 : i32
    %dma_wait3A_83 = arith.constant 0 : i32
    %dma_wait3A_84 = tpu.memref_slice %arg4[%dma_wait3A_81, %add3A, %dma_wait3A_82, %dma_wait3A_83] : memref<2x32x250x40xi32, #tpu.memory_space<hbm>> -> memref<1x1x1x40xi32, #tpu.memory_space<hbm>>
    %dma_wait3A_85 = tpu.memref_squeeze %dma_wait3A_84 : memref<1x1x1x40xi32, #tpu.memory_space<hbm>> -> memref<40xi32, #tpu.memory_space<hbm>>
    %dma_wait3A_86 = arith.constant 0 : i32
    %dma_wait3A_87 = tpu.memref_slice %arg4[%dma_wait3A_81, %add3A, %dma_wait3A_82, %dma_wait3A_86] : memref<2x32x250x40xi32, #tpu.memory_space<hbm>> -> memref<1x1x1x40xi32, #tpu.memory_space<hbm>>
    %dma_wait3A_88 = tpu.memref_squeeze %dma_wait3A_87 : memref<1x1x1x40xi32, #tpu.memory_space<hbm>> -> memref<40xi32, #tpu.memory_space<hbm>>
    tpu.wait_dma2 semaphore(%arg19 : memref<!tpu.dma_semaphore, #tpu.memory_space<semaphore_mem>>) src(%dma_wait3A_88 : memref<40xi32, #tpu.memory_space<hbm>>) dst(%arg10 : memref<40xi32, #tpu.memory_space<vmem>>)
    %dma_start3A_89 = arith.constant 0 : i32
    %dma_start3A_90 = arith.constant 0 : i32
    %dma_start3A_91 = tpu.memref_slice %arg2[%dma_start3A_89, %dma_start3A_90] : memref<10000x128xf32, #tpu.memory_space<hbm>> -> memref<10000x128xf32, #tpu.memory_space<hbm>>
    tpu.enqueue_indirect_dma source(%dma_start3A_91 : memref<10000x128xf32, #tpu.memory_space<hbm>>) target(%arg14 : memref<40x128xf32, #tpu.memory_space<vmem>>) offsets(%arg6 : memref<40xi32, #tpu.memory_space<vmem>>) semaphore(%arg23 : memref<!tpu.dma_semaphore, #tpu.memory_space<semaphore_mem>>)
    %add3A_92 = arith.constant 0 : i32
    %add3A_93 = arith.addi %mul3A_2, %add3A_92 : i32
    %dma_start3A_94 = arith.constant 0 : i32
    %dma_start3A_95 = tpu.memref_slice %arg3[%add3A_93, %dma_start3A_94] : memref<320000x128xf32, #tpu.memory_space<hbm>> -> memref<40x128xf32, #tpu.memory_space<hbm>>
    %dma_start3A_96 = arith.constant 0 : i32
    %dma_start3A_97 = tpu.memref_slice %arg3[%add3A_93, %dma_start3A_96] : memref<320000x128xf32, #tpu.memory_space<hbm>> -> memref<40x128xf32, #tpu.memory_space<hbm>>
    tpu.enqueue_dma source(%dma_start3A_97 : memref<40x128xf32, #tpu.memory_space<hbm>>) target(%arg16 : memref<40x128xf32, #tpu.memory_space<vmem>>) target_semaphore(%arg25 : memref<!tpu.dma_semaphore, #tpu.memory_space<semaphore_mem>>)
    %scan3A_98 = arith.constant 0 : i32
    %scan3A_99 = arith.constant 62 : i32
    %scan3A_100 = arith.addi %scan3A_98, %scan3A_99 : i32
    %scan3A_101 = arith.constant 1 : i32
    scf.for %scan3A_164 = %scan3A_98 to %scan3A_100 step %scan3A_101  : i32 {
      %mul3A_165 = arith.constant 4 : i32
      %mul3A_166 = arith.muli %scan3A_164, %mul3A_165 : i32
      %add3A_167 = arith.constant 0 : i32
      %add3A_168 = arith.addi %add3A_167, %mul3A_166 : i32
      %add3A_169 = arith.constant 3 : i32
      %add3A_170 = arith.addi %add3A_168, %add3A_169 : i32
      %dma_start3A_171 = arith.constant 0 : i32
      %dma_start3A_172 = arith.constant 0 : i32
      %dma_start3A_173 = tpu.memref_slice %arg4[%dma_start3A_171, %add3A, %add3A_170, %dma_start3A_172] : memref<2x32x250x40xi32, #tpu.memory_space<hbm>> -> memref<1x1x1x40xi32, #tpu.memory_space<hbm>>
      %dma_start3A_174 = tpu.memref_squeeze %dma_start3A_173 : memref<1x1x1x40xi32, #tpu.memory_space<hbm>> -> memref<40xi32, #tpu.memory_space<hbm>>
      %dma_start3A_175 = arith.constant 0 : i32
      %dma_start3A_176 = tpu.memref_slice %arg4[%dma_start3A_171, %add3A, %add3A_170, %dma_start3A_175] : memref<2x32x250x40xi32, #tpu.memory_space<hbm>> -> memref<1x1x1x40xi32, #tpu.memory_space<hbm>>
      %dma_start3A_177 = tpu.memref_squeeze %dma_start3A_176 : memref<1x1x1x40xi32, #tpu.memory_space<hbm>> -> memref<40xi32, #tpu.memory_space<hbm>>
      tpu.enqueue_dma source(%dma_start3A_177 : memref<40xi32, #tpu.memory_space<hbm>>) target(%arg9 : memref<40xi32, #tpu.memory_space<vmem>>) target_semaphore(%arg22 : memref<!tpu.dma_semaphore, #tpu.memory_space<semaphore_mem>>)
      %dma_start3A_178 = arith.constant 1 : i32
      %dma_start3A_179 = arith.constant 0 : i32
      %dma_start3A_180 = tpu.memref_slice %arg4[%dma_start3A_178, %add3A, %add3A_170, %dma_start3A_179] : memref<2x32x250x40xi32, #tpu.memory_space<hbm>> -> memref<1x1x1x40xi32, #tpu.memory_space<hbm>>
      %dma_start3A_181 = tpu.memref_squeeze %dma_start3A_180 : memref<1x1x1x40xi32, #tpu.memory_space<hbm>> -> memref<40xi32, #tpu.memory_space<hbm>>
      %dma_start3A_182 = arith.constant 0 : i32
      %dma_start3A_183 = tpu.memref_slice %arg4[%dma_start3A_178, %add3A, %add3A_170, %dma_start3A_182] : memref<2x32x250x40xi32, #tpu.memory_space<hbm>> -> memref<1x1x1x40xi32, #tpu.memory_space<hbm>>
      %dma_start3A_184 = tpu.memref_squeeze %dma_start3A_183 : memref<1x1x1x40xi32, #tpu.memory_space<hbm>> -> memref<40xi32, #tpu.memory_space<hbm>>
      tpu.enqueue_dma source(%dma_start3A_184 : memref<40xi32, #tpu.memory_space<hbm>>) target(%arg13 : memref<40xi32, #tpu.memory_space<vmem>>) target_semaphore(%arg22 : memref<!tpu.dma_semaphore, #tpu.memory_space<semaphore_mem>>)
      %add3A_185 = arith.constant 0 : i32
      %add3A_186 = arith.addi %add3A_168, %add3A_185 : i32
      %add3A_187 = arith.constant 1 : i32
      %add3A_188 = arith.addi %add3A_186, %add3A_187 : i32
      %dma_wait3A_189 = arith.constant 0 : i32
      %dma_wait3A_190 = arith.constant 0 : i32
      %dma_wait3A_191 = tpu.memref_slice %arg4[%dma_wait3A_189, %add3A, %add3A_188, %dma_wait3A_190] : memref<2x32x250x40xi32, #tpu.memory_space<hbm>> -> memref<1x1x1x40xi32, #tpu.memory_space<hbm>>
      %dma_wait3A_192 = tpu.memref_squeeze %dma_wait3A_191 : memref<1x1x1x40xi32, #tpu.memory_space<hbm>> -> memref<40xi32, #tpu.memory_space<hbm>>
      %dma_wait3A_193 = arith.constant 0 : i32
      %dma_wait3A_194 = tpu.memref_slice %arg4[%dma_wait3A_189, %add3A, %add3A_188, %dma_wait3A_193] : memref<2x32x250x40xi32, #tpu.memory_space<hbm>> -> memref<1x1x1x40xi32, #tpu.memory_space<hbm>>
      %dma_wait3A_195 = tpu.memref_squeeze %dma_wait3A_194 : memref<1x1x1x40xi32, #tpu.memory_space<hbm>> -> memref<40xi32, #tpu.memory_space<hbm>>
      tpu.wait_dma2 semaphore(%arg20 : memref<!tpu.dma_semaphore, #tpu.memory_space<semaphore_mem>>) src(%dma_wait3A_195 : memref<40xi32, #tpu.memory_space<hbm>>) dst(%arg7 : memref<40xi32, #tpu.memory_space<vmem>>)
      %dma_wait3A_196 = arith.constant 1 : i32
      %dma_wait3A_197 = arith.constant 0 : i32
      %dma_wait3A_198 = tpu.memref_slice %arg4[%dma_wait3A_196, %add3A, %add3A_188, %dma_wait3A_197] : memref<2x32x250x40xi32, #tpu.memory_space<hbm>> -> memref<1x1x1x40xi32, #tpu.memory_space<hbm>>
      %dma_wait3A_199 = tpu.memref_squeeze %dma_wait3A_198 : memref<1x1x1x40xi32, #tpu.memory_space<hbm>> -> memref<40xi32, #tpu.memory_space<hbm>>
      %dma_wait3A_200 = arith.constant 0 : i32
      %dma_wait3A_201 = tpu.memref_slice %arg4[%dma_wait3A_196, %add3A, %add3A_188, %dma_wait3A_200] : memref<2x32x250x40xi32, #tpu.memory_space<hbm>> -> memref<1x1x1x40xi32, #tpu.memory_space<hbm>>
      %dma_wait3A_202 = tpu.memref_squeeze %dma_wait3A_201 : memref<1x1x1x40xi32, #tpu.memory_space<hbm>> -> memref<40xi32, #tpu.memory_space<hbm>>
      tpu.wait_dma2 semaphore(%arg20 : memref<!tpu.dma_semaphore, #tpu.memory_space<semaphore_mem>>) src(%dma_wait3A_202 : memref<40xi32, #tpu.memory_space<hbm>>) dst(%arg11 : memref<40xi32, #tpu.memory_space<vmem>>)
      %add3A_203 = arith.constant 1 : i32
      %add3A_204 = arith.addi %add3A_186, %add3A_203 : i32
      %dma_start3A_205 = arith.constant 0 : i32
      %dma_start3A_206 = arith.constant 0 : i32
      %dma_start3A_207 = tpu.memref_slice %arg2[%dma_start3A_205, %dma_start3A_206] : memref<10000x128xf32, #tpu.memory_space<hbm>> -> memref<10000x128xf32, #tpu.memory_space<hbm>>
      tpu.enqueue_indirect_dma source(%dma_start3A_207 : memref<10000x128xf32, #tpu.memory_space<hbm>>) target(%arg15 : memref<40x128xf32, #tpu.memory_space<vmem>>) offsets(%arg7 : memref<40xi32, #tpu.memory_space<vmem>>) semaphore(%arg24 : memref<!tpu.dma_semaphore, #tpu.memory_space<semaphore_mem>>)
      %mul3A_208 = arith.constant 40 : i32
      %mul3A_209 = arith.muli %add3A_204, %mul3A_208 : i32
      %add3A_210 = arith.addi %mul3A_2, %mul3A_209 : i32
      %dma_start3A_211 = arith.constant 0 : i32
      %dma_start3A_212 = tpu.memref_slice %arg3[%add3A_210, %dma_start3A_211] : memref<320000x128xf32, #tpu.memory_space<hbm>> -> memref<40x128xf32, #tpu.memory_space<hbm>>
      %dma_start3A_213 = arith.constant 0 : i32
      %dma_start3A_214 = tpu.memref_slice %arg3[%add3A_210, %dma_start3A_213] : memref<320000x128xf32, #tpu.memory_space<hbm>> -> memref<40x128xf32, #tpu.memory_space<hbm>>
      tpu.enqueue_dma source(%dma_start3A_214 : memref<40x128xf32, #tpu.memory_space<hbm>>) target(%arg17 : memref<40x128xf32, #tpu.memory_space<vmem>>) target_semaphore(%arg26 : memref<!tpu.dma_semaphore, #tpu.memory_space<semaphore_mem>>)
      %dma_wait3A_215 = arith.constant 0 : i32
      %dma_wait3A_216 = arith.constant 0 : i32
      %dma_wait3A_217 = tpu.memref_slice %arg2[%dma_wait3A_215, %dma_wait3A_216] : memref<10000x128xf32, #tpu.memory_space<hbm>> -> memref<10000x128xf32, #tpu.memory_space<hbm>>
      tpu.wait_indirect_dma semaphore(%arg23 : memref<!tpu.dma_semaphore, #tpu.memory_space<semaphore_mem>>) src(%dma_wait3A_217 : memref<10000x128xf32, #tpu.memory_space<hbm>>) dst(%arg14 : memref<40x128xf32, #tpu.memory_space<vmem>>)
      %mul3A_218 = arith.constant 40 : i32
      %mul3A_219 = arith.muli %add3A_186, %mul3A_218 : i32
      %add3A_220 = arith.addi %mul3A_2, %mul3A_219 : i32
      %dma_wait3A_221 = arith.constant 0 : i32
      %dma_wait3A_222 = tpu.memref_slice %arg3[%add3A_220, %dma_wait3A_221] : memref<320000x128xf32, #tpu.memory_space<hbm>> -> memref<40x128xf32, #tpu.memory_space<hbm>>
      %dma_wait3A_223 = arith.constant 0 : i32
      %dma_wait3A_224 = tpu.memref_slice %arg3[%add3A_220, %dma_wait3A_223] : memref<320000x128xf32, #tpu.memory_space<hbm>> -> memref<40x128xf32, #tpu.memory_space<hbm>>
      tpu.wait_dma2 semaphore(%arg25 : memref<!tpu.dma_semaphore, #tpu.memory_space<semaphore_mem>>) src(%dma_wait3A_224 : memref<40x128xf32, #tpu.memory_space<hbm>>) dst(%arg16 : memref<40x128xf32, #tpu.memory_space<vmem>>)
      %scan3A_225 = arith.constant 0 : i32
      %scan3A_226 = arith.constant 40 : i32
      %scan3A_227 = arith.addi %scan3A_225, %scan3A_226 : i32
      %scan3A_228 = arith.constant 1 : i32
      scf.for %scan3A_404 = %scan3A_225 to %scan3A_227 step %scan3A_228  : i32 {
        %mul3A_405 = arith.constant 1 : i32
        %mul3A_406 = arith.muli %scan3A_404, %mul3A_405 : i32
        %add3A_407 = arith.constant 0 : i32
        %add3A_408 = arith.addi %add3A_407, %mul3A_406 : i32
        %get3A = arith.index_cast %add3A_408 : i32 to index
        %get3A_409 = arith.constant 0 : index
        %get3A_410 = tpu.vector_load %arg14[%get3A, %get3A_409] {strides = array<i32>} : memref<40x128xf32, #tpu.memory_space<vmem>>, vector<1x16xf32>,
        %get3A_411 = vector.shape_cast %get3A_410 : vector<1x16xf32> to vector<16xf32>
        %get3A_412 = arith.index_cast %add3A_408 : i32 to index
        %get3A_413 = arith.constant 0 : index
        %get3A_414 = tpu.vector_load %arg16[%get3A_412, %get3A_413] {strides = array<i32>} : memref<40x128xf32, #tpu.memory_space<vmem>>, vector<1x16xf32>,
        %get3A_415 = vector.shape_cast %get3A_414 : vector<1x16xf32> to vector<16xf32>
        %add3A_416 = arith.addf %get3A_411, %get3A_415 : vector<16xf32>
        %max3A = arith.constant 0.000000e+00 : f32
        %max3A_417 = vector.broadcast %max3A : f32 to vector<16xf32>
        %max3A_418 = arith.maximumf %add3A_416, %max3A_417 : vector<16xf32>
        %swap3A = arith.index_cast %add3A_408 : i32 to index
        %swap3A_419 = arith.constant 0 : index
        %swap3A_420 = tpu.vector_load %arg14[%swap3A, %swap3A_419] {strides = array<i32>} : memref<40x128xf32, #tpu.memory_space<vmem>>, vector<1x16xf32>,
        %swap3A_421 = vector.shape_cast %swap3A_420 : vector<1x16xf32> to vector<16xf32>
        %swap3A_422 = vector.shape_cast %max3A_418 : vector<16xf32> to vector<1x16xf32>
        tpu.vector_store %arg14[%swap3A, %swap3A_419], %swap3A_422 {strides = array<i32>} : memref<40x128xf32, #tpu.memory_space<vmem>>, vector<1x16xf32>,
        %get3A_423 = arith.index_cast %add3A_408 : i32 to index
        %get3A_424 = arith.constant 16 : index
        %get3A_425 = tpu.vector_load %arg14[%get3A_423, %get3A_424] {strides = array<i32>} : memref<40x128xf32, #tpu.memory_space<vmem>>, vector<1x16xf32>,
        %get3A_426 = vector.shape_cast %get3A_425 : vector<1x16xf32> to vector<16xf32>
        %get3A_427 = arith.index_cast %add3A_408 : i32 to index
        %get3A_428 = arith.constant 16 : index
        %get3A_429 = tpu.vector_load %arg16[%get3A_427, %get3A_428] {strides = array<i32>} : memref<40x128xf32, #tpu.memory_space<vmem>>, vector<1x16xf32>,
        %get3A_430 = vector.shape_cast %get3A_429 : vector<1x16xf32> to vector<16xf32>
        %add3A_431 = arith.addf %get3A_426, %get3A_430 : vector<16xf32>
        %max3A_432 = arith.constant 0.000000e+00 : f32
        %max3A_433 = vector.broadcast %max3A_432 : f32 to vector<16xf32>
        %max3A_434 = arith.maximumf %add3A_431, %max3A_433 : vector<16xf32>
        %swap3A_435 = arith.index_cast %add3A_408 : i32 to index
        %swap3A_436 = arith.constant 16 : index
        %swap3A_437 = tpu.vector_load %arg14[%swap3A_435, %swap3A_436] {strides = array<i32>} : memref<40x128xf32, #tpu.memory_space<vmem>>, vector<1x16xf32>,
        %swap3A_438 = vector.shape_cast %swap3A_437 : vector<1x16xf32> to vector<16xf32>
        %swap3A_439 = vector.shape_cast %max3A_434 : vector<16xf32> to vector<1x16xf32>
        tpu.vector_store %arg14[%swap3A_435, %swap3A_436], %swap3A_439 {strides = array<i32>} : memref<40x128xf32, #tpu.memory_space<vmem>>, vector<1x16xf32>,
        %get3A_440 = arith.index_cast %add3A_408 : i32 to index
        %get3A_441 = arith.constant 32 : index
        %get3A_442 = tpu.vector_load %arg14[%get3A_440, %get3A_441] {strides = array<i32>} : memref<40x128xf32, #tpu.memory_space<vmem>>, vector<1x16xf32>,
        %get3A_443 = vector.shape_cast %get3A_442 : vector<1x16xf32> to vector<16xf32>
        %get3A_444 = arith.index_cast %add3A_408 : i32 to index
        %get3A_445 = arith.constant 32 : index
        %get3A_446 = tpu.vector_load %arg16[%get3A_444, %get3A_445] {strides = array<i32>} : memref<40x128xf32, #tpu.memory_space<vmem>>, vector<1x16xf32>,
        %get3A_447 = vector.shape_cast %get3A_446 : vector<1x16xf32> to vector<16xf32>
        %add3A_448 = arith.addf %get3A_443, %get3A_447 : vector<16xf32>
        %max3A_449 = arith.constant 0.000000e+00 : f32
        %max3A_450 = vector.broadcast %max3A_449 : f32 to vector<16xf32>
        %max3A_451 = arith.maximumf %add3A_448, %max3A_450 : vector<16xf32>
        %swap3A_452 = arith.index_cast %add3A_408 : i32 to index
        %swap3A_453 = arith.constant 32 : index
        %swap3A_454 = tpu.vector_load %arg14[%swap3A_452, %swap3A_453] {strides = array<i32>} : memref<40x128xf32, #tpu.memory_space<vmem>>, vector<1x16xf32>,
        %swap3A_455 = vector.shape_cast %swap3A_454 : vector<1x16xf32> to vector<16xf32>
        %swap3A_456 = vector.shape_cast %max3A_451 : vector<16xf32> to vector<1x16xf32>
        tpu.vector_store %arg14[%swap3A_452, %swap3A_453], %swap3A_456 {strides = array<i32>} : memref<40x128xf32, #tpu.memory_space<vmem>>, vector<1x16xf32>,
        %get3A_457 = arith.index_cast %add3A_408 : i32 to index
        %get3A_458 = arith.constant 48 : index
        %get3A_459 = tpu.vector_load %arg14[%get3A_457, %get3A_458] {strides = array<i32>} : memref<40x128xf32, #tpu.memory_space<vmem>>, vector<1x16xf32>,
        %get3A_460 = vector.shape_cast %get3A_459 : vector<1x16xf32> to vector<16xf32>
        %get3A_461 = arith.index_cast %add3A_408 : i32 to index
        %get3A_462 = arith.constant 48 : index
        %get3A_463 = tpu.vector_load %arg16[%get3A_461, %get3A_462] {strides = array<i32>} : memref<40x128xf32, #tpu.memory_space<vmem>>, vector<1x16xf32>,
        %get3A_464 = vector.shape_cast %get3A_463 : vector<1x16xf32> to vector<16xf32>
        %add3A_465 = arith.addf %get3A_460, %get3A_464 : vector<16xf32>
        %max3A_466 = arith.constant 0.000000e+00 : f32
        %max3A_467 = vector.broadcast %max3A_466 : f32 to vector<16xf32>
        %max3A_468 = arith.maximumf %add3A_465, %max3A_467 : vector<16xf32>
        %swap3A_469 = arith.index_cast %add3A_408 : i32 to index
        %swap3A_470 = arith.constant 48 : index
        %swap3A_471 = tpu.vector_load %arg14[%swap3A_469, %swap3A_470] {strides = array<i32>} : memref<40x128xf32, #tpu.memory_space<vmem>>, vector<1x16xf32>,
        %swap3A_472 = vector.shape_cast %swap3A_471 : vector<1x16xf32> to vector<16xf32>
        %swap3A_473 = vector.shape_cast %max3A_468 : vector<16xf32> to vector<1x16xf32>
        tpu.vector_store %arg14[%swap3A_469, %swap3A_470], %swap3A_473 {strides = array<i32>} : memref<40x128xf32, #tpu.memory_space<vmem>>, vector<1x16xf32>,
        %get3A_474 = arith.index_cast %add3A_408 : i32 to index
        %get3A_475 = arith.constant 64 : index
        %get3A_476 = tpu.vector_load %arg14[%get3A_474, %get3A_475] {strides = array<i32>} : memref<40x128xf32, #tpu.memory_space<vmem>>, vector<1x16xf32>,
        %get3A_477 = vector.shape_cast %get3A_476 : vector<1x16xf32> to vector<16xf32>
        %get3A_478 = arith.index_cast %add3A_408 : i32 to index
        %get3A_479 = arith.constant 64 : index
        %get3A_480 = tpu.vector_load %arg16[%get3A_478, %get3A_479] {strides = array<i32>} : memref<40x128xf32, #tpu.memory_space<vmem>>, vector<1x16xf32>,
        %get3A_481 = vector.shape_cast %get3A_480 : vector<1x16xf32> to vector<16xf32>
        %add3A_482 = arith.addf %get3A_477, %get3A_481 : vector<16xf32>
        %max3A_483 = arith.constant 0.000000e+00 : f32
        %max3A_484 = vector.broadcast %max3A_483 : f32 to vector<16xf32>
        %max3A_485 = arith.maximumf %add3A_482, %max3A_484 : vector<16xf32>
        %swap3A_486 = arith.index_cast %add3A_408 : i32 to index
        %swap3A_487 = arith.constant 64 : index
        %swap3A_488 = tpu.vector_load %arg14[%swap3A_486, %swap3A_487] {strides = array<i32>} : memref<40x128xf32, #tpu.memory_space<vmem>>, vector<1x16xf32>,
        %swap3A_489 = vector.shape_cast %swap3A_488 : vector<1x16xf32> to vector<16xf32>
        %swap3A_490 = vector.shape_cast %max3A_485 : vector<16xf32> to vector<1x16xf32>
        tpu.vector_store %arg14[%swap3A_486, %swap3A_487], %swap3A_490 {strides = array<i32>} : memref<40x128xf32, #tpu.memory_space<vmem>>, vector<1x16xf32>,
        %get3A_491 = arith.index_cast %add3A_408 : i32 to index
        %get3A_492 = arith.constant 80 : index
        %get3A_493 = tpu.vector_load %arg14[%get3A_491, %get3A_492] {strides = array<i32>} : memref<40x128xf32, #tpu.memory_space<vmem>>, vector<1x16xf32>,
        %get3A_494 = vector.shape_cast %get3A_493 : vector<1x16xf32> to vector<16xf32>
        %get3A_495 = arith.index_cast %add3A_408 : i32 to index
        %get3A_496 = arith.constant 80 : index
        %get3A_497 = tpu.vector_load %arg16[%get3A_495, %get3A_496] {strides = array<i32>} : memref<40x128xf32, #tpu.memory_space<vmem>>, vector<1x16xf32>,
        %get3A_498 = vector.shape_cast %get3A_497 : vector<1x16xf32> to vector<16xf32>
        %add3A_499 = arith.addf %get3A_494, %get3A_498 : vector<16xf32>
        %max3A_500 = arith.constant 0.000000e+00 : f32
        %max3A_501 = vector.broadcast %max3A_500 : f32 to vector<16xf32>
        %max3A_502 = arith.maximumf %add3A_499, %max3A_501 : vector<16xf32>
        %swap3A_503 = arith.index_cast %add3A_408 : i32 to index
        %swap3A_504 = arith.constant 80 : index
        %swap3A_505 = tpu.vector_load %arg14[%swap3A_503, %swap3A_504] {strides = array<i32>} : memref<40x128xf32, #tpu.memory_space<vmem>>, vector<1x16xf32>,
        %swap3A_506 = vector.shape_cast %swap3A_505 : vector<1x16xf32> to vector<16xf32>
        %swap3A_507 = vector.shape_cast %max3A_502 : vector<16xf32> to vector<1x16xf32>
        tpu.vector_store %arg14[%swap3A_503, %swap3A_504], %swap3A_507 {strides = array<i32>} : memref<40x128xf32, #tpu.memory_space<vmem>>, vector<1x16xf32>,
        %get3A_508 = arith.index_cast %add3A_408 : i32 to index
        %get3A_509 = arith.constant 96 : index
        %get3A_510 = tpu.vector_load %arg14[%get3A_508, %get3A_509] {strides = array<i32>} : memref<40x128xf32, #tpu.memory_space<vmem>>, vector<1x16xf32>,
        %get3A_511 = vector.shape_cast %get3A_510 : vector<1x16xf32> to vector<16xf32>
        %get3A_512 = arith.index_cast %add3A_408 : i32 to index
        %get3A_513 = arith.constant 96 : index
        %get3A_514 = tpu.vector_load %arg16[%get3A_512, %get3A_513] {strides = array<i32>} : memref<40x128xf32, #tpu.memory_space<vmem>>, vector<1x16xf32>,
        %get3A_515 = vector.shape_cast %get3A_514 : vector<1x16xf32> to vector<16xf32>
        %add3A_516 = arith.addf %get3A_511, %get3A_515 : vector<16xf32>
        %max3A_517 = arith.constant 0.000000e+00 : f32
        %max3A_518 = vector.broadcast %max3A_517 : f32 to vector<16xf32>
        %max3A_519 = arith.maximumf %add3A_516, %max3A_518 : vector<16xf32>
        %swap3A_520 = arith.index_cast %add3A_408 : i32 to index
        %swap3A_521 = arith.constant 96 : index
        %swap3A_522 = tpu.vector_load %arg14[%swap3A_520, %swap3A_521] {strides = array<i32>} : memref<40x128xf32, #tpu.memory_space<vmem>>, vector<1x16xf32>,
        %swap3A_523 = vector.shape_cast %swap3A_522 : vector<1x16xf32> to vector<16xf32>
        %swap3A_524 = vector.shape_cast %max3A_519 : vector<16xf32> to vector<1x16xf32>
        tpu.vector_store %arg14[%swap3A_520, %swap3A_521], %swap3A_524 {strides = array<i32>} : memref<40x128xf32, #tpu.memory_space<vmem>>, vector<1x16xf32>,
        %get3A_525 = arith.index_cast %add3A_408 : i32 to index
        %get3A_526 = arith.constant 112 : index
        %get3A_527 = tpu.vector_load %arg14[%get3A_525, %get3A_526] {strides = array<i32>} : memref<40x128xf32, #tpu.memory_space<vmem>>, vector<1x16xf32>,
        %get3A_528 = vector.shape_cast %get3A_527 : vector<1x16xf32> to vector<16xf32>
        %get3A_529 = arith.index_cast %add3A_408 : i32 to index
        %get3A_530 = arith.constant 112 : index
        %get3A_531 = tpu.vector_load %arg16[%get3A_529, %get3A_530] {strides = array<i32>} : memref<40x128xf32, #tpu.memory_space<vmem>>, vector<1x16xf32>,
        %get3A_532 = vector.shape_cast %get3A_531 : vector<1x16xf32> to vector<16xf32>
        %add3A_533 = arith.addf %get3A_528, %get3A_532 : vector<16xf32>
        %max3A_534 = arith.constant 0.000000e+00 : f32
        %max3A_535 = vector.broadcast %max3A_534 : f32 to vector<16xf32>
        %max3A_536 = arith.maximumf %add3A_533, %max3A_535 : vector<16xf32>
        %swap3A_537 = arith.index_cast %add3A_408 : i32 to index
        %swap3A_538 = arith.constant 112 : index
        %swap3A_539 = tpu.vector_load %arg14[%swap3A_537, %swap3A_538] {strides = array<i32>} : memref<40x128xf32, #tpu.memory_space<vmem>>, vector<1x16xf32>,
        %swap3A_540 = vector.shape_cast %swap3A_539 : vector<1x16xf32> to vector<16xf32>
        %swap3A_541 = vector.shape_cast %max3A_536 : vector<16xf32> to vector<1x16xf32>
        tpu.vector_store %arg14[%swap3A_537, %swap3A_538], %swap3A_541 {strides = array<i32>} : memref<40x128xf32, #tpu.memory_space<vmem>>, vector<1x16xf32>,
      }
      %scan3A_229 = arith.constant 40 : i32
      "tpu.region"() ({
        %run_scoped3A = tpu.sem_alloc : memref<!tpu.dma_semaphore, #tpu.memory_space<semaphore_mem>>
        %dma_start3A_404 = arith.constant 0 : i32
        %dma_start3A_405 = arith.constant 0 : i32
        %dma_start3A_406 = tpu.memref_slice %arg18[%dma_start3A_404, %dma_start3A_405] : memref<10000x128xf32, #tpu.memory_space<vmem_shared>> -> memref<10000x128xf32, #tpu.memory_space<vmem_shared>>
        tpu.enqueue_indirect_dma source(%arg14 : memref<40x128xf32, #tpu.memory_space<vmem>>) target(%dma_start3A_406 : memref<10000x128xf32, #tpu.memory_space<vmem_shared>>) offsets(%arg10 : memref<40xi32, #tpu.memory_space<vmem>>) semaphore(%run_scoped3A : memref<!tpu.dma_semaphore, #tpu.memory_space<semaphore_mem>>) {add = true}
        %dma_wait3A_407 = arith.constant 0 : i32
        %dma_wait3A_408 = arith.constant 0 : i32
        %dma_wait3A_409 = tpu.memref_slice %arg18[%dma_wait3A_407, %dma_wait3A_408] : memref<10000x128xf32, #tpu.memory_space<vmem_shared>> -> memref<10000x128xf32, #tpu.memory_space<vmem_shared>>
        tpu.wait_indirect_dma semaphore(%run_scoped3A : memref<!tpu.dma_semaphore, #tpu.memory_space<semaphore_mem>>) src(%arg14 : memref<40x128xf32, #tpu.memory_space<vmem>>) dst(%dma_wait3A_409 : memref<10000x128xf32, #tpu.memory_space<vmem_shared>>)
        tpu.yield
      }) : () -> ()
      %add3A_230 = arith.constant 4 : i32
      %add3A_231 = arith.addi %add3A_186, %add3A_230 : i32
      %dma_start3A_232 = arith.constant 0 : i32
      %dma_start3A_233 = arith.constant 0 : i32
      %dma_start3A_234 = tpu.memref_slice %arg4[%dma_start3A_232, %add3A, %add3A_231, %dma_start3A_233] : memref<2x32x250x40xi32, #tpu.memory_space<hbm>> -> memref<1x1x1x40xi32, #tpu.memory_space<hbm>>
      %dma_start3A_235 = tpu.memref_squeeze %dma_start3A_234 : memref<1x1x1x40xi32, #tpu.memory_space<hbm>> -> memref<40xi32, #tpu.memory_space<hbm>>
      %dma_start3A_236 = arith.constant 0 : i32
      %dma_start3A_237 = tpu.memref_slice %arg4[%dma_start3A_232, %add3A, %add3A_231, %dma_start3A_236] : memref<2x32x250x40xi32, #tpu.memory_space<hbm>> -> memref<1x1x1x40xi32, #tpu.memory_space<hbm>>
      %dma_start3A_238 = tpu.memref_squeeze %dma_start3A_237 : memref<1x1x1x40xi32, #tpu.memory_space<hbm>> -> memref<40xi32, #tpu.memory_space<hbm>>
      tpu.enqueue_dma source(%dma_start3A_238 : memref<40xi32, #tpu.memory_space<hbm>>) target(%arg6 : memref<40xi32, #tpu.memory_space<vmem>>) target_semaphore(%arg19 : memref<!tpu.dma_semaphore, #tpu.memory_space<semaphore_mem>>)
      %dma_start3A_239 = arith.constant 1 : i32
      %dma_start3A_240 = arith.constant 0 : i32
      %dma_start3A_241 = tpu.memref_slice %arg4[%dma_start3A_239, %add3A, %add3A_231, %dma_start3A_240] : memref<2x32x250x40xi32, #tpu.memory_space<hbm>> -> memref<1x1x1x40xi32, #tpu.memory_space<hbm>>
      %dma_start3A_242 = tpu.memref_squeeze %dma_start3A_241 : memref<1x1x1x40xi32, #tpu.memory_space<hbm>> -> memref<40xi32, #tpu.memory_space<hbm>>
      %dma_start3A_243 = arith.constant 0 : i32
      %dma_start3A_244 = tpu.memref_slice %arg4[%dma_start3A_239, %add3A, %add3A_231, %dma_start3A_243] : memref<2x32x250x40xi32, #tpu.memory_space<hbm>> -> memref<1x1x1x40xi32, #tpu.memory_space<hbm>>
      %dma_start3A_245 = tpu.memref_squeeze %dma_start3A_244 : memref<1x1x1x40xi32, #tpu.memory_space<hbm>> -> memref<40xi32, #tpu.memory_space<hbm>>
      tpu.enqueue_dma source(%dma_start3A_245 : memref<40xi32, #tpu.memory_space<hbm>>) target(%arg10 : memref<40xi32, #tpu.memory_space<vmem>>) target_semaphore(%arg19 : memref<!tpu.dma_semaphore, #tpu.memory_space<semaphore_mem>>)
      %add3A_246 = arith.constant 1 : i32
      %add3A_247 = arith.addi %add3A_168, %add3A_246 : i32
      %add3A_248 = arith.constant 1 : i32
      %add3A_249 = arith.addi %add3A_247, %add3A_248 : i32
      %dma_wait3A_250 = arith.constant 0 : i32
      %dma_wait3A_251 = arith.constant 0 : i32
      %dma_wait3A_252 = tpu.memref_slice %arg4[%dma_wait3A_250, %add3A, %add3A_249, %dma_wait3A_251] : memref<2x32x250x40xi32, #tpu.memory_space<hbm>> -> memref<1x1x1x40xi32, #tpu.memory_space<hbm>>
      %dma_wait3A_253 = tpu.memref_squeeze %dma_wait3A_252 : memref<1x1x1x40xi32, #tpu.memory_space<hbm>> -> memref<40xi32, #tpu.memory_space<hbm>>
      %dma_wait3A_254 = arith.constant 0 : i32
      %dma_wait3A_255 = tpu.memref_slice %arg4[%dma_wait3A_250, %add3A, %add3A_249, %dma_wait3A_254] : memref<2x32x250x40xi32, #tpu.memory_space<hbm>> -> memref<1x1x1x40xi32, #tpu.memory_space<hbm>>
      %dma_wait3A_256 = tpu.memref_squeeze %dma_wait3A_255 : memref<1x1x1x40xi32, #tpu.memory_space<hbm>> -> memref<40xi32, #tpu.memory_space<hbm>>
      tpu.wait_dma2 semaphore(%arg21 : memref<!tpu.dma_semaphore, #tpu.memory_space<semaphore_mem>>) src(%dma_wait3A_256 : memref<40xi32, #tpu.memory_space<hbm>>) dst(%arg8 : memref<40xi32, #tpu.memory_space<vmem>>)
      %dma_wait3A_257 = arith.constant 1 : i32
      %dma_wait3A_258 = arith.constant 0 : i32
      %dma_wait3A_259 = tpu.memref_slice %arg4[%dma_wait3A_257, %add3A, %add3A_249, %dma_wait3A_258] : memref<2x32x250x40xi32, #tpu.memory_space<hbm>> -> memref<1x1x1x40xi32, #tpu.memory_space<hbm>>
      %dma_wait3A_260 = tpu.memref_squeeze %dma_wait3A_259 : memref<1x1x1x40xi32, #tpu.memory_space<hbm>> -> memref<40xi32, #tpu.memory_space<hbm>>
      %dma_wait3A_261 = arith.constant 0 : i32
      %dma_wait3A_262 = tpu.memref_slice %arg4[%dma_wait3A_257, %add3A, %add3A_249, %dma_wait3A_261] : memref<2x32x250x40xi32, #tpu.memory_space<hbm>> -> memref<1x1x1x40xi32, #tpu.memory_space<hbm>>
      %dma_wait3A_263 = tpu.memref_squeeze %dma_wait3A_262 : memref<1x1x1x40xi32, #tpu.memory_space<hbm>> -> memref<40xi32, #tpu.memory_space<hbm>>
      tpu.wait_dma2 semaphore(%arg21 : memref<!tpu.dma_semaphore, #tpu.memory_space<semaphore_mem>>) src(%dma_wait3A_263 : memref<40xi32, #tpu.memory_space<hbm>>) dst(%arg12 : memref<40xi32, #tpu.memory_space<vmem>>)
      %add3A_264 = arith.constant 1 : i32
      %add3A_265 = arith.addi %add3A_247, %add3A_264 : i32
      %dma_start3A_266 = arith.constant 0 : i32
      %dma_start3A_267 = arith.constant 0 : i32
      %dma_start3A_268 = tpu.memref_slice %arg2[%dma_start3A_266, %dma_start3A_267] : memref<10000x128xf32, #tpu.memory_space<hbm>> -> memref<10000x128xf32, #tpu.memory_space<hbm>>
      tpu.enqueue_indirect_dma source(%dma_start3A_268 : memref<10000x128xf32, #tpu.memory_space<hbm>>) target(%arg14 : memref<40x128xf32, #tpu.memory_space<vmem>>) offsets(%arg8 : memref<40xi32, #tpu.memory_space<vmem>>) semaphore(%arg23 : memref<!tpu.dma_semaphore, #tpu.memory_space<semaphore_mem>>)
      %mul3A_269 = arith.constant 40 : i32
      %mul3A_270 = arith.muli %add3A_265, %mul3A_269 : i32
      %add3A_271 = arith.addi %mul3A_2, %mul3A_270 : i32
      %dma_start3A_272 = arith.constant 0 : i32
      %dma_start3A_273 = tpu.memref_slice %arg3[%add3A_271, %dma_start3A_272] : memref<320000x128xf32, #tpu.memory_space<hbm>> -> memref<40x128xf32, #tpu.memory_space<hbm>>
      %dma_start3A_274 = arith.constant 0 : i32
      %dma_start3A_275 = tpu.memref_slice %arg3[%add3A_271, %dma_start3A_274] : memref<320000x128xf32, #tpu.memory_space<hbm>> -> memref<40x128xf32, #tpu.memory_space<hbm>>
      tpu.enqueue_dma source(%dma_start3A_275 : memref<40x128xf32, #tpu.memory_space<hbm>>) target(%arg16 : memref<40x128xf32, #tpu.memory_space<vmem>>) target_semaphore(%arg25 : memref<!tpu.dma_semaphore, #tpu.memory_space<semaphore_mem>>)
      %dma_wait3A_276 = arith.constant 0 : i32
      %dma_wait3A_277 = arith.constant 0 : i32
      %dma_wait3A_278 = tpu.memref_slice %arg2[%dma_wait3A_276, %dma_wait3A_277] : memref<10000x128xf32, #tpu.memory_space<hbm>> -> memref<10000x128xf32, #tpu.memory_space<hbm>>
      tpu.wait_indirect_dma semaphore(%arg24 : memref<!tpu.dma_semaphore, #tpu.memory_space<semaphore_mem>>) src(%dma_wait3A_278 : memref<10000x128xf32, #tpu.memory_space<hbm>>) dst(%arg15 : memref<40x128xf32, #tpu.memory_space<vmem>>)
      %mul3A_279 = arith.constant 40 : i32
      %mul3A_280 = arith.muli %add3A_247, %mul3A_279 : i32
      %add3A_281 = arith.addi %mul3A_2, %mul3A_280 : i32
      %dma_wait3A_282 = arith.constant 0 : i32
      %dma_wait3A_283 = tpu.memref_slice %arg3[%add3A_281, %dma_wait3A_282] : memref<320000x128xf32, #tpu.memory_space<hbm>> -> memref<40x128xf32, #tpu.memory_space<hbm>>
      %dma_wait3A_284 = arith.constant 0 : i32
      %dma_wait3A_285 = tpu.memref_slice %arg3[%add3A_281, %dma_wait3A_284] : memref<320000x128xf32, #tpu.memory_space<hbm>> -> memref<40x128xf32, #tpu.memory_space<hbm>>
      tpu.wait_dma2 semaphore(%arg26 : memref<!tpu.dma_semaphore, #tpu.memory_space<semaphore_mem>>) src(%dma_wait3A_285 : memref<40x128xf32, #tpu.memory_space<hbm>>) dst(%arg17 : memref<40x128xf32, #tpu.memory_space<vmem>>)
      %scan3A_286 = arith.constant 0 : i32
      %scan3A_287 = arith.constant 40 : i32
      %scan3A_288 = arith.addi %scan3A_286, %scan3A_287 : i32
      %scan3A_289 = arith.constant 1 : i32
      scf.for %scan3A_404 = %scan3A_286 to %scan3A_288 step %scan3A_289  : i32 {
        %mul3A_405 = arith.constant 1 : i32
        %mul3A_406 = arith.muli %scan3A_404, %mul3A_405 : i32
        %add3A_407 = arith.constant 0 : i32
        %add3A_408 = arith.addi %add3A_407, %mul3A_406 : i32
        %get3A = arith.index_cast %add3A_408 : i32 to index
        %get3A_409 = arith.constant 0 : index
        %get3A_410 = tpu.vector_load %arg15[%get3A, %get3A_409] {strides = array<i32>} : memref<40x128xf32, #tpu.memory_space<vmem>>, vector<1x16xf32>,
        %get3A_411 = vector.shape_cast %get3A_410 : vector<1x16xf32> to vector<16xf32>
        %get3A_412 = arith.index_cast %add3A_408 : i32 to index
        %get3A_413 = arith.constant 0 : index
        %get3A_414 = tpu.vector_load %arg17[%get3A_412, %get3A_413] {strides = array<i32>} : memref<40x128xf32, #tpu.memory_space<vmem>>, vector<1x16xf32>,
        %get3A_415 = vector.shape_cast %get3A_414 : vector<1x16xf32> to vector<16xf32>
        %add3A_416 = arith.addf %get3A_411, %get3A_415 : vector<16xf32>
        %max3A = arith.constant 0.000000e+00 : f32
        %max3A_417 = vector.broadcast %max3A : f32 to vector<16xf32>
        %max3A_418 = arith.maximumf %add3A_416, %max3A_417 : vector<16xf32>
        %swap3A = arith.index_cast %add3A_408 : i32 to index
        %swap3A_419 = arith.constant 0 : index
        %swap3A_420 = tpu.vector_load %arg15[%swap3A, %swap3A_419] {strides = array<i32>} : memref<40x128xf32, #tpu.memory_space<vmem>>, vector<1x16xf32>,
        %swap3A_421 = vector.shape_cast %swap3A_420 : vector<1x16xf32> to vector<16xf32>
        %swap3A_422 = vector.shape_cast %max3A_418 : vector<16xf32> to vector<1x16xf32>
        tpu.vector_store %arg15[%swap3A, %swap3A_419], %swap3A_422 {strides = array<i32>} : memref<40x128xf32, #tpu.memory_space<vmem>>, vector<1x16xf32>,
        %get3A_423 = arith.index_cast %add3A_408 : i32 to index
        %get3A_424 = arith.constant 16 : index
        %get3A_425 = tpu.vector_load %arg15[%get3A_423, %get3A_424] {strides = array<i32>} : memref<40x128xf32, #tpu.memory_space<vmem>>, vector<1x16xf32>,
        %get3A_426 = vector.shape_cast %get3A_425 : vector<1x16xf32> to vector<16xf32>
        %get3A_427 = arith.index_cast %add3A_408 : i32 to index
        %get3A_428 = arith.constant 16 : index
        %get3A_429 = tpu.vector_load %arg17[%get3A_427, %get3A_428] {strides = array<i32>} : memref<40x128xf32, #tpu.memory_space<vmem>>, vector<1x16xf32>,
        %get3A_430 = vector.shape_cast %get3A_429 : vector<1x16xf32> to vector<16xf32>
        %add3A_431 = arith.addf %get3A_426, %get3A_430 : vector<16xf32>
        %max3A_432 = arith.constant 0.000000e+00 : f32
        %max3A_433 = vector.broadcast %max3A_432 : f32 to vector<16xf32>
        %max3A_434 = arith.maximumf %add3A_431, %max3A_433 : vector<16xf32>
        %swap3A_435 = arith.index_cast %add3A_408 : i32 to index
        %swap3A_436 = arith.constant 16 : index
        %swap3A_437 = tpu.vector_load %arg15[%swap3A_435, %swap3A_436] {strides = array<i32>} : memref<40x128xf32, #tpu.memory_space<vmem>>, vector<1x16xf32>,
        %swap3A_438 = vector.shape_cast %swap3A_437 : vector<1x16xf32> to vector<16xf32>
        %swap3A_439 = vector.shape_cast %max3A_434 : vector<16xf32> to vector<1x16xf32>
        tpu.vector_store %arg15[%swap3A_435, %swap3A_436], %swap3A_439 {strides = array<i32>} : memref<40x128xf32, #tpu.memory_space<vmem>>, vector<1x16xf32>,
        %get3A_440 = arith.index_cast %add3A_408 : i32 to index
        %get3A_441 = arith.constant 32 : index
        %get3A_442 = tpu.vector_load %arg15[%get3A_440, %get3A_441] {strides = array<i32>} : memref<40x128xf32, #tpu.memory_space<vmem>>, vector<1x16xf32>,
        %get3A_443 = vector.shape_cast %get3A_442 : vector<1x16xf32> to vector<16xf32>
        %get3A_444 = arith.index_cast %add3A_408 : i32 to index
        %get3A_445 = arith.constant 32 : index
        %get3A_446 = tpu.vector_load %arg17[%get3A_444, %get3A_445] {strides = array<i32>} : memref<40x128xf32, #tpu.memory_space<vmem>>, vector<1x16xf32>,
        %get3A_447 = vector.shape_cast %get3A_446 : vector<1x16xf32> to vector<16xf32>
        %add3A_448 = arith.addf %get3A_443, %get3A_447 : vector<16xf32>
        %max3A_449 = arith.constant 0.000000e+00 : f32
        %max3A_450 = vector.broadcast %max3A_449 : f32 to vector<16xf32>
        %max3A_451 = arith.maximumf %add3A_448, %max3A_450 : vector<16xf32>
        %swap3A_452 = arith.index_cast %add3A_408 : i32 to index
        %swap3A_453 = arith.constant 32 : index
        %swap3A_454 = tpu.vector_load %arg15[%swap3A_452, %swap3A_453] {strides = array<i32>} : memref<40x128xf32, #tpu.memory_space<vmem>>, vector<1x16xf32>,
        %swap3A_455 = vector.shape_cast %swap3A_454 : vector<1x16xf32> to vector<16xf32>
        %swap3A_456 = vector.shape_cast %max3A_451 : vector<16xf32> to vector<1x16xf32>
        tpu.vector_store %arg15[%swap3A_452, %swap3A_453], %swap3A_456 {strides = array<i32>} : memref<40x128xf32, #tpu.memory_space<vmem>>, vector<1x16xf32>,
        %get3A_457 = arith.index_cast %add3A_408 : i32 to index
        %get3A_458 = arith.constant 48 : index
        %get3A_459 = tpu.vector_load %arg15[%get3A_457, %get3A_458] {strides = array<i32>} : memref<40x128xf32, #tpu.memory_space<vmem>>, vector<1x16xf32>,
        %get3A_460 = vector.shape_cast %get3A_459 : vector<1x16xf32> to vector<16xf32>
        %get3A_461 = arith.index_cast %add3A_408 : i32 to index
        %get3A_462 = arith.constant 48 : index
        %get3A_463 = tpu.vector_load %arg17[%get3A_461, %get3A_462] {strides = array<i32>} : memref<40x128xf32, #tpu.memory_space<vmem>>, vector<1x16xf32>,
        %get3A_464 = vector.shape_cast %get3A_463 : vector<1x16xf32> to vector<16xf32>
        %add3A_465 = arith.addf %get3A_460, %get3A_464 : vector<16xf32>
        %max3A_466 = arith.constant 0.000000e+00 : f32
        %max3A_467 = vector.broadcast %max3A_466 : f32 to vector<16xf32>
        %max3A_468 = arith.maximumf %add3A_465, %max3A_467 : vector<16xf32>
        %swap3A_469 = arith.index_cast %add3A_408 : i32 to index
        %swap3A_470 = arith.constant 48 : index
        %swap3A_471 = tpu.vector_load %arg15[%swap3A_469, %swap3A_470] {strides = array<i32>} : memref<40x128xf32, #tpu.memory_space<vmem>>, vector<1x16xf32>,
        %swap3A_472 = vector.shape_cast %swap3A_471 : vector<1x16xf32> to vector<16xf32>
        %swap3A_473 = vector.shape_cast %max3A_468 : vector<16xf32> to vector<1x16xf32>
        tpu.vector_store %arg15[%swap3A_469, %swap3A_470], %swap3A_473 {strides = array<i32>} : memref<40x128xf32, #tpu.memory_space<vmem>>, vector<1x16xf32>,
        %get3A_474 = arith.index_cast %add3A_408 : i32 to index
        %get3A_475 = arith.constant 64 : index
        %get3A_476 = tpu.vector_load %arg15[%get3A_474, %get3A_475] {strides = array<i32>} : memref<40x128xf32, #tpu.memory_space<vmem>>, vector<1x16xf32>,
        %get3A_477 = vector.shape_cast %get3A_476 : vector<1x16xf32> to vector<16xf32>
        %get3A_478 = arith.index_cast %add3A_408 : i32 to index
        %get3A_479 = arith.constant 64 : index
        %get3A_480 = tpu.vector_load %arg17[%get3A_478, %get3A_479] {strides = array<i32>} : memref<40x128xf32, #tpu.memory_space<vmem>>, vector<1x16xf32>,
        %get3A_481 = vector.shape_cast %get3A_480 : vector<1x16xf32> to vector<16xf32>
        %add3A_482 = arith.addf %get3A_477, %get3A_481 : vector<16xf32>
        %max3A_483 = arith.constant 0.000000e+00 : f32
        %max3A_484 = vector.broadcast %max3A_483 : f32 to vector<16xf32>
        %max3A_485 = arith.maximumf %add3A_482, %max3A_484 : vector<16xf32>
        %swap3A_486 = arith.index_cast %add3A_408 : i32 to index
        %swap3A_487 = arith.constant 64 : index
        %swap3A_488 = tpu.vector_load %arg15[%swap3A_486, %swap3A_487] {strides = array<i32>} : memref<40x128xf32, #tpu.memory_space<vmem>>, vector<1x16xf32>,
        %swap3A_489 = vector.shape_cast %swap3A_488 : vector<1x16xf32> to vector<16xf32>
        %swap3A_490 = vector.shape_cast %max3A_485 : vector<16xf32> to vector<1x16xf32>
        tpu.vector_store %arg15[%swap3A_486, %swap3A_487], %swap3A_490 {strides = array<i32>} : memref<40x128xf32, #tpu.memory_space<vmem>>, vector<1x16xf32>,
        %get3A_491 = arith.index_cast %add3A_408 : i32 to index
        %get3A_492 = arith.constant 80 : index
        %get3A_493 = tpu.vector_load %arg15[%get3A_491, %get3A_492] {strides = array<i32>} : memref<40x128xf32, #tpu.memory_space<vmem>>, vector<1x16xf32>,
        %get3A_494 = vector.shape_cast %get3A_493 : vector<1x16xf32> to vector<16xf32>
        %get3A_495 = arith.index_cast %add3A_408 : i32 to index
        %get3A_496 = arith.constant 80 : index
        %get3A_497 = tpu.vector_load %arg17[%get3A_495, %get3A_496] {strides = array<i32>} : memref<40x128xf32, #tpu.memory_space<vmem>>, vector<1x16xf32>,
        %get3A_498 = vector.shape_cast %get3A_497 : vector<1x16xf32> to vector<16xf32>
        %add3A_499 = arith.addf %get3A_494, %get3A_498 : vector<16xf32>
        %max3A_500 = arith.constant 0.000000e+00 : f32
        %max3A_501 = vector.broadcast %max3A_500 : f32 to vector<16xf32>
        %max3A_502 = arith.maximumf %add3A_499, %max3A_501 : vector<16xf32>
        %swap3A_503 = arith.index_cast %add3A_408 : i32 to index
        %swap3A_504 = arith.constant 80 : index
        %swap3A_505 = tpu.vector_load %arg15[%swap3A_503, %swap3A_504] {strides = array<i32>} : memref<40x128xf32, #tpu.memory_space<vmem>>, vector<1x16xf32>,
        %swap3A_506 = vector.shape_cast %swap3A_505 : vector<1x16xf32> to vector<16xf32>
        %swap3A_507 = vector.shape_cast %max3A_502 : vector<16xf32> to vector<1x16xf32>
        tpu.vector_store %arg15[%swap3A_503, %swap3A_504], %swap3A_507 {strides = array<i32>} : memref<40x128xf32, #tpu.memory_space<vmem>>, vector<1x16xf32>,
        %get3A_508 = arith.index_cast %add3A_408 : i32 to index
        %get3A_509 = arith.constant 96 : index
        %get3A_510 = tpu.vector_load %arg15[%get3A_508, %get3A_509] {strides = array<i32>} : memref<40x128xf32, #tpu.memory_space<vmem>>, vector<1x16xf32>,
        %get3A_511 = vector.shape_cast %get3A_510 : vector<1x16xf32> to vector<16xf32>
        %get3A_512 = arith.index_cast %add3A_408 : i32 to index
        %get3A_513 = arith.constant 96 : index
        %get3A_514 = tpu.vector_load %arg17[%get3A_512, %get3A_513] {strides = array<i32>} : memref<40x128xf32, #tpu.memory_space<vmem>>, vector<1x16xf32>,
        %get3A_515 = vector.shape_cast %get3A_514 : vector<1x16xf32> to vector<16xf32>
        %add3A_516 = arith.addf %get3A_511, %get3A_515 : vector<16xf32>
        %max3A_517 = arith.constant 0.000000e+00 : f32
        %max3A_518 = vector.broadcast %max3A_517 : f32 to vector<16xf32>
        %max3A_519 = arith.maximumf %add3A_516, %max3A_518 : vector<16xf32>
        %swap3A_520 = arith.index_cast %add3A_408 : i32 to index
        %swap3A_521 = arith.constant 96 : index
        %swap3A_522 = tpu.vector_load %arg15[%swap3A_520, %swap3A_521] {strides = array<i32>} : memref<40x128xf32, #tpu.memory_space<vmem>>, vector<1x16xf32>,
        %swap3A_523 = vector.shape_cast %swap3A_522 : vector<1x16xf32> to vector<16xf32>
        %swap3A_524 = vector.shape_cast %max3A_519 : vector<16xf32> to vector<1x16xf32>
        tpu.vector_store %arg15[%swap3A_520, %swap3A_521], %swap3A_524 {strides = array<i32>} : memref<40x128xf32, #tpu.memory_space<vmem>>, vector<1x16xf32>,
        %get3A_525 = arith.index_cast %add3A_408 : i32 to index
        %get3A_526 = arith.constant 112 : index
        %get3A_527 = tpu.vector_load %arg15[%get3A_525, %get3A_526] {strides = array<i32>} : memref<40x128xf32, #tpu.memory_space<vmem>>, vector<1x16xf32>,
        %get3A_528 = vector.shape_cast %get3A_527 : vector<1x16xf32> to vector<16xf32>
        %get3A_529 = arith.index_cast %add3A_408 : i32 to index
        %get3A_530 = arith.constant 112 : index
        %get3A_531 = tpu.vector_load %arg17[%get3A_529, %get3A_530] {strides = array<i32>} : memref<40x128xf32, #tpu.memory_space<vmem>>, vector<1x16xf32>,
        %get3A_532 = vector.shape_cast %get3A_531 : vector<1x16xf32> to vector<16xf32>
        %add3A_533 = arith.addf %get3A_528, %get3A_532 : vector<16xf32>
        %max3A_534 = arith.constant 0.000000e+00 : f32
        %max3A_535 = vector.broadcast %max3A_534 : f32 to vector<16xf32>
        %max3A_536 = arith.maximumf %add3A_533, %max3A_535 : vector<16xf32>
        %swap3A_537 = arith.index_cast %add3A_408 : i32 to index
        %swap3A_538 = arith.constant 112 : index
        %swap3A_539 = tpu.vector_load %arg15[%swap3A_537, %swap3A_538] {strides = array<i32>} : memref<40x128xf32, #tpu.memory_space<vmem>>, vector<1x16xf32>,
        %swap3A_540 = vector.shape_cast %swap3A_539 : vector<1x16xf32> to vector<16xf32>
        %swap3A_541 = vector.shape_cast %max3A_536 : vector<16xf32> to vector<1x16xf32>
        tpu.vector_store %arg15[%swap3A_537, %swap3A_538], %swap3A_541 {strides = array<i32>} : memref<40x128xf32, #tpu.memory_space<vmem>>, vector<1x16xf32>,
      }
      %scan3A_290 = arith.constant 40 : i32
      "tpu.region"() ({
        %run_scoped3A = tpu.sem_alloc : memref<!tpu.dma_semaphore, #tpu.memory_space<semaphore_mem>>
        %dma_start3A_404 = arith.constant 0 : i32
        %dma_start3A_405 = arith.constant 0 : i32
        %dma_start3A_406 = tpu.memref_slice %arg18[%dma_start3A_404, %dma_start3A_405] : memref<10000x128xf32, #tpu.memory_space<vmem_shared>> -> memref<10000x128xf32, #tpu.memory_space<vmem_shared>>
        tpu.enqueue_indirect_dma source(%arg15 : memref<40x128xf32, #tpu.memory_space<vmem>>) target(%dma_start3A_406 : memref<10000x128xf32, #tpu.memory_space<vmem_shared>>) offsets(%arg11 : memref<40xi32, #tpu.memory_space<vmem>>) semaphore(%run_scoped3A : memref<!tpu.dma_semaphore, #tpu.memory_space<semaphore_mem>>) {add = true}
        %dma_wait3A_407 = arith.constant 0 : i32
        %dma_wait3A_408 = arith.constant 0 : i32
        %dma_wait3A_409 = tpu.memref_slice %arg18[%dma_wait3A_407, %dma_wait3A_408] : memref<10000x128xf32, #tpu.memory_space<vmem_shared>> -> memref<10000x128xf32, #tpu.memory_space<vmem_shared>>
        tpu.wait_indirect_dma semaphore(%run_scoped3A : memref<!tpu.dma_semaphore, #tpu.memory_space<semaphore_mem>>) src(%arg15 : memref<40x128xf32, #tpu.memory_space<vmem>>) dst(%dma_wait3A_409 : memref<10000x128xf32, #tpu.memory_space<vmem_shared>>)
        tpu.yield
      }) : () -> ()
      %add3A_291 = arith.constant 4 : i32
      %add3A_292 = arith.addi %add3A_247, %add3A_291 : i32
      %dma_start3A_293 = arith.constant 0 : i32
      %dma_start3A_294 = arith.constant 0 : i32
      %dma_start3A_295 = tpu.memref_slice %arg4[%dma_start3A_293, %add3A, %add3A_292, %dma_start3A_294] : memref<2x32x250x40xi32, #tpu.memory_space<hbm>> -> memref<1x1x1x40xi32, #tpu.memory_space<hbm>>
      %dma_start3A_296 = tpu.memref_squeeze %dma_start3A_295 : memref<1x1x1x40xi32, #tpu.memory_space<hbm>> -> memref<40xi32, #tpu.memory_space<hbm>>
      %dma_start3A_297 = arith.constant 0 : i32
      %dma_start3A_298 = tpu.memref_slice %arg4[%dma_start3A_293, %add3A, %add3A_292, %dma_start3A_297] : memref<2x32x250x40xi32, #tpu.memory_space<hbm>> -> memref<1x1x1x40xi32, #tpu.memory_space<hbm>>
      %dma_start3A_299 = tpu.memref_squeeze %dma_start3A_298 : memref<1x1x1x40xi32, #tpu.memory_space<hbm>> -> memref<40xi32, #tpu.memory_space<hbm>>
      tpu.enqueue_dma source(%dma_start3A_299 : memref<40xi32, #tpu.memory_space<hbm>>) target(%arg7 : memref<40xi32, #tpu.memory_space<vmem>>) target_semaphore(%arg20 : memref<!tpu.dma_semaphore, #tpu.memory_space<semaphore_mem>>)
      %dma_start3A_300 = arith.constant 1 : i32
      %dma_start3A_301 = arith.constant 0 : i32
      %dma_start3A_302 = tpu.memref_slice %arg4[%dma_start3A_300, %add3A, %add3A_292, %dma_start3A_301] : memref<2x32x250x40xi32, #tpu.memory_space<hbm>> -> memref<1x1x1x40xi32, #tpu.memory_space<hbm>>
      %dma_start3A_303 = tpu.memref_squeeze %dma_start3A_302 : memref<1x1x1x40xi32, #tpu.memory_space<hbm>> -> memref<40xi32, #tpu.memory_space<hbm>>
      %dma_start3A_304 = arith.constant 0 : i32
      %dma_start3A_305 = tpu.memref_slice %arg4[%dma_start3A_300, %add3A, %add3A_292, %dma_start3A_304] : memref<2x32x250x40xi32, #tpu.memory_space<hbm>> -> memref<1x1x1x40xi32, #tpu.memory_space<hbm>>
      %dma_start3A_306 = tpu.memref_squeeze %dma_start3A_305 : memref<1x1x1x40xi32, #tpu.memory_space<hbm>> -> memref<40xi32, #tpu.memory_space<hbm>>
      tpu.enqueue_dma source(%dma_start3A_306 : memref<40xi32, #tpu.memory_space<hbm>>) target(%arg11 : memref<40xi32, #tpu.memory_space<vmem>>) target_semaphore(%arg20 : memref<!tpu.dma_semaphore, #tpu.memory_space<semaphore_mem>>)
      %add3A_307 = arith.constant 2 : i32
      %add3A_308 = arith.addi %add3A_168, %add3A_307 : i32
      %add3A_309 = arith.constant 1 : i32
      %add3A_310 = arith.addi %add3A_308, %add3A_309 : i32
      %dma_wait3A_311 = arith.constant 0 : i32
      %dma_wait3A_312 = arith.constant 0 : i32
      %dma_wait3A_313 = tpu.memref_slice %arg4[%dma_wait3A_311, %add3A, %add3A_310, %dma_wait3A_312] : memref<2x32x250x40xi32, #tpu.memory_space<hbm>> -> memref<1x1x1x40xi32, #tpu.memory_space<hbm>>
      %dma_wait3A_314 = tpu.memref_squeeze %dma_wait3A_313 : memref<1x1x1x40xi32, #tpu.memory_space<hbm>> -> memref<40xi32, #tpu.memory_space<hbm>>
      %dma_wait3A_315 = arith.constant 0 : i32
      %dma_wait3A_316 = tpu.memref_slice %arg4[%dma_wait3A_311, %add3A, %add3A_310, %dma_wait3A_315] : memref<2x32x250x40xi32, #tpu.memory_space<hbm>> -> memref<1x1x1x40xi32, #tpu.memory_space<hbm>>
      %dma_wait3A_317 = tpu.memref_squeeze %dma_wait3A_316 : memref<1x1x1x40xi32, #tpu.memory_space<hbm>> -> memref<40xi32, #tpu.memory_space<hbm>>
      tpu.wait_dma2 semaphore(%arg22 : memref<!tpu.dma_semaphore, #tpu.memory_space<semaphore_mem>>) src(%dma_wait3A_317 : memref<40xi32, #tpu.memory_space<hbm>>) dst(%arg9 : memref<40xi32, #tpu.memory_space<vmem>>)
      %dma_wait3A_318 = arith.constant 1 : i32
      %dma_wait3A_319 = arith.constant 0 : i32
      %dma_wait3A_320 = tpu.memref_slice %arg4[%dma_wait3A_318, %add3A, %add3A_310, %dma_wait3A_319] : memref<2x32x250x40xi32, #tpu.memory_space<hbm>> -> memref<1x1x1x40xi32, #tpu.memory_space<hbm>>
      %dma_wait3A_321 = tpu.memref_squeeze %dma_wait3A_320 : memref<1x1x1x40xi32, #tpu.memory_space<hbm>> -> memref<40xi32, #tpu.memory_space<hbm>>
      %dma_wait3A_322 = arith.constant 0 : i32
      %dma_wait3A_323 = tpu.memref_slice %arg4[%dma_wait3A_318, %add3A, %add3A_310, %dma_wait3A_322] : memref<2x32x250x40xi32, #tpu.memory_space<hbm>> -> memref<1x1x1x40xi32, #tpu.memory_space<hbm>>
      %dma_wait3A_324 = tpu.memref_squeeze %dma_wait3A_323 : memref<1x1x1x40xi32, #tpu.memory_space<hbm>> -> memref<40xi32, #tpu.memory_space<hbm>>
      tpu.wait_dma2 semaphore(%arg22 : memref<!tpu.dma_semaphore, #tpu.memory_space<semaphore_mem>>) src(%dma_wait3A_324 : memref<40xi32, #tpu.memory_space<hbm>>) dst(%arg13 : memref<40xi32, #tpu.memory_space<vmem>>)
      %add3A_325 = arith.constant 1 : i32
      %add3A_326 = arith.addi %add3A_308, %add3A_325 : i32
      %dma_start3A_327 = arith.constant 0 : i32
      %dma_start3A_328 = arith.constant 0 : i32
      %dma_start3A_329 = tpu.memref_slice %arg2[%dma_start3A_327, %dma_start3A_328] : memref<10000x128xf32, #tpu.memory_space<hbm>> -> memref<10000x128xf32, #tpu.memory_space<hbm>>
      tpu.enqueue_indirect_dma source(%dma_start3A_329 : memref<10000x128xf32, #tpu.memory_space<hbm>>) target(%arg15 : memref<40x128xf32, #tpu.memory_space<vmem>>) offsets(%arg9 : memref<40xi32, #tpu.memory_space<vmem>>) semaphore(%arg24 : memref<!tpu.dma_semaphore, #tpu.memory_space<semaphore_mem>>)
      %mul3A_330 = arith.constant 40 : i32
      %mul3A_331 = arith.muli %add3A_326, %mul3A_330 : i32
      %add3A_332 = arith.addi %mul3A_2, %mul3A_331 : i32
      %dma_start3A_333 = arith.constant 0 : i32
      %dma_start3A_334 = tpu.memref_slice %arg3[%add3A_332, %dma_start3A_333] : memref<320000x128xf32, #tpu.memory_space<hbm>> -> memref<40x128xf32, #tpu.memory_space<hbm>>
      %dma_start3A_335 = arith.constant 0 : i32
      %dma_start3A_336 = tpu.memref_slice %arg3[%add3A_332, %dma_start3A_335] : memref<320000x128xf32, #tpu.memory_space<hbm>> -> memref<40x128xf32, #tpu.memory_space<hbm>>
      tpu.enqueue_dma source(%dma_start3A_336 : memref<40x128xf32, #tpu.memory_space<hbm>>) target(%arg17 : memref<40x128xf32, #tpu.memory_space<vmem>>) target_semaphore(%arg26 : memref<!tpu.dma_semaphore, #tpu.memory_space<semaphore_mem>>)
      %dma_wait3A_337 = arith.constant 0 : i32
      %dma_wait3A_338 = arith.constant 0 : i32
      %dma_wait3A_339 = tpu.memref_slice %arg2[%dma_wait3A_337, %dma_wait3A_338] : memref<10000x128xf32, #tpu.memory_space<hbm>> -> memref<10000x128xf32, #tpu.memory_space<hbm>>
      tpu.wait_indirect_dma semaphore(%arg23 : memref<!tpu.dma_semaphore, #tpu.memory_space<semaphore_mem>>) src(%dma_wait3A_339 : memref<10000x128xf32, #tpu.memory_space<hbm>>) dst(%arg14 : memref<40x128xf32, #tpu.memory_space<vmem>>)
      %mul3A_340 = arith.constant 40 : i32
      %mul3A_341 = arith.muli %add3A_308, %mul3A_340 : i32
      %add3A_342 = arith.addi %mul3A_2, %mul3A_341 : i32
      %dma_wait3A_343 = arith.constant 0 : i32
      %dma_wait3A_344 = tpu.memref_slice %arg3[%add3A_342, %dma_wait3A_343] : memref<320000x128xf32, #tpu.memory_space<hbm>> -> memref<40x128xf32, #tpu.memory_space<hbm>>
      %dma_wait3A_345 = arith.constant 0 : i32
      %dma_wait3A_346 = tpu.memref_slice %arg3[%add3A_342, %dma_wait3A_345] : memref<320000x128xf32, #tpu.memory_space<hbm>> -> memref<40x128xf32, #tpu.memory_space<hbm>>
      tpu.wait_dma2 semaphore(%arg25 : memref<!tpu.dma_semaphore, #tpu.memory_space<semaphore_mem>>) src(%dma_wait3A_346 : memref<40x128xf32, #tpu.memory_space<hbm>>) dst(%arg16 : memref<40x128xf32, #tpu.memory_space<vmem>>)
      %scan3A_347 = arith.constant 0 : i32
      %scan3A_348 = arith.constant 40 : i32
      %scan3A_349 = arith.addi %scan3A_347, %scan3A_348 : i32
      %scan3A_350 = arith.constant 1 : i32
      scf.for %scan3A_404 = %scan3A_347 to %scan3A_349 step %scan3A_350  : i32 {
        %mul3A_405 = arith.constant 1 : i32
        %mul3A_406 = arith.muli %scan3A_404, %mul3A_405 : i32
        %add3A_407 = arith.constant 0 : i32
        %add3A_408 = arith.addi %add3A_407, %mul3A_406 : i32
        %get3A = arith.index_cast %add3A_408 : i32 to index
        %get3A_409 = arith.constant 0 : index
        %get3A_410 = tpu.vector_load %arg14[%get3A, %get3A_409] {strides = array<i32>} : memref<40x128xf32, #tpu.memory_space<vmem>>, vector<1x16xf32>,
        %get3A_411 = vector.shape_cast %get3A_410 : vector<1x16xf32> to vector<16xf32>
        %get3A_412 = arith.index_cast %add3A_408 : i32 to index
        %get3A_413 = arith.constant 0 : index
        %get3A_414 = tpu.vector_load %arg16[%get3A_412, %get3A_413] {strides = array<i32>} : memref<40x128xf32, #tpu.memory_space<vmem>>, vector<1x16xf32>,
        %get3A_415 = vector.shape_cast %get3A_414 : vector<1x16xf32> to vector<16xf32>
        %add3A_416 = arith.addf %get3A_411, %get3A_415 : vector<16xf32>
        %max3A = arith.constant 0.000000e+00 : f32
        %max3A_417 = vector.broadcast %max3A : f32 to vector<16xf32>
        %max3A_418 = arith.maximumf %add3A_416, %max3A_417 : vector<16xf32>
        %swap3A = arith.index_cast %add3A_408 : i32 to index
        %swap3A_419 = arith.constant 0 : index
        %swap3A_420 = tpu.vector_load %arg14[%swap3A, %swap3A_419] {strides = array<i32>} : memref<40x128xf32, #tpu.memory_space<vmem>>, vector<1x16xf32>,
        %swap3A_421 = vector.shape_cast %swap3A_420 : vector<1x16xf32> to vector<16xf32>
        %swap3A_422 = vector.shape_cast %max3A_418 : vector<16xf32> to vector<1x16xf32>
        tpu.vector_store %arg14[%swap3A, %swap3A_419], %swap3A_422 {strides = array<i32>} : memref<40x128xf32, #tpu.memory_space<vmem>>, vector<1x16xf32>,
        %get3A_423 = arith.index_cast %add3A_408 : i32 to index
        %get3A_424 = arith.constant 16 : index
        %get3A_425 = tpu.vector_load %arg14[%get3A_423, %get3A_424] {strides = array<i32>} : memref<40x128xf32, #tpu.memory_space<vmem>>, vector<1x16xf32>,
        %get3A_426 = vector.shape_cast %get3A_425 : vector<1x16xf32> to vector<16xf32>
        %get3A_427 = arith.index_cast %add3A_408 : i32 to index
        %get3A_428 = arith.constant 16 : index
        %get3A_429 = tpu.vector_load %arg16[%get3A_427, %get3A_428] {strides = array<i32>} : memref<40x128xf32, #tpu.memory_space<vmem>>, vector<1x16xf32>,
        %get3A_430 = vector.shape_cast %get3A_429 : vector<1x16xf32> to vector<16xf32>
        %add3A_431 = arith.addf %get3A_426, %get3A_430 : vector<16xf32>
        %max3A_432 = arith.constant 0.000000e+00 : f32
        %max3A_433 = vector.broadcast %max3A_432 : f32 to vector<16xf32>
        %max3A_434 = arith.maximumf %add3A_431, %max3A_433 : vector<16xf32>
        %swap3A_435 = arith.index_cast %add3A_408 : i32 to index
        %swap3A_436 = arith.constant 16 : index
        %swap3A_437 = tpu.vector_load %arg14[%swap3A_435, %swap3A_436] {strides = array<i32>} : memref<40x128xf32, #tpu.memory_space<vmem>>, vector<1x16xf32>,
        %swap3A_438 = vector.shape_cast %swap3A_437 : vector<1x16xf32> to vector<16xf32>
        %swap3A_439 = vector.shape_cast %max3A_434 : vector<16xf32> to vector<1x16xf32>
        tpu.vector_store %arg14[%swap3A_435, %swap3A_436], %swap3A_439 {strides = array<i32>} : memref<40x128xf32, #tpu.memory_space<vmem>>, vector<1x16xf32>,
        %get3A_440 = arith.index_cast %add3A_408 : i32 to index
        %get3A_441 = arith.constant 32 : index
        %get3A_442 = tpu.vector_load %arg14[%get3A_440, %get3A_441] {strides = array<i32>} : memref<40x128xf32, #tpu.memory_space<vmem>>, vector<1x16xf32>,
        %get3A_443 = vector.shape_cast %get3A_442 : vector<1x16xf32> to vector<16xf32>
        %get3A_444 = arith.index_cast %add3A_408 : i32 to index
        %get3A_445 = arith.constant 32 : index
        %get3A_446 = tpu.vector_load %arg16[%get3A_444, %get3A_445] {strides = array<i32>} : memref<40x128xf32, #tpu.memory_space<vmem>>, vector<1x16xf32>,
        %get3A_447 = vector.shape_cast %get3A_446 : vector<1x16xf32> to vector<16xf32>
        %add3A_448 = arith.addf %get3A_443, %get3A_447 : vector<16xf32>
        %max3A_449 = arith.constant 0.000000e+00 : f32
        %max3A_450 = vector.broadcast %max3A_449 : f32 to vector<16xf32>
        %max3A_451 = arith.maximumf %add3A_448, %max3A_450 : vector<16xf32>
        %swap3A_452 = arith.index_cast %add3A_408 : i32 to index
        %swap3A_453 = arith.constant 32 : index
        %swap3A_454 = tpu.vector_load %arg14[%swap3A_452, %swap3A_453] {strides = array<i32>} : memref<40x128xf32, #tpu.memory_space<vmem>>, vector<1x16xf32>,
        %swap3A_455 = vector.shape_cast %swap3A_454 : vector<1x16xf32> to vector<16xf32>
        %swap3A_456 = vector.shape_cast %max3A_451 : vector<16xf32> to vector<1x16xf32>
        tpu.vector_store %arg14[%swap3A_452, %swap3A_453], %swap3A_456 {strides = array<i32>} : memref<40x128xf32, #tpu.memory_space<vmem>>, vector<1x16xf32>,
        %get3A_457 = arith.index_cast %add3A_408 : i32 to index
        %get3A_458 = arith.constant 48 : index
        %get3A_459 = tpu.vector_load %arg14[%get3A_457, %get3A_458] {strides = array<i32>} : memref<40x128xf32, #tpu.memory_space<vmem>>, vector<1x16xf32>,
        %get3A_460 = vector.shape_cast %get3A_459 : vector<1x16xf32> to vector<16xf32>
        %get3A_461 = arith.index_cast %add3A_408 : i32 to index
        %get3A_462 = arith.constant 48 : index
        %get3A_463 = tpu.vector_load %arg16[%get3A_461, %get3A_462] {strides = array<i32>} : memref<40x128xf32, #tpu.memory_space<vmem>>, vector<1x16xf32>,
        %get3A_464 = vector.shape_cast %get3A_463 : vector<1x16xf32> to vector<16xf32>
        %add3A_465 = arith.addf %get3A_460, %get3A_464 : vector<16xf32>
        %max3A_466 = arith.constant 0.000000e+00 : f32
        %max3A_467 = vector.broadcast %max3A_466 : f32 to vector<16xf32>
        %max3A_468 = arith.maximumf %add3A_465, %max3A_467 : vector<16xf32>
        %swap3A_469 = arith.index_cast %add3A_408 : i32 to index
        %swap3A_470 = arith.constant 48 : index
        %swap3A_471 = tpu.vector_load %arg14[%swap3A_469, %swap3A_470] {strides = array<i32>} : memref<40x128xf32, #tpu.memory_space<vmem>>, vector<1x16xf32>,
        %swap3A_472 = vector.shape_cast %swap3A_471 : vector<1x16xf32> to vector<16xf32>
        %swap3A_473 = vector.shape_cast %max3A_468 : vector<16xf32> to vector<1x16xf32>
        tpu.vector_store %arg14[%swap3A_469, %swap3A_470], %swap3A_473 {strides = array<i32>} : memref<40x128xf32, #tpu.memory_space<vmem>>, vector<1x16xf32>,
        %get3A_474 = arith.index_cast %add3A_408 : i32 to index
        %get3A_475 = arith.constant 64 : index
        %get3A_476 = tpu.vector_load %arg14[%get3A_474, %get3A_475] {strides = array<i32>} : memref<40x128xf32, #tpu.memory_space<vmem>>, vector<1x16xf32>,
        %get3A_477 = vector.shape_cast %get3A_476 : vector<1x16xf32> to vector<16xf32>
        %get3A_478 = arith.index_cast %add3A_408 : i32 to index
        %get3A_479 = arith.constant 64 : index
        %get3A_480 = tpu.vector_load %arg16[%get3A_478, %get3A_479] {strides = array<i32>} : memref<40x128xf32, #tpu.memory_space<vmem>>, vector<1x16xf32>,
        %get3A_481 = vector.shape_cast %get3A_480 : vector<1x16xf32> to vector<16xf32>
        %add3A_482 = arith.addf %get3A_477, %get3A_481 : vector<16xf32>
        %max3A_483 = arith.constant 0.000000e+00 : f32
        %max3A_484 = vector.broadcast %max3A_483 : f32 to vector<16xf32>
        %max3A_485 = arith.maximumf %add3A_482, %max3A_484 : vector<16xf32>
        %swap3A_486 = arith.index_cast %add3A_408 : i32 to index
        %swap3A_487 = arith.constant 64 : index
        %swap3A_488 = tpu.vector_load %arg14[%swap3A_486, %swap3A_487] {strides = array<i32>} : memref<40x128xf32, #tpu.memory_space<vmem>>, vector<1x16xf32>,
        %swap3A_489 = vector.shape_cast %swap3A_488 : vector<1x16xf32> to vector<16xf32>
        %swap3A_490 = vector.shape_cast %max3A_485 : vector<16xf32> to vector<1x16xf32>
        tpu.vector_store %arg14[%swap3A_486, %swap3A_487], %swap3A_490 {strides = array<i32>} : memref<40x128xf32, #tpu.memory_space<vmem>>, vector<1x16xf32>,
        %get3A_491 = arith.index_cast %add3A_408 : i32 to index
        %get3A_492 = arith.constant 80 : index
        %get3A_493 = tpu.vector_load %arg14[%get3A_491, %get3A_492] {strides = array<i32>} : memref<40x128xf32, #tpu.memory_space<vmem>>, vector<1x16xf32>,
        %get3A_494 = vector.shape_cast %get3A_493 : vector<1x16xf32> to vector<16xf32>
        %get3A_495 = arith.index_cast %add3A_408 : i32 to index
        %get3A_496 = arith.constant 80 : index
        %get3A_497 = tpu.vector_load %arg16[%get3A_495, %get3A_496] {strides = array<i32>} : memref<40x128xf32, #tpu.memory_space<vmem>>, vector<1x16xf32>,
        %get3A_498 = vector.shape_cast %get3A_497 : vector<1x16xf32> to vector<16xf32>
        %add3A_499 = arith.addf %get3A_494, %get3A_498 : vector<16xf32>
        %max3A_500 = arith.constant 0.000000e+00 : f32
        %max3A_501 = vector.broadcast %max3A_500 : f32 to vector<16xf32>
        %max3A_502 = arith.maximumf %add3A_499, %max3A_501 : vector<16xf32>
        %swap3A_503 = arith.index_cast %add3A_408 : i32 to index
        %swap3A_504 = arith.constant 80 : index
        %swap3A_505 = tpu.vector_load %arg14[%swap3A_503, %swap3A_504] {strides = array<i32>} : memref<40x128xf32, #tpu.memory_space<vmem>>, vector<1x16xf32>,
        %swap3A_506 = vector.shape_cast %swap3A_505 : vector<1x16xf32> to vector<16xf32>
        %swap3A_507 = vector.shape_cast %max3A_502 : vector<16xf32> to vector<1x16xf32>
        tpu.vector_store %arg14[%swap3A_503, %swap3A_504], %swap3A_507 {strides = array<i32>} : memref<40x128xf32, #tpu.memory_space<vmem>>, vector<1x16xf32>,
        %get3A_508 = arith.index_cast %add3A_408 : i32 to index
        %get3A_509 = arith.constant 96 : index
        %get3A_510 = tpu.vector_load %arg14[%get3A_508, %get3A_509] {strides = array<i32>} : memref<40x128xf32, #tpu.memory_space<vmem>>, vector<1x16xf32>,
        %get3A_511 = vector.shape_cast %get3A_510 : vector<1x16xf32> to vector<16xf32>
        %get3A_512 = arith.index_cast %add3A_408 : i32 to index
        %get3A_513 = arith.constant 96 : index
        %get3A_514 = tpu.vector_load %arg16[%get3A_512, %get3A_513] {strides = array<i32>} : memref<40x128xf32, #tpu.memory_space<vmem>>, vector<1x16xf32>,
        %get3A_515 = vector.shape_cast %get3A_514 : vector<1x16xf32> to vector<16xf32>
        %add3A_516 = arith.addf %get3A_511, %get3A_515 : vector<16xf32>
        %max3A_517 = arith.constant 0.000000e+00 : f32
        %max3A_518 = vector.broadcast %max3A_517 : f32 to vector<16xf32>
        %max3A_519 = arith.maximumf %add3A_516, %max3A_518 : vector<16xf32>
        %swap3A_520 = arith.index_cast %add3A_408 : i32 to index
        %swap3A_521 = arith.constant 96 : index
        %swap3A_522 = tpu.vector_load %arg14[%swap3A_520, %swap3A_521] {strides = array<i32>} : memref<40x128xf32, #tpu.memory_space<vmem>>, vector<1x16xf32>,
        %swap3A_523 = vector.shape_cast %swap3A_522 : vector<1x16xf32> to vector<16xf32>
        %swap3A_524 = vector.shape_cast %max3A_519 : vector<16xf32> to vector<1x16xf32>
        tpu.vector_store %arg14[%swap3A_520, %swap3A_521], %swap3A_524 {strides = array<i32>} : memref<40x128xf32, #tpu.memory_space<vmem>>, vector<1x16xf32>,
        %get3A_525 = arith.index_cast %add3A_408 : i32 to index
        %get3A_526 = arith.constant 112 : index
        %get3A_527 = tpu.vector_load %arg14[%get3A_525, %get3A_526] {strides = array<i32>} : memref<40x128xf32, #tpu.memory_space<vmem>>, vector<1x16xf32>,
        %get3A_528 = vector.shape_cast %get3A_527 : vector<1x16xf32> to vector<16xf32>
        %get3A_529 = arith.index_cast %add3A_408 : i32 to index
        %get3A_530 = arith.constant 112 : index
        %get3A_531 = tpu.vector_load %arg16[%get3A_529, %get3A_530] {strides = array<i32>} : memref<40x128xf32, #tpu.memory_space<vmem>>, vector<1x16xf32>,
        %get3A_532 = vector.shape_cast %get3A_531 : vector<1x16xf32> to vector<16xf32>
        %add3A_533 = arith.addf %get3A_528, %get3A_532 : vector<16xf32>
        %max3A_534 = arith.constant 0.000000e+00 : f32
        %max3A_535 = vector.broadcast %max3A_534 : f32 to vector<16xf32>
        %max3A_536 = arith.maximumf %add3A_533, %max3A_535 : vector<16xf32>
        %swap3A_537 = arith.index_cast %add3A_408 : i32 to index
        %swap3A_538 = arith.constant 112 : index
        %swap3A_539 = tpu.vector_load %arg14[%swap3A_537, %swap3A_538] {strides = array<i32>} : memref<40x128xf32, #tpu.memory_space<vmem>>, vector<1x16xf32>,
        %swap3A_540 = vector.shape_cast %swap3A_539 : vector<1x16xf32> to vector<16xf32>
        %swap3A_541 = vector.shape_cast %max3A_536 : vector<16xf32> to vector<1x16xf32>
        tpu.vector_store %arg14[%swap3A_537, %swap3A_538], %swap3A_541 {strides = array<i32>} : memref<40x128xf32, #tpu.memory_space<vmem>>, vector<1x16xf32>,
      }
      %scan3A_351 = arith.constant 40 : i32
      "tpu.region"() ({
        %run_scoped3A = tpu.sem_alloc : memref<!tpu.dma_semaphore, #tpu.memory_space<semaphore_mem>>
        %dma_start3A_404 = arith.constant 0 : i32
        %dma_start3A_405 = arith.constant 0 : i32
        %dma_start3A_406 = tpu.memref_slice %arg18[%dma_start3A_404, %dma_start3A_405] : memref<10000x128xf32, #tpu.memory_space<vmem_shared>> -> memref<10000x128xf32, #tpu.memory_space<vmem_shared>>
        tpu.enqueue_indirect_dma source(%arg14 : memref<40x128xf32, #tpu.memory_space<vmem>>) target(%dma_start3A_406 : memref<10000x128xf32, #tpu.memory_space<vmem_shared>>) offsets(%arg12 : memref<40xi32, #tpu.memory_space<vmem>>) semaphore(%run_scoped3A : memref<!tpu.dma_semaphore, #tpu.memory_space<semaphore_mem>>) {add = true}
        %dma_wait3A_407 = arith.constant 0 : i32
        %dma_wait3A_408 = arith.constant 0 : i32
        %dma_wait3A_409 = tpu.memref_slice %arg18[%dma_wait3A_407, %dma_wait3A_408] : memref<10000x128xf32, #tpu.memory_space<vmem_shared>> -> memref<10000x128xf32, #tpu.memory_space<vmem_shared>>
        tpu.wait_indirect_dma semaphore(%run_scoped3A : memref<!tpu.dma_semaphore, #tpu.memory_space<semaphore_mem>>) src(%arg14 : memref<40x128xf32, #tpu.memory_space<vmem>>) dst(%dma_wait3A_409 : memref<10000x128xf32, #tpu.memory_space<vmem_shared>>)
        tpu.yield
      }) : () -> ()
      %add3A_352 = arith.constant 4 : i32
      %add3A_353 = arith.addi %add3A_308, %add3A_352 : i32
      %lt3A_354 = arith.constant 250 : i32
      %lt3A_355 = arith.cmpi slt, %add3A_353, %lt3A_354 : i32
      %convert_element_type3A_356 = arith.extui %lt3A_355 : i1 to i32
      %cond3A_357 = arith.constant 0 : i32
      %cond3A_358 = arith.cmpi ne, %convert_element_type3A_356, %cond3A_357 : i32
      scf.if %cond3A_358 {
        %dma_start3A_404 = arith.constant 0 : i32
        %dma_start3A_405 = arith.constant 0 : i32
        %dma_start3A_406 = tpu.memref_slice %arg4[%dma_start3A_404, %add3A, %add3A_353, %dma_start3A_405] : memref<2x32x250x40xi32, #tpu.memory_space<hbm>> -> memref<1x1x1x40xi32, #tpu.memory_space<hbm>>
        %dma_start3A_407 = tpu.memref_squeeze %dma_start3A_406 : memref<1x1x1x40xi32, #tpu.memory_space<hbm>> -> memref<40xi32, #tpu.memory_space<hbm>>
        %dma_start3A_408 = arith.constant 0 : i32
        %dma_start3A_409 = tpu.memref_slice %arg4[%dma_start3A_404, %add3A, %add3A_353, %dma_start3A_408] : memref<2x32x250x40xi32, #tpu.memory_space<hbm>> -> memref<1x1x1x40xi32, #tpu.memory_space<hbm>>
        %dma_start3A_410 = tpu.memref_squeeze %dma_start3A_409 : memref<1x1x1x40xi32, #tpu.memory_space<hbm>> -> memref<40xi32, #tpu.memory_space<hbm>>
        tpu.enqueue_dma source(%dma_start3A_410 : memref<40xi32, #tpu.memory_space<hbm>>) target(%arg8 : memref<40xi32, #tpu.memory_space<vmem>>) target_semaphore(%arg21 : memref<!tpu.dma_semaphore, #tpu.memory_space<semaphore_mem>>)
        %dma_start3A_411 = arith.constant 1 : i32
        %dma_start3A_412 = arith.constant 0 : i32
        %dma_start3A_413 = tpu.memref_slice %arg4[%dma_start3A_411, %add3A, %add3A_353, %dma_start3A_412] : memref<2x32x250x40xi32, #tpu.memory_space<hbm>> -> memref<1x1x1x40xi32, #tpu.memory_space<hbm>>
        %dma_start3A_414 = tpu.memref_squeeze %dma_start3A_413 : memref<1x1x1x40xi32, #tpu.memory_space<hbm>> -> memref<40xi32, #tpu.memory_space<hbm>>
        %dma_start3A_415 = arith.constant 0 : i32
        %dma_start3A_416 = tpu.memref_slice %arg4[%dma_start3A_411, %add3A, %add3A_353, %dma_start3A_415] : memref<2x32x250x40xi32, #tpu.memory_space<hbm>> -> memref<1x1x1x40xi32, #tpu.memory_space<hbm>>
        %dma_start3A_417 = tpu.memref_squeeze %dma_start3A_416 : memref<1x1x1x40xi32, #tpu.memory_space<hbm>> -> memref<40xi32, #tpu.memory_space<hbm>>
        tpu.enqueue_dma source(%dma_start3A_417 : memref<40xi32, #tpu.memory_space<hbm>>) target(%arg12 : memref<40xi32, #tpu.memory_space<vmem>>) target_semaphore(%arg21 : memref<!tpu.dma_semaphore, #tpu.memory_space<semaphore_mem>>)
      } else {
      }
      %add3A_359 = arith.constant 3 : i32
      %add3A_360 = arith.addi %add3A_168, %add3A_359 : i32
      %add3A_361 = arith.constant 1 : i32
      %add3A_362 = arith.addi %add3A_360, %add3A_361 : i32
      %dma_wait3A_363 = arith.constant 0 : i32
      %dma_wait3A_364 = arith.constant 0 : i32
      %dma_wait3A_365 = tpu.memref_slice %arg4[%dma_wait3A_363, %add3A, %add3A_362, %dma_wait3A_364] : memref<2x32x250x40xi32, #tpu.memory_space<hbm>> -> memref<1x1x1x40xi32, #tpu.memory_space<hbm>>
      %dma_wait3A_366 = tpu.memref_squeeze %dma_wait3A_365 : memref<1x1x1x40xi32, #tpu.memory_space<hbm>> -> memref<40xi32, #tpu.memory_space<hbm>>
      %dma_wait3A_367 = arith.constant 0 : i32
      %dma_wait3A_368 = tpu.memref_slice %arg4[%dma_wait3A_363, %add3A, %add3A_362, %dma_wait3A_367] : memref<2x32x250x40xi32, #tpu.memory_space<hbm>> -> memref<1x1x1x40xi32, #tpu.memory_space<hbm>>
      %dma_wait3A_369 = tpu.memref_squeeze %dma_wait3A_368 : memref<1x1x1x40xi32, #tpu.memory_space<hbm>> -> memref<40xi32, #tpu.memory_space<hbm>>
      tpu.wait_dma2 semaphore(%arg19 : memref<!tpu.dma_semaphore, #tpu.memory_space<semaphore_mem>>) src(%dma_wait3A_369 : memref<40xi32, #tpu.memory_space<hbm>>) dst(%arg6 : memref<40xi32, #tpu.memory_space<vmem>>)
      %dma_wait3A_370 = arith.constant 1 : i32
      %dma_wait3A_371 = arith.constant 0 : i32
      %dma_wait3A_372 = tpu.memref_slice %arg4[%dma_wait3A_370, %add3A, %add3A_362, %dma_wait3A_371] : memref<2x32x250x40xi32, #tpu.memory_space<hbm>> -> memref<1x1x1x40xi32, #tpu.memory_space<hbm>>
      %dma_wait3A_373 = tpu.memref_squeeze %dma_wait3A_372 : memref<1x1x1x40xi32, #tpu.memory_space<hbm>> -> memref<40xi32, #tpu.memory_space<hbm>>
      %dma_wait3A_374 = arith.constant 0 : i32
      %dma_wait3A_375 = tpu.memref_slice %arg4[%dma_wait3A_370, %add3A, %add3A_362, %dma_wait3A_374] : memref<2x32x250x40xi32, #tpu.memory_space<hbm>> -> memref<1x1x1x40xi32, #tpu.memory_space<hbm>>
      %dma_wait3A_376 = tpu.memref_squeeze %dma_wait3A_375 : memref<1x1x1x40xi32, #tpu.memory_space<hbm>> -> memref<40xi32, #tpu.memory_space<hbm>>
      tpu.wait_dma2 semaphore(%arg19 : memref<!tpu.dma_semaphore, #tpu.memory_space<semaphore_mem>>) src(%dma_wait3A_376 : memref<40xi32, #tpu.memory_space<hbm>>) dst(%arg10 : memref<40xi32, #tpu.memory_space<vmem>>)
      %add3A_377 = arith.constant 1 : i32
      %add3A_378 = arith.addi %add3A_360, %add3A_377 : i32
      %dma_start3A_379 = arith.constant 0 : i32
      %dma_start3A_380 = arith.constant 0 : i32
      %dma_start3A_381 = tpu.memref_slice %arg2[%dma_start3A_379, %dma_start3A_380] : memref<10000x128xf32, #tpu.memory_space<hbm>> -> memref<10000x128xf32, #tpu.memory_space<hbm>>
      tpu.enqueue_indirect_dma source(%dma_start3A_381 : memref<10000x128xf32, #tpu.memory_space<hbm>>) target(%arg14 : memref<40x128xf32, #tpu.memory_space<vmem>>) offsets(%arg6 : memref<40xi32, #tpu.memory_space<vmem>>) semaphore(%arg23 : memref<!tpu.dma_semaphore, #tpu.memory_space<semaphore_mem>>)
      %mul3A_382 = arith.constant 40 : i32
      %mul3A_383 = arith.muli %add3A_378, %mul3A_382 : i32
      %add3A_384 = arith.addi %mul3A_2, %mul3A_383 : i32
      %dma_start3A_385 = arith.constant 0 : i32
      %dma_start3A_386 = tpu.memref_slice %arg3[%add3A_384, %dma_start3A_385] : memref<320000x128xf32, #tpu.memory_space<hbm>> -> memref<40x128xf32, #tpu.memory_space<hbm>>
      %dma_start3A_387 = arith.constant 0 : i32
      %dma_start3A_388 = tpu.memref_slice %arg3[%add3A_384, %dma_start3A_387] : memref<320000x128xf32, #tpu.memory_space<hbm>> -> memref<40x128xf32, #tpu.memory_space<hbm>>
      tpu.enqueue_dma source(%dma_start3A_388 : memref<40x128xf32, #tpu.memory_space<hbm>>) target(%arg16 : memref<40x128xf32, #tpu.memory_space<vmem>>) target_semaphore(%arg25 : memref<!tpu.dma_semaphore, #tpu.memory_space<semaphore_mem>>)
      %dma_wait3A_389 = arith.constant 0 : i32
      %dma_wait3A_390 = arith.constant 0 : i32
      %dma_wait3A_391 = tpu.memref_slice %arg2[%dma_wait3A_389, %dma_wait3A_390] : memref<10000x128xf32, #tpu.memory_space<hbm>> -> memref<10000x128xf32, #tpu.memory_space<hbm>>
      tpu.wait_indirect_dma semaphore(%arg24 : memref<!tpu.dma_semaphore, #tpu.memory_space<semaphore_mem>>) src(%dma_wait3A_391 : memref<10000x128xf32, #tpu.memory_space<hbm>>) dst(%arg15 : memref<40x128xf32, #tpu.memory_space<vmem>>)
      %mul3A_392 = arith.constant 40 : i32
      %mul3A_393 = arith.muli %add3A_360, %mul3A_392 : i32
      %add3A_394 = arith.addi %mul3A_2, %mul3A_393 : i32
      %dma_wait3A_395 = arith.constant 0 : i32
      %dma_wait3A_396 = tpu.memref_slice %arg3[%add3A_394, %dma_wait3A_395] : memref<320000x128xf32, #tpu.memory_space<hbm>> -> memref<40x128xf32, #tpu.memory_space<hbm>>
      %dma_wait3A_397 = arith.constant 0 : i32
      %dma_wait3A_398 = tpu.memref_slice %arg3[%add3A_394, %dma_wait3A_397] : memref<320000x128xf32, #tpu.memory_space<hbm>> -> memref<40x128xf32, #tpu.memory_space<hbm>>
      tpu.wait_dma2 semaphore(%arg26 : memref<!tpu.dma_semaphore, #tpu.memory_space<semaphore_mem>>) src(%dma_wait3A_398 : memref<40x128xf32, #tpu.memory_space<hbm>>) dst(%arg17 : memref<40x128xf32, #tpu.memory_space<vmem>>)
      %scan3A_399 = arith.constant 0 : i32
      %scan3A_400 = arith.constant 40 : i32
      %scan3A_401 = arith.addi %scan3A_399, %scan3A_400 : i32
      %scan3A_402 = arith.constant 1 : i32
      scf.for %scan3A_404 = %scan3A_399 to %scan3A_401 step %scan3A_402  : i32 {
        %mul3A_405 = arith.constant 1 : i32
        %mul3A_406 = arith.muli %scan3A_404, %mul3A_405 : i32
        %add3A_407 = arith.constant 0 : i32
        %add3A_408 = arith.addi %add3A_407, %mul3A_406 : i32
        %get3A = arith.index_cast %add3A_408 : i32 to index
        %get3A_409 = arith.constant 0 : index
        %get3A_410 = tpu.vector_load %arg15[%get3A, %get3A_409] {strides = array<i32>} : memref<40x128xf32, #tpu.memory_space<vmem>>, vector<1x16xf32>,
        %get3A_411 = vector.shape_cast %get3A_410 : vector<1x16xf32> to vector<16xf32>
        %get3A_412 = arith.index_cast %add3A_408 : i32 to index
        %get3A_413 = arith.constant 0 : index
        %get3A_414 = tpu.vector_load %arg17[%get3A_412, %get3A_413] {strides = array<i32>} : memref<40x128xf32, #tpu.memory_space<vmem>>, vector<1x16xf32>,
        %get3A_415 = vector.shape_cast %get3A_414 : vector<1x16xf32> to vector<16xf32>
        %add3A_416 = arith.addf %get3A_411, %get3A_415 : vector<16xf32>
        %max3A = arith.constant 0.000000e+00 : f32
        %max3A_417 = vector.broadcast %max3A : f32 to vector<16xf32>
        %max3A_418 = arith.maximumf %add3A_416, %max3A_417 : vector<16xf32>
        %swap3A = arith.index_cast %add3A_408 : i32 to index
        %swap3A_419 = arith.constant 0 : index
        %swap3A_420 = tpu.vector_load %arg15[%swap3A, %swap3A_419] {strides = array<i32>} : memref<40x128xf32, #tpu.memory_space<vmem>>, vector<1x16xf32>,
        %swap3A_421 = vector.shape_cast %swap3A_420 : vector<1x16xf32> to vector<16xf32>
        %swap3A_422 = vector.shape_cast %max3A_418 : vector<16xf32> to vector<1x16xf32>
        tpu.vector_store %arg15[%swap3A, %swap3A_419], %swap3A_422 {strides = array<i32>} : memref<40x128xf32, #tpu.memory_space<vmem>>, vector<1x16xf32>,
        %get3A_423 = arith.index_cast %add3A_408 : i32 to index
        %get3A_424 = arith.constant 16 : index
        %get3A_425 = tpu.vector_load %arg15[%get3A_423, %get3A_424] {strides = array<i32>} : memref<40x128xf32, #tpu.memory_space<vmem>>, vector<1x16xf32>,
        %get3A_426 = vector.shape_cast %get3A_425 : vector<1x16xf32> to vector<16xf32>
        %get3A_427 = arith.index_cast %add3A_408 : i32 to index
        %get3A_428 = arith.constant 16 : index
        %get3A_429 = tpu.vector_load %arg17[%get3A_427, %get3A_428] {strides = array<i32>} : memref<40x128xf32, #tpu.memory_space<vmem>>, vector<1x16xf32>,
        %get3A_430 = vector.shape_cast %get3A_429 : vector<1x16xf32> to vector<16xf32>
        %add3A_431 = arith.addf %get3A_426, %get3A_430 : vector<16xf32>
        %max3A_432 = arith.constant 0.000000e+00 : f32
        %max3A_433 = vector.broadcast %max3A_432 : f32 to vector<16xf32>
        %max3A_434 = arith.maximumf %add3A_431, %max3A_433 : vector<16xf32>
        %swap3A_435 = arith.index_cast %add3A_408 : i32 to index
        %swap3A_436 = arith.constant 16 : index
        %swap3A_437 = tpu.vector_load %arg15[%swap3A_435, %swap3A_436] {strides = array<i32>} : memref<40x128xf32, #tpu.memory_space<vmem>>, vector<1x16xf32>,
        %swap3A_438 = vector.shape_cast %swap3A_437 : vector<1x16xf32> to vector<16xf32>
        %swap3A_439 = vector.shape_cast %max3A_434 : vector<16xf32> to vector<1x16xf32>
        tpu.vector_store %arg15[%swap3A_435, %swap3A_436], %swap3A_439 {strides = array<i32>} : memref<40x128xf32, #tpu.memory_space<vmem>>, vector<1x16xf32>,
        %get3A_440 = arith.index_cast %add3A_408 : i32 to index
        %get3A_441 = arith.constant 32 : index
        %get3A_442 = tpu.vector_load %arg15[%get3A_440, %get3A_441] {strides = array<i32>} : memref<40x128xf32, #tpu.memory_space<vmem>>, vector<1x16xf32>,
        %get3A_443 = vector.shape_cast %get3A_442 : vector<1x16xf32> to vector<16xf32>
        %get3A_444 = arith.index_cast %add3A_408 : i32 to index
        %get3A_445 = arith.constant 32 : index
        %get3A_446 = tpu.vector_load %arg17[%get3A_444, %get3A_445] {strides = array<i32>} : memref<40x128xf32, #tpu.memory_space<vmem>>, vector<1x16xf32>,
        %get3A_447 = vector.shape_cast %get3A_446 : vector<1x16xf32> to vector<16xf32>
        %add3A_448 = arith.addf %get3A_443, %get3A_447 : vector<16xf32>
        %max3A_449 = arith.constant 0.000000e+00 : f32
        %max3A_450 = vector.broadcast %max3A_449 : f32 to vector<16xf32>
        %max3A_451 = arith.maximumf %add3A_448, %max3A_450 : vector<16xf32>
        %swap3A_452 = arith.index_cast %add3A_408 : i32 to index
        %swap3A_453 = arith.constant 32 : index
        %swap3A_454 = tpu.vector_load %arg15[%swap3A_452, %swap3A_453] {strides = array<i32>} : memref<40x128xf32, #tpu.memory_space<vmem>>, vector<1x16xf32>,
        %swap3A_455 = vector.shape_cast %swap3A_454 : vector<1x16xf32> to vector<16xf32>
        %swap3A_456 = vector.shape_cast %max3A_451 : vector<16xf32> to vector<1x16xf32>
        tpu.vector_store %arg15[%swap3A_452, %swap3A_453], %swap3A_456 {strides = array<i32>} : memref<40x128xf32, #tpu.memory_space<vmem>>, vector<1x16xf32>,
        %get3A_457 = arith.index_cast %add3A_408 : i32 to index
        %get3A_458 = arith.constant 48 : index
        %get3A_459 = tpu.vector_load %arg15[%get3A_457, %get3A_458] {strides = array<i32>} : memref<40x128xf32, #tpu.memory_space<vmem>>, vector<1x16xf32>,
        %get3A_460 = vector.shape_cast %get3A_459 : vector<1x16xf32> to vector<16xf32>
        %get3A_461 = arith.index_cast %add3A_408 : i32 to index
        %get3A_462 = arith.constant 48 : index
        %get3A_463 = tpu.vector_load %arg17[%get3A_461, %get3A_462] {strides = array<i32>} : memref<40x128xf32, #tpu.memory_space<vmem>>, vector<1x16xf32>,
        %get3A_464 = vector.shape_cast %get3A_463 : vector<1x16xf32> to vector<16xf32>
        %add3A_465 = arith.addf %get3A_460, %get3A_464 : vector<16xf32>
        %max3A_466 = arith.constant 0.000000e+00 : f32
        %max3A_467 = vector.broadcast %max3A_466 : f32 to vector<16xf32>
        %max3A_468 = arith.maximumf %add3A_465, %max3A_467 : vector<16xf32>
        %swap3A_469 = arith.index_cast %add3A_408 : i32 to index
        %swap3A_470 = arith.constant 48 : index
        %swap3A_471 = tpu.vector_load %arg15[%swap3A_469, %swap3A_470] {strides = array<i32>} : memref<40x128xf32, #tpu.memory_space<vmem>>, vector<1x16xf32>,
        %swap3A_472 = vector.shape_cast %swap3A_471 : vector<1x16xf32> to vector<16xf32>
        %swap3A_473 = vector.shape_cast %max3A_468 : vector<16xf32> to vector<1x16xf32>
        tpu.vector_store %arg15[%swap3A_469, %swap3A_470], %swap3A_473 {strides = array<i32>} : memref<40x128xf32, #tpu.memory_space<vmem>>, vector<1x16xf32>,
        %get3A_474 = arith.index_cast %add3A_408 : i32 to index
        %get3A_475 = arith.constant 64 : index
        %get3A_476 = tpu.vector_load %arg15[%get3A_474, %get3A_475] {strides = array<i32>} : memref<40x128xf32, #tpu.memory_space<vmem>>, vector<1x16xf32>,
        %get3A_477 = vector.shape_cast %get3A_476 : vector<1x16xf32> to vector<16xf32>
        %get3A_478 = arith.index_cast %add3A_408 : i32 to index
        %get3A_479 = arith.constant 64 : index
        %get3A_480 = tpu.vector_load %arg17[%get3A_478, %get3A_479] {strides = array<i32>} : memref<40x128xf32, #tpu.memory_space<vmem>>, vector<1x16xf32>,
        %get3A_481 = vector.shape_cast %get3A_480 : vector<1x16xf32> to vector<16xf32>
        %add3A_482 = arith.addf %get3A_477, %get3A_481 : vector<16xf32>
        %max3A_483 = arith.constant 0.000000e+00 : f32
        %max3A_484 = vector.broadcast %max3A_483 : f32 to vector<16xf32>
        %max3A_485 = arith.maximumf %add3A_482, %max3A_484 : vector<16xf32>
        %swap3A_486 = arith.index_cast %add3A_408 : i32 to index
        %swap3A_487 = arith.constant 64 : index
        %swap3A_488 = tpu.vector_load %arg15[%swap3A_486, %swap3A_487] {strides = array<i32>} : memref<40x128xf32, #tpu.memory_space<vmem>>, vector<1x16xf32>,
        %swap3A_489 = vector.shape_cast %swap3A_488 : vector<1x16xf32> to vector<16xf32>
        %swap3A_490 = vector.shape_cast %max3A_485 : vector<16xf32> to vector<1x16xf32>
        tpu.vector_store %arg15[%swap3A_486, %swap3A_487], %swap3A_490 {strides = array<i32>} : memref<40x128xf32, #tpu.memory_space<vmem>>, vector<1x16xf32>,
        %get3A_491 = arith.index_cast %add3A_408 : i32 to index
        %get3A_492 = arith.constant 80 : index
        %get3A_493 = tpu.vector_load %arg15[%get3A_491, %get3A_492] {strides = array<i32>} : memref<40x128xf32, #tpu.memory_space<vmem>>, vector<1x16xf32>,
        %get3A_494 = vector.shape_cast %get3A_493 : vector<1x16xf32> to vector<16xf32>
        %get3A_495 = arith.index_cast %add3A_408 : i32 to index
        %get3A_496 = arith.constant 80 : index
        %get3A_497 = tpu.vector_load %arg17[%get3A_495, %get3A_496] {strides = array<i32>} : memref<40x128xf32, #tpu.memory_space<vmem>>, vector<1x16xf32>,
        %get3A_498 = vector.shape_cast %get3A_497 : vector<1x16xf32> to vector<16xf32>
        %add3A_499 = arith.addf %get3A_494, %get3A_498 : vector<16xf32>
        %max3A_500 = arith.constant 0.000000e+00 : f32
        %max3A_501 = vector.broadcast %max3A_500 : f32 to vector<16xf32>
        %max3A_502 = arith.maximumf %add3A_499, %max3A_501 : vector<16xf32>
        %swap3A_503 = arith.index_cast %add3A_408 : i32 to index
        %swap3A_504 = arith.constant 80 : index
        %swap3A_505 = tpu.vector_load %arg15[%swap3A_503, %swap3A_504] {strides = array<i32>} : memref<40x128xf32, #tpu.memory_space<vmem>>, vector<1x16xf32>,
        %swap3A_506 = vector.shape_cast %swap3A_505 : vector<1x16xf32> to vector<16xf32>
        %swap3A_507 = vector.shape_cast %max3A_502 : vector<16xf32> to vector<1x16xf32>
        tpu.vector_store %arg15[%swap3A_503, %swap3A_504], %swap3A_507 {strides = array<i32>} : memref<40x128xf32, #tpu.memory_space<vmem>>, vector<1x16xf32>,
        %get3A_508 = arith.index_cast %add3A_408 : i32 to index
        %get3A_509 = arith.constant 96 : index
        %get3A_510 = tpu.vector_load %arg15[%get3A_508, %get3A_509] {strides = array<i32>} : memref<40x128xf32, #tpu.memory_space<vmem>>, vector<1x16xf32>,
        %get3A_511 = vector.shape_cast %get3A_510 : vector<1x16xf32> to vector<16xf32>
        %get3A_512 = arith.index_cast %add3A_408 : i32 to index
        %get3A_513 = arith.constant 96 : index
        %get3A_514 = tpu.vector_load %arg17[%get3A_512, %get3A_513] {strides = array<i32>} : memref<40x128xf32, #tpu.memory_space<vmem>>, vector<1x16xf32>,
        %get3A_515 = vector.shape_cast %get3A_514 : vector<1x16xf32> to vector<16xf32>
        %add3A_516 = arith.addf %get3A_511, %get3A_515 : vector<16xf32>
        %max3A_517 = arith.constant 0.000000e+00 : f32
        %max3A_518 = vector.broadcast %max3A_517 : f32 to vector<16xf32>
        %max3A_519 = arith.maximumf %add3A_516, %max3A_518 : vector<16xf32>
        %swap3A_520 = arith.index_cast %add3A_408 : i32 to index
        %swap3A_521 = arith.constant 96 : index
        %swap3A_522 = tpu.vector_load %arg15[%swap3A_520, %swap3A_521] {strides = array<i32>} : memref<40x128xf32, #tpu.memory_space<vmem>>, vector<1x16xf32>,
        %swap3A_523 = vector.shape_cast %swap3A_522 : vector<1x16xf32> to vector<16xf32>
        %swap3A_524 = vector.shape_cast %max3A_519 : vector<16xf32> to vector<1x16xf32>
        tpu.vector_store %arg15[%swap3A_520, %swap3A_521], %swap3A_524 {strides = array<i32>} : memref<40x128xf32, #tpu.memory_space<vmem>>, vector<1x16xf32>,
        %get3A_525 = arith.index_cast %add3A_408 : i32 to index
        %get3A_526 = arith.constant 112 : index
        %get3A_527 = tpu.vector_load %arg15[%get3A_525, %get3A_526] {strides = array<i32>} : memref<40x128xf32, #tpu.memory_space<vmem>>, vector<1x16xf32>,
        %get3A_528 = vector.shape_cast %get3A_527 : vector<1x16xf32> to vector<16xf32>
        %get3A_529 = arith.index_cast %add3A_408 : i32 to index
        %get3A_530 = arith.constant 112 : index
        %get3A_531 = tpu.vector_load %arg17[%get3A_529, %get3A_530] {strides = array<i32>} : memref<40x128xf32, #tpu.memory_space<vmem>>, vector<1x16xf32>,
        %get3A_532 = vector.shape_cast %get3A_531 : vector<1x16xf32> to vector<16xf32>
        %add3A_533 = arith.addf %get3A_528, %get3A_532 : vector<16xf32>
        %max3A_534 = arith.constant 0.000000e+00 : f32
        %max3A_535 = vector.broadcast %max3A_534 : f32 to vector<16xf32>
        %max3A_536 = arith.maximumf %add3A_533, %max3A_535 : vector<16xf32>
        %swap3A_537 = arith.index_cast %add3A_408 : i32 to index
        %swap3A_538 = arith.constant 112 : index
        %swap3A_539 = tpu.vector_load %arg15[%swap3A_537, %swap3A_538] {strides = array<i32>} : memref<40x128xf32, #tpu.memory_space<vmem>>, vector<1x16xf32>,
        %swap3A_540 = vector.shape_cast %swap3A_539 : vector<1x16xf32> to vector<16xf32>
        %swap3A_541 = vector.shape_cast %max3A_536 : vector<16xf32> to vector<1x16xf32>
        tpu.vector_store %arg15[%swap3A_537, %swap3A_538], %swap3A_541 {strides = array<i32>} : memref<40x128xf32, #tpu.memory_space<vmem>>, vector<1x16xf32>,
      }
      %scan3A_403 = arith.constant 40 : i32
      "tpu.region"() ({
        %run_scoped3A = tpu.sem_alloc : memref<!tpu.dma_semaphore, #tpu.memory_space<semaphore_mem>>
        %dma_start3A_404 = arith.constant 0 : i32
        %dma_start3A_405 = arith.constant 0 : i32
        %dma_start3A_406 = tpu.memref_slice %arg18[%dma_start3A_404, %dma_start3A_405] : memref<10000x128xf32, #tpu.memory_space<vmem_shared>> -> memref<10000x128xf32, #tpu.memory_space<vmem_shared>>
        tpu.enqueue_indirect_dma source(%arg15 : memref<40x128xf32, #tpu.memory_space<vmem>>) target(%dma_start3A_406 : memref<10000x128xf32, #tpu.memory_space<vmem_shared>>) offsets(%arg13 : memref<40xi32, #tpu.memory_space<vmem>>) semaphore(%run_scoped3A : memref<!tpu.dma_semaphore, #tpu.memory_space<semaphore_mem>>) {add = true}
        %dma_wait3A_407 = arith.constant 0 : i32
        %dma_wait3A_408 = arith.constant 0 : i32
        %dma_wait3A_409 = tpu.memref_slice %arg18[%dma_wait3A_407, %dma_wait3A_408] : memref<10000x128xf32, #tpu.memory_space<vmem_shared>> -> memref<10000x128xf32, #tpu.memory_space<vmem_shared>>
        tpu.wait_indirect_dma semaphore(%run_scoped3A : memref<!tpu.dma_semaphore, #tpu.memory_space<semaphore_mem>>) src(%arg15 : memref<40x128xf32, #tpu.memory_space<vmem>>) dst(%dma_wait3A_409 : memref<10000x128xf32, #tpu.memory_space<vmem_shared>>)
        tpu.yield
      }) : () -> ()
    }
    %scan3A_102 = arith.constant 62 : i32
    %dma_wait3A_103 = arith.constant 0 : i32
    %dma_wait3A_104 = arith.constant 249 : i32
    %dma_wait3A_105 = arith.constant 0 : i32
    %dma_wait3A_106 = tpu.memref_slice %arg4[%dma_wait3A_103, %add3A, %dma_wait3A_104, %dma_wait3A_105] : memref<2x32x250x40xi32, #tpu.memory_space<hbm>> -> memref<1x1x1x40xi32, #tpu.memory_space<hbm>>
    %dma_wait3A_107 = tpu.memref_squeeze %dma_wait3A_106 : memref<1x1x1x40xi32, #tpu.memory_space<hbm>> -> memref<40xi32, #tpu.memory_space<hbm>>
    %dma_wait3A_108 = arith.constant 0 : i32
    %dma_wait3A_109 = tpu.memref_slice %arg4[%dma_wait3A_103, %add3A, %dma_wait3A_104, %dma_wait3A_108] : memref<2x32x250x40xi32, #tpu.memory_space<hbm>> -> memref<1x1x1x40xi32, #tpu.memory_space<hbm>>
    %dma_wait3A_110 = tpu.memref_squeeze %dma_wait3A_109 : memref<1x1x1x40xi32, #tpu.memory_space<hbm>> -> memref<40xi32, #tpu.memory_space<hbm>>
    tpu.wait_dma2 semaphore(%arg20 : memref<!tpu.dma_semaphore, #tpu.memory_space<semaphore_mem>>) src(%dma_wait3A_110 : memref<40xi32, #tpu.memory_space<hbm>>) dst(%arg7 : memref<40xi32, #tpu.memory_space<vmem>>)
    %dma_wait3A_111 = arith.constant 1 : i32
    %dma_wait3A_112 = arith.constant 249 : i32
    %dma_wait3A_113 = arith.constant 0 : i32
    %dma_wait3A_114 = tpu.memref_slice %arg4[%dma_wait3A_111, %add3A, %dma_wait3A_112, %dma_wait3A_113] : memref<2x32x250x40xi32, #tpu.memory_space<hbm>> -> memref<1x1x1x40xi32, #tpu.memory_space<hbm>>
    %dma_wait3A_115 = tpu.memref_squeeze %dma_wait3A_114 : memref<1x1x1x40xi32, #tpu.memory_space<hbm>> -> memref<40xi32, #tpu.memory_space<hbm>>
    %dma_wait3A_116 = arith.constant 0 : i32
    %dma_wait3A_117 = tpu.memref_slice %arg4[%dma_wait3A_111, %add3A, %dma_wait3A_112, %dma_wait3A_116] : memref<2x32x250x40xi32, #tpu.memory_space<hbm>> -> memref<1x1x1x40xi32, #tpu.memory_space<hbm>>
    %dma_wait3A_118 = tpu.memref_squeeze %dma_wait3A_117 : memref<1x1x1x40xi32, #tpu.memory_space<hbm>> -> memref<40xi32, #tpu.memory_space<hbm>>
    tpu.wait_dma2 semaphore(%arg20 : memref<!tpu.dma_semaphore, #tpu.memory_space<semaphore_mem>>) src(%dma_wait3A_118 : memref<40xi32, #tpu.memory_space<hbm>>) dst(%arg11 : memref<40xi32, #tpu.memory_space<vmem>>)
    %dma_start3A_119 = arith.constant 0 : i32
    %dma_start3A_120 = arith.constant 0 : i32
    %dma_start3A_121 = tpu.memref_slice %arg2[%dma_start3A_119, %dma_start3A_120] : memref<10000x128xf32, #tpu.memory_space<hbm>> -> memref<10000x128xf32, #tpu.memory_space<hbm>>
    tpu.enqueue_indirect_dma source(%dma_start3A_121 : memref<10000x128xf32, #tpu.memory_space<hbm>>) target(%arg15 : memref<40x128xf32, #tpu.memory_space<vmem>>) offsets(%arg7 : memref<40xi32, #tpu.memory_space<vmem>>) semaphore(%arg24 : memref<!tpu.dma_semaphore, #tpu.memory_space<semaphore_mem>>)
    %add3A_122 = arith.constant 9960 : i32
    %add3A_123 = arith.addi %mul3A_2, %add3A_122 : i32
    %dma_start3A_124 = arith.constant 0 : i32
    %dma_start3A_125 = tpu.memref_slice %arg3[%add3A_123, %dma_start3A_124] : memref<320000x128xf32, #tpu.memory_space<hbm>> -> memref<40x128xf32, #tpu.memory_space<hbm>>
    %dma_start3A_126 = arith.constant 0 : i32
    %dma_start3A_127 = tpu.memref_slice %arg3[%add3A_123, %dma_start3A_126] : memref<320000x128xf32, #tpu.memory_space<hbm>> -> memref<40x128xf32, #tpu.memory_space<hbm>>
    tpu.enqueue_dma source(%dma_start3A_127 : memref<40x128xf32, #tpu.memory_space<hbm>>) target(%arg17 : memref<40x128xf32, #tpu.memory_space<vmem>>) target_semaphore(%arg26 : memref<!tpu.dma_semaphore, #tpu.memory_space<semaphore_mem>>)
    %dma_wait3A_128 = arith.constant 0 : i32
    %dma_wait3A_129 = arith.constant 0 : i32
    %dma_wait3A_130 = tpu.memref_slice %arg2[%dma_wait3A_128, %dma_wait3A_129] : memref<10000x128xf32, #tpu.memory_space<hbm>> -> memref<10000x128xf32, #tpu.memory_space<hbm>>
    tpu.wait_indirect_dma semaphore(%arg23 : memref<!tpu.dma_semaphore, #tpu.memory_space<semaphore_mem>>) src(%dma_wait3A_130 : memref<10000x128xf32, #tpu.memory_space<hbm>>) dst(%arg14 : memref<40x128xf32, #tpu.memory_space<vmem>>)
    %add3A_131 = arith.constant 9920 : i32
    %add3A_132 = arith.addi %mul3A_2, %add3A_131 : i32
    %dma_wait3A_133 = arith.constant 0 : i32
    %dma_wait3A_134 = tpu.memref_slice %arg3[%add3A_132, %dma_wait3A_133] : memref<320000x128xf32, #tpu.memory_space<hbm>> -> memref<40x128xf32, #tpu.memory_space<hbm>>
    %dma_wait3A_135 = arith.constant 0 : i32
    %dma_wait3A_136 = tpu.memref_slice %arg3[%add3A_132, %dma_wait3A_135] : memref<320000x128xf32, #tpu.memory_space<hbm>> -> memref<40x128xf32, #tpu.memory_space<hbm>>
    tpu.wait_dma2 semaphore(%arg25 : memref<!tpu.dma_semaphore, #tpu.memory_space<semaphore_mem>>) src(%dma_wait3A_136 : memref<40x128xf32, #tpu.memory_space<hbm>>) dst(%arg16 : memref<40x128xf32, #tpu.memory_space<vmem>>)
    %scan3A_137 = arith.constant 0 : i32
    %scan3A_138 = arith.constant 40 : i32
    %scan3A_139 = arith.addi %scan3A_137, %scan3A_138 : i32
    %scan3A_140 = arith.constant 1 : i32
    scf.for %scan3A_164 = %scan3A_137 to %scan3A_139 step %scan3A_140  : i32 {
      %mul3A_165 = arith.constant 1 : i32
      %mul3A_166 = arith.muli %scan3A_164, %mul3A_165 : i32
      %add3A_167 = arith.constant 0 : i32
      %add3A_168 = arith.addi %add3A_167, %mul3A_166 : i32
      %get3A = arith.index_cast %add3A_168 : i32 to index
      %get3A_169 = arith.constant 0 : index
      %get3A_170 = tpu.vector_load %arg14[%get3A, %get3A_169] {strides = array<i32>} : memref<40x128xf32, #tpu.memory_space<vmem>>, vector<1x16xf32>,
      %get3A_171 = vector.shape_cast %get3A_170 : vector<1x16xf32> to vector<16xf32>
      %get3A_172 = arith.index_cast %add3A_168 : i32 to index
      %get3A_173 = arith.constant 0 : index
      %get3A_174 = tpu.vector_load %arg16[%get3A_172, %get3A_173] {strides = array<i32>} : memref<40x128xf32, #tpu.memory_space<vmem>>, vector<1x16xf32>,
      %get3A_175 = vector.shape_cast %get3A_174 : vector<1x16xf32> to vector<16xf32>
      %add3A_176 = arith.addf %get3A_171, %get3A_175 : vector<16xf32>
      %max3A = arith.constant 0.000000e+00 : f32
      %max3A_177 = vector.broadcast %max3A : f32 to vector<16xf32>
      %max3A_178 = arith.maximumf %add3A_176, %max3A_177 : vector<16xf32>
      %swap3A = arith.index_cast %add3A_168 : i32 to index
      %swap3A_179 = arith.constant 0 : index
      %swap3A_180 = tpu.vector_load %arg14[%swap3A, %swap3A_179] {strides = array<i32>} : memref<40x128xf32, #tpu.memory_space<vmem>>, vector<1x16xf32>,
      %swap3A_181 = vector.shape_cast %swap3A_180 : vector<1x16xf32> to vector<16xf32>
      %swap3A_182 = vector.shape_cast %max3A_178 : vector<16xf32> to vector<1x16xf32>
      tpu.vector_store %arg14[%swap3A, %swap3A_179], %swap3A_182 {strides = array<i32>} : memref<40x128xf32, #tpu.memory_space<vmem>>, vector<1x16xf32>,
      %get3A_183 = arith.index_cast %add3A_168 : i32 to index
      %get3A_184 = arith.constant 16 : index
      %get3A_185 = tpu.vector_load %arg14[%get3A_183, %get3A_184] {strides = array<i32>} : memref<40x128xf32, #tpu.memory_space<vmem>>, vector<1x16xf32>,
      %get3A_186 = vector.shape_cast %get3A_185 : vector<1x16xf32> to vector<16xf32>
      %get3A_187 = arith.index_cast %add3A_168 : i32 to index
      %get3A_188 = arith.constant 16 : index
      %get3A_189 = tpu.vector_load %arg16[%get3A_187, %get3A_188] {strides = array<i32>} : memref<40x128xf32, #tpu.memory_space<vmem>>, vector<1x16xf32>,
      %get3A_190 = vector.shape_cast %get3A_189 : vector<1x16xf32> to vector<16xf32>
      %add3A_191 = arith.addf %get3A_186, %get3A_190 : vector<16xf32>
      %max3A_192 = arith.constant 0.000000e+00 : f32
      %max3A_193 = vector.broadcast %max3A_192 : f32 to vector<16xf32>
      %max3A_194 = arith.maximumf %add3A_191, %max3A_193 : vector<16xf32>
      %swap3A_195 = arith.index_cast %add3A_168 : i32 to index
      %swap3A_196 = arith.constant 16 : index
      %swap3A_197 = tpu.vector_load %arg14[%swap3A_195, %swap3A_196] {strides = array<i32>} : memref<40x128xf32, #tpu.memory_space<vmem>>, vector<1x16xf32>,
      %swap3A_198 = vector.shape_cast %swap3A_197 : vector<1x16xf32> to vector<16xf32>
      %swap3A_199 = vector.shape_cast %max3A_194 : vector<16xf32> to vector<1x16xf32>
      tpu.vector_store %arg14[%swap3A_195, %swap3A_196], %swap3A_199 {strides = array<i32>} : memref<40x128xf32, #tpu.memory_space<vmem>>, vector<1x16xf32>,
      %get3A_200 = arith.index_cast %add3A_168 : i32 to index
      %get3A_201 = arith.constant 32 : index
      %get3A_202 = tpu.vector_load %arg14[%get3A_200, %get3A_201] {strides = array<i32>} : memref<40x128xf32, #tpu.memory_space<vmem>>, vector<1x16xf32>,
      %get3A_203 = vector.shape_cast %get3A_202 : vector<1x16xf32> to vector<16xf32>
      %get3A_204 = arith.index_cast %add3A_168 : i32 to index
      %get3A_205 = arith.constant 32 : index
      %get3A_206 = tpu.vector_load %arg16[%get3A_204, %get3A_205] {strides = array<i32>} : memref<40x128xf32, #tpu.memory_space<vmem>>, vector<1x16xf32>,
      %get3A_207 = vector.shape_cast %get3A_206 : vector<1x16xf32> to vector<16xf32>
      %add3A_208 = arith.addf %get3A_203, %get3A_207 : vector<16xf32>
      %max3A_209 = arith.constant 0.000000e+00 : f32
      %max3A_210 = vector.broadcast %max3A_209 : f32 to vector<16xf32>
      %max3A_211 = arith.maximumf %add3A_208, %max3A_210 : vector<16xf32>
      %swap3A_212 = arith.index_cast %add3A_168 : i32 to index
      %swap3A_213 = arith.constant 32 : index
      %swap3A_214 = tpu.vector_load %arg14[%swap3A_212, %swap3A_213] {strides = array<i32>} : memref<40x128xf32, #tpu.memory_space<vmem>>, vector<1x16xf32>,
      %swap3A_215 = vector.shape_cast %swap3A_214 : vector<1x16xf32> to vector<16xf32>
      %swap3A_216 = vector.shape_cast %max3A_211 : vector<16xf32> to vector<1x16xf32>
      tpu.vector_store %arg14[%swap3A_212, %swap3A_213], %swap3A_216 {strides = array<i32>} : memref<40x128xf32, #tpu.memory_space<vmem>>, vector<1x16xf32>,
      %get3A_217 = arith.index_cast %add3A_168 : i32 to index
      %get3A_218 = arith.constant 48 : index
      %get3A_219 = tpu.vector_load %arg14[%get3A_217, %get3A_218] {strides = array<i32>} : memref<40x128xf32, #tpu.memory_space<vmem>>, vector<1x16xf32>,
      %get3A_220 = vector.shape_cast %get3A_219 : vector<1x16xf32> to vector<16xf32>
      %get3A_221 = arith.index_cast %add3A_168 : i32 to index
      %get3A_222 = arith.constant 48 : index
      %get3A_223 = tpu.vector_load %arg16[%get3A_221, %get3A_222] {strides = array<i32>} : memref<40x128xf32, #tpu.memory_space<vmem>>, vector<1x16xf32>,
      %get3A_224 = vector.shape_cast %get3A_223 : vector<1x16xf32> to vector<16xf32>
      %add3A_225 = arith.addf %get3A_220, %get3A_224 : vector<16xf32>
      %max3A_226 = arith.constant 0.000000e+00 : f32
      %max3A_227 = vector.broadcast %max3A_226 : f32 to vector<16xf32>
      %max3A_228 = arith.maximumf %add3A_225, %max3A_227 : vector<16xf32>
      %swap3A_229 = arith.index_cast %add3A_168 : i32 to index
      %swap3A_230 = arith.constant 48 : index
      %swap3A_231 = tpu.vector_load %arg14[%swap3A_229, %swap3A_230] {strides = array<i32>} : memref<40x128xf32, #tpu.memory_space<vmem>>, vector<1x16xf32>,
      %swap3A_232 = vector.shape_cast %swap3A_231 : vector<1x16xf32> to vector<16xf32>
      %swap3A_233 = vector.shape_cast %max3A_228 : vector<16xf32> to vector<1x16xf32>
      tpu.vector_store %arg14[%swap3A_229, %swap3A_230], %swap3A_233 {strides = array<i32>} : memref<40x128xf32, #tpu.memory_space<vmem>>, vector<1x16xf32>,
      %get3A_234 = arith.index_cast %add3A_168 : i32 to index
      %get3A_235 = arith.constant 64 : index
      %get3A_236 = tpu.vector_load %arg14[%get3A_234, %get3A_235] {strides = array<i32>} : memref<40x128xf32, #tpu.memory_space<vmem>>, vector<1x16xf32>,
      %get3A_237 = vector.shape_cast %get3A_236 : vector<1x16xf32> to vector<16xf32>
      %get3A_238 = arith.index_cast %add3A_168 : i32 to index
      %get3A_239 = arith.constant 64 : index
      %get3A_240 = tpu.vector_load %arg16[%get3A_238, %get3A_239] {strides = array<i32>} : memref<40x128xf32, #tpu.memory_space<vmem>>, vector<1x16xf32>,
      %get3A_241 = vector.shape_cast %get3A_240 : vector<1x16xf32> to vector<16xf32>
      %add3A_242 = arith.addf %get3A_237, %get3A_241 : vector<16xf32>
      %max3A_243 = arith.constant 0.000000e+00 : f32
      %max3A_244 = vector.broadcast %max3A_243 : f32 to vector<16xf32>
      %max3A_245 = arith.maximumf %add3A_242, %max3A_244 : vector<16xf32>
      %swap3A_246 = arith.index_cast %add3A_168 : i32 to index
      %swap3A_247 = arith.constant 64 : index
      %swap3A_248 = tpu.vector_load %arg14[%swap3A_246, %swap3A_247] {strides = array<i32>} : memref<40x128xf32, #tpu.memory_space<vmem>>, vector<1x16xf32>,
      %swap3A_249 = vector.shape_cast %swap3A_248 : vector<1x16xf32> to vector<16xf32>
      %swap3A_250 = vector.shape_cast %max3A_245 : vector<16xf32> to vector<1x16xf32>
      tpu.vector_store %arg14[%swap3A_246, %swap3A_247], %swap3A_250 {strides = array<i32>} : memref<40x128xf32, #tpu.memory_space<vmem>>, vector<1x16xf32>,
      %get3A_251 = arith.index_cast %add3A_168 : i32 to index
      %get3A_252 = arith.constant 80 : index
      %get3A_253 = tpu.vector_load %arg14[%get3A_251, %get3A_252] {strides = array<i32>} : memref<40x128xf32, #tpu.memory_space<vmem>>, vector<1x16xf32>,
      %get3A_254 = vector.shape_cast %get3A_253 : vector<1x16xf32> to vector<16xf32>
      %get3A_255 = arith.index_cast %add3A_168 : i32 to index
      %get3A_256 = arith.constant 80 : index
      %get3A_257 = tpu.vector_load %arg16[%get3A_255, %get3A_256] {strides = array<i32>} : memref<40x128xf32, #tpu.memory_space<vmem>>, vector<1x16xf32>,
      %get3A_258 = vector.shape_cast %get3A_257 : vector<1x16xf32> to vector<16xf32>
      %add3A_259 = arith.addf %get3A_254, %get3A_258 : vector<16xf32>
      %max3A_260 = arith.constant 0.000000e+00 : f32
      %max3A_261 = vector.broadcast %max3A_260 : f32 to vector<16xf32>
      %max3A_262 = arith.maximumf %add3A_259, %max3A_261 : vector<16xf32>
      %swap3A_263 = arith.index_cast %add3A_168 : i32 to index
      %swap3A_264 = arith.constant 80 : index
      %swap3A_265 = tpu.vector_load %arg14[%swap3A_263, %swap3A_264] {strides = array<i32>} : memref<40x128xf32, #tpu.memory_space<vmem>>, vector<1x16xf32>,
      %swap3A_266 = vector.shape_cast %swap3A_265 : vector<1x16xf32> to vector<16xf32>
      %swap3A_267 = vector.shape_cast %max3A_262 : vector<16xf32> to vector<1x16xf32>
      tpu.vector_store %arg14[%swap3A_263, %swap3A_264], %swap3A_267 {strides = array<i32>} : memref<40x128xf32, #tpu.memory_space<vmem>>, vector<1x16xf32>,
      %get3A_268 = arith.index_cast %add3A_168 : i32 to index
      %get3A_269 = arith.constant 96 : index
      %get3A_270 = tpu.vector_load %arg14[%get3A_268, %get3A_269] {strides = array<i32>} : memref<40x128xf32, #tpu.memory_space<vmem>>, vector<1x16xf32>,
      %get3A_271 = vector.shape_cast %get3A_270 : vector<1x16xf32> to vector<16xf32>
      %get3A_272 = arith.index_cast %add3A_168 : i32 to index
      %get3A_273 = arith.constant 96 : index
      %get3A_274 = tpu.vector_load %arg16[%get3A_272, %get3A_273] {strides = array<i32>} : memref<40x128xf32, #tpu.memory_space<vmem>>, vector<1x16xf32>,
      %get3A_275 = vector.shape_cast %get3A_274 : vector<1x16xf32> to vector<16xf32>
      %add3A_276 = arith.addf %get3A_271, %get3A_275 : vector<16xf32>
      %max3A_277 = arith.constant 0.000000e+00 : f32
      %max3A_278 = vector.broadcast %max3A_277 : f32 to vector<16xf32>
      %max3A_279 = arith.maximumf %add3A_276, %max3A_278 : vector<16xf32>
      %swap3A_280 = arith.index_cast %add3A_168 : i32 to index
      %swap3A_281 = arith.constant 96 : index
      %swap3A_282 = tpu.vector_load %arg14[%swap3A_280, %swap3A_281] {strides = array<i32>} : memref<40x128xf32, #tpu.memory_space<vmem>>, vector<1x16xf32>,
      %swap3A_283 = vector.shape_cast %swap3A_282 : vector<1x16xf32> to vector<16xf32>
      %swap3A_284 = vector.shape_cast %max3A_279 : vector<16xf32> to vector<1x16xf32>
      tpu.vector_store %arg14[%swap3A_280, %swap3A_281], %swap3A_284 {strides = array<i32>} : memref<40x128xf32, #tpu.memory_space<vmem>>, vector<1x16xf32>,
      %get3A_285 = arith.index_cast %add3A_168 : i32 to index
      %get3A_286 = arith.constant 112 : index
      %get3A_287 = tpu.vector_load %arg14[%get3A_285, %get3A_286] {strides = array<i32>} : memref<40x128xf32, #tpu.memory_space<vmem>>, vector<1x16xf32>,
      %get3A_288 = vector.shape_cast %get3A_287 : vector<1x16xf32> to vector<16xf32>
      %get3A_289 = arith.index_cast %add3A_168 : i32 to index
      %get3A_290 = arith.constant 112 : index
      %get3A_291 = tpu.vector_load %arg16[%get3A_289, %get3A_290] {strides = array<i32>} : memref<40x128xf32, #tpu.memory_space<vmem>>, vector<1x16xf32>,
      %get3A_292 = vector.shape_cast %get3A_291 : vector<1x16xf32> to vector<16xf32>
      %add3A_293 = arith.addf %get3A_288, %get3A_292 : vector<16xf32>
      %max3A_294 = arith.constant 0.000000e+00 : f32
      %max3A_295 = vector.broadcast %max3A_294 : f32 to vector<16xf32>
      %max3A_296 = arith.maximumf %add3A_293, %max3A_295 : vector<16xf32>
      %swap3A_297 = arith.index_cast %add3A_168 : i32 to index
      %swap3A_298 = arith.constant 112 : index
      %swap3A_299 = tpu.vector_load %arg14[%swap3A_297, %swap3A_298] {strides = array<i32>} : memref<40x128xf32, #tpu.memory_space<vmem>>, vector<1x16xf32>,
      %swap3A_300 = vector.shape_cast %swap3A_299 : vector<1x16xf32> to vector<16xf32>
      %swap3A_301 = vector.shape_cast %max3A_296 : vector<16xf32> to vector<1x16xf32>
      tpu.vector_store %arg14[%swap3A_297, %swap3A_298], %swap3A_301 {strides = array<i32>} : memref<40x128xf32, #tpu.memory_space<vmem>>, vector<1x16xf32>,
    }
    %scan3A_141 = arith.constant 40 : i32
    "tpu.region"() ({
      %run_scoped3A = tpu.sem_alloc : memref<!tpu.dma_semaphore, #tpu.memory_space<semaphore_mem>>
      %dma_start3A_164 = arith.constant 0 : i32
      %dma_start3A_165 = arith.constant 0 : i32
      %dma_start3A_166 = tpu.memref_slice %arg18[%dma_start3A_164, %dma_start3A_165] : memref<10000x128xf32, #tpu.memory_space<vmem_shared>> -> memref<10000x128xf32, #tpu.memory_space<vmem_shared>>
      tpu.enqueue_indirect_dma source(%arg14 : memref<40x128xf32, #tpu.memory_space<vmem>>) target(%dma_start3A_166 : memref<10000x128xf32, #tpu.memory_space<vmem_shared>>) offsets(%arg10 : memref<40xi32, #tpu.memory_space<vmem>>) semaphore(%run_scoped3A : memref<!tpu.dma_semaphore, #tpu.memory_space<semaphore_mem>>) {add = true}
      %dma_wait3A_167 = arith.constant 0 : i32
      %dma_wait3A_168 = arith.constant 0 : i32
      %dma_wait3A_169 = tpu.memref_slice %arg18[%dma_wait3A_167, %dma_wait3A_168] : memref<10000x128xf32, #tpu.memory_space<vmem_shared>> -> memref<10000x128xf32, #tpu.memory_space<vmem_shared>>
      tpu.wait_indirect_dma semaphore(%run_scoped3A : memref<!tpu.dma_semaphore, #tpu.memory_space<semaphore_mem>>) src(%arg14 : memref<40x128xf32, #tpu.memory_space<vmem>>) dst(%dma_wait3A_169 : memref<10000x128xf32, #tpu.memory_space<vmem_shared>>)
      tpu.yield
    }) : () -> ()
    %dma_wait3A_142 = arith.constant 0 : i32
    %dma_wait3A_143 = arith.constant 0 : i32
    %dma_wait3A_144 = tpu.memref_slice %arg2[%dma_wait3A_142, %dma_wait3A_143] : memref<10000x128xf32, #tpu.memory_space<hbm>> -> memref<10000x128xf32, #tpu.memory_space<hbm>>
    tpu.wait_indirect_dma semaphore(%arg24 : memref<!tpu.dma_semaphore, #tpu.memory_space<semaphore_mem>>) src(%dma_wait3A_144 : memref<10000x128xf32, #tpu.memory_space<hbm>>) dst(%arg15 : memref<40x128xf32, #tpu.memory_space<vmem>>)
    %add3A_145 = arith.constant 9960 : i32
    %add3A_146 = arith.addi %mul3A_2, %add3A_145 : i32
    %dma_wait3A_147 = arith.constant 0 : i32
    %dma_wait3A_148 = tpu.memref_slice %arg3[%add3A_146, %dma_wait3A_147] : memref<320000x128xf32, #tpu.memory_space<hbm>> -> memref<40x128xf32, #tpu.memory_space<hbm>>
    %dma_wait3A_149 = arith.constant 0 : i32
    %dma_wait3A_150 = tpu.memref_slice %arg3[%add3A_146, %dma_wait3A_149] : memref<320000x128xf32, #tpu.memory_space<hbm>> -> memref<40x128xf32, #tpu.memory_space<hbm>>
    tpu.wait_dma2 semaphore(%arg26 : memref<!tpu.dma_semaphore, #tpu.memory_space<semaphore_mem>>) src(%dma_wait3A_150 : memref<40x128xf32, #tpu.memory_space<hbm>>) dst(%arg17 : memref<40x128xf32, #tpu.memory_space<vmem>>)
    %scan3A_151 = arith.constant 0 : i32
    %scan3A_152 = arith.constant 40 : i32
    %scan3A_153 = arith.addi %scan3A_151, %scan3A_152 : i32
    %scan3A_154 = arith.constant 1 : i32
    scf.for %scan3A_164 = %scan3A_151 to %scan3A_153 step %scan3A_154  : i32 {
      %mul3A_165 = arith.constant 1 : i32
      %mul3A_166 = arith.muli %scan3A_164, %mul3A_165 : i32
      %add3A_167 = arith.constant 0 : i32
      %add3A_168 = arith.addi %add3A_167, %mul3A_166 : i32
      %get3A = arith.index_cast %add3A_168 : i32 to index
      %get3A_169 = arith.constant 0 : index
      %get3A_170 = tpu.vector_load %arg15[%get3A, %get3A_169] {strides = array<i32>} : memref<40x128xf32, #tpu.memory_space<vmem>>, vector<1x16xf32>,
      %get3A_171 = vector.shape_cast %get3A_170 : vector<1x16xf32> to vector<16xf32>
      %get3A_172 = arith.index_cast %add3A_168 : i32 to index
      %get3A_173 = arith.constant 0 : index
      %get3A_174 = tpu.vector_load %arg17[%get3A_172, %get3A_173] {strides = array<i32>} : memref<40x128xf32, #tpu.memory_space<vmem>>, vector<1x16xf32>,
      %get3A_175 = vector.shape_cast %get3A_174 : vector<1x16xf32> to vector<16xf32>
      %add3A_176 = arith.addf %get3A_171, %get3A_175 : vector<16xf32>
      %max3A = arith.constant 0.000000e+00 : f32
      %max3A_177 = vector.broadcast %max3A : f32 to vector<16xf32>
      %max3A_178 = arith.maximumf %add3A_176, %max3A_177 : vector<16xf32>
      %swap3A = arith.index_cast %add3A_168 : i32 to index
      %swap3A_179 = arith.constant 0 : index
      %swap3A_180 = tpu.vector_load %arg15[%swap3A, %swap3A_179] {strides = array<i32>} : memref<40x128xf32, #tpu.memory_space<vmem>>, vector<1x16xf32>,
      %swap3A_181 = vector.shape_cast %swap3A_180 : vector<1x16xf32> to vector<16xf32>
      %swap3A_182 = vector.shape_cast %max3A_178 : vector<16xf32> to vector<1x16xf32>
      tpu.vector_store %arg15[%swap3A, %swap3A_179], %swap3A_182 {strides = array<i32>} : memref<40x128xf32, #tpu.memory_space<vmem>>, vector<1x16xf32>,
      %get3A_183 = arith.index_cast %add3A_168 : i32 to index
      %get3A_184 = arith.constant 16 : index
      %get3A_185 = tpu.vector_load %arg15[%get3A_183, %get3A_184] {strides = array<i32>} : memref<40x128xf32, #tpu.memory_space<vmem>>, vector<1x16xf32>,
      %get3A_186 = vector.shape_cast %get3A_185 : vector<1x16xf32> to vector<16xf32>
      %get3A_187 = arith.index_cast %add3A_168 : i32 to index
      %get3A_188 = arith.constant 16 : index
      %get3A_189 = tpu.vector_load %arg17[%get3A_187, %get3A_188] {strides = array<i32>} : memref<40x128xf32, #tpu.memory_space<vmem>>, vector<1x16xf32>,
      %get3A_190 = vector.shape_cast %get3A_189 : vector<1x16xf32> to vector<16xf32>
      %add3A_191 = arith.addf %get3A_186, %get3A_190 : vector<16xf32>
      %max3A_192 = arith.constant 0.000000e+00 : f32
      %max3A_193 = vector.broadcast %max3A_192 : f32 to vector<16xf32>
      %max3A_194 = arith.maximumf %add3A_191, %max3A_193 : vector<16xf32>
      %swap3A_195 = arith.index_cast %add3A_168 : i32 to index
      %swap3A_196 = arith.constant 16 : index
      %swap3A_197 = tpu.vector_load %arg15[%swap3A_195, %swap3A_196] {strides = array<i32>} : memref<40x128xf32, #tpu.memory_space<vmem>>, vector<1x16xf32>,
      %swap3A_198 = vector.shape_cast %swap3A_197 : vector<1x16xf32> to vector<16xf32>
      %swap3A_199 = vector.shape_cast %max3A_194 : vector<16xf32> to vector<1x16xf32>
      tpu.vector_store %arg15[%swap3A_195, %swap3A_196], %swap3A_199 {strides = array<i32>} : memref<40x128xf32, #tpu.memory_space<vmem>>, vector<1x16xf32>,
      %get3A_200 = arith.index_cast %add3A_168 : i32 to index
      %get3A_201 = arith.constant 32 : index
      %get3A_202 = tpu.vector_load %arg15[%get3A_200, %get3A_201] {strides = array<i32>} : memref<40x128xf32, #tpu.memory_space<vmem>>, vector<1x16xf32>,
      %get3A_203 = vector.shape_cast %get3A_202 : vector<1x16xf32> to vector<16xf32>
      %get3A_204 = arith.index_cast %add3A_168 : i32 to index
      %get3A_205 = arith.constant 32 : index
      %get3A_206 = tpu.vector_load %arg17[%get3A_204, %get3A_205] {strides = array<i32>} : memref<40x128xf32, #tpu.memory_space<vmem>>, vector<1x16xf32>,
      %get3A_207 = vector.shape_cast %get3A_206 : vector<1x16xf32> to vector<16xf32>
      %add3A_208 = arith.addf %get3A_203, %get3A_207 : vector<16xf32>
      %max3A_209 = arith.constant 0.000000e+00 : f32
      %max3A_210 = vector.broadcast %max3A_209 : f32 to vector<16xf32>
      %max3A_211 = arith.maximumf %add3A_208, %max3A_210 : vector<16xf32>
      %swap3A_212 = arith.index_cast %add3A_168 : i32 to index
      %swap3A_213 = arith.constant 32 : index
      %swap3A_214 = tpu.vector_load %arg15[%swap3A_212, %swap3A_213] {strides = array<i32>} : memref<40x128xf32, #tpu.memory_space<vmem>>, vector<1x16xf32>,
      %swap3A_215 = vector.shape_cast %swap3A_214 : vector<1x16xf32> to vector<16xf32>
      %swap3A_216 = vector.shape_cast %max3A_211 : vector<16xf32> to vector<1x16xf32>
      tpu.vector_store %arg15[%swap3A_212, %swap3A_213], %swap3A_216 {strides = array<i32>} : memref<40x128xf32, #tpu.memory_space<vmem>>, vector<1x16xf32>,
      %get3A_217 = arith.index_cast %add3A_168 : i32 to index
      %get3A_218 = arith.constant 48 : index
      %get3A_219 = tpu.vector_load %arg15[%get3A_217, %get3A_218] {strides = array<i32>} : memref<40x128xf32, #tpu.memory_space<vmem>>, vector<1x16xf32>,
      %get3A_220 = vector.shape_cast %get3A_219 : vector<1x16xf32> to vector<16xf32>
      %get3A_221 = arith.index_cast %add3A_168 : i32 to index
      %get3A_222 = arith.constant 48 : index
      %get3A_223 = tpu.vector_load %arg17[%get3A_221, %get3A_222] {strides = array<i32>} : memref<40x128xf32, #tpu.memory_space<vmem>>, vector<1x16xf32>,
      %get3A_224 = vector.shape_cast %get3A_223 : vector<1x16xf32> to vector<16xf32>
      %add3A_225 = arith.addf %get3A_220, %get3A_224 : vector<16xf32>
      %max3A_226 = arith.constant 0.000000e+00 : f32
      %max3A_227 = vector.broadcast %max3A_226 : f32 to vector<16xf32>
      %max3A_228 = arith.maximumf %add3A_225, %max3A_227 : vector<16xf32>
      %swap3A_229 = arith.index_cast %add3A_168 : i32 to index
      %swap3A_230 = arith.constant 48 : index
      %swap3A_231 = tpu.vector_load %arg15[%swap3A_229, %swap3A_230] {strides = array<i32>} : memref<40x128xf32, #tpu.memory_space<vmem>>, vector<1x16xf32>,
      %swap3A_232 = vector.shape_cast %swap3A_231 : vector<1x16xf32> to vector<16xf32>
      %swap3A_233 = vector.shape_cast %max3A_228 : vector<16xf32> to vector<1x16xf32>
      tpu.vector_store %arg15[%swap3A_229, %swap3A_230], %swap3A_233 {strides = array<i32>} : memref<40x128xf32, #tpu.memory_space<vmem>>, vector<1x16xf32>,
      %get3A_234 = arith.index_cast %add3A_168 : i32 to index
      %get3A_235 = arith.constant 64 : index
      %get3A_236 = tpu.vector_load %arg15[%get3A_234, %get3A_235] {strides = array<i32>} : memref<40x128xf32, #tpu.memory_space<vmem>>, vector<1x16xf32>,
      %get3A_237 = vector.shape_cast %get3A_236 : vector<1x16xf32> to vector<16xf32>
      %get3A_238 = arith.index_cast %add3A_168 : i32 to index
      %get3A_239 = arith.constant 64 : index
      %get3A_240 = tpu.vector_load %arg17[%get3A_238, %get3A_239] {strides = array<i32>} : memref<40x128xf32, #tpu.memory_space<vmem>>, vector<1x16xf32>,
      %get3A_241 = vector.shape_cast %get3A_240 : vector<1x16xf32> to vector<16xf32>
      %add3A_242 = arith.addf %get3A_237, %get3A_241 : vector<16xf32>
      %max3A_243 = arith.constant 0.000000e+00 : f32
      %max3A_244 = vector.broadcast %max3A_243 : f32 to vector<16xf32>
      %max3A_245 = arith.maximumf %add3A_242, %max3A_244 : vector<16xf32>
      %swap3A_246 = arith.index_cast %add3A_168 : i32 to index
      %swap3A_247 = arith.constant 64 : index
      %swap3A_248 = tpu.vector_load %arg15[%swap3A_246, %swap3A_247] {strides = array<i32>} : memref<40x128xf32, #tpu.memory_space<vmem>>, vector<1x16xf32>,
      %swap3A_249 = vector.shape_cast %swap3A_248 : vector<1x16xf32> to vector<16xf32>
      %swap3A_250 = vector.shape_cast %max3A_245 : vector<16xf32> to vector<1x16xf32>
      tpu.vector_store %arg15[%swap3A_246, %swap3A_247], %swap3A_250 {strides = array<i32>} : memref<40x128xf32, #tpu.memory_space<vmem>>, vector<1x16xf32>,
      %get3A_251 = arith.index_cast %add3A_168 : i32 to index
      %get3A_252 = arith.constant 80 : index
      %get3A_253 = tpu.vector_load %arg15[%get3A_251, %get3A_252] {strides = array<i32>} : memref<40x128xf32, #tpu.memory_space<vmem>>, vector<1x16xf32>,
      %get3A_254 = vector.shape_cast %get3A_253 : vector<1x16xf32> to vector<16xf32>
      %get3A_255 = arith.index_cast %add3A_168 : i32 to index
      %get3A_256 = arith.constant 80 : index
      %get3A_257 = tpu.vector_load %arg17[%get3A_255, %get3A_256] {strides = array<i32>} : memref<40x128xf32, #tpu.memory_space<vmem>>, vector<1x16xf32>,
      %get3A_258 = vector.shape_cast %get3A_257 : vector<1x16xf32> to vector<16xf32>
      %add3A_259 = arith.addf %get3A_254, %get3A_258 : vector<16xf32>
      %max3A_260 = arith.constant 0.000000e+00 : f32
      %max3A_261 = vector.broadcast %max3A_260 : f32 to vector<16xf32>
      %max3A_262 = arith.maximumf %add3A_259, %max3A_261 : vector<16xf32>
      %swap3A_263 = arith.index_cast %add3A_168 : i32 to index
      %swap3A_264 = arith.constant 80 : index
      %swap3A_265 = tpu.vector_load %arg15[%swap3A_263, %swap3A_264] {strides = array<i32>} : memref<40x128xf32, #tpu.memory_space<vmem>>, vector<1x16xf32>,
      %swap3A_266 = vector.shape_cast %swap3A_265 : vector<1x16xf32> to vector<16xf32>
      %swap3A_267 = vector.shape_cast %max3A_262 : vector<16xf32> to vector<1x16xf32>
      tpu.vector_store %arg15[%swap3A_263, %swap3A_264], %swap3A_267 {strides = array<i32>} : memref<40x128xf32, #tpu.memory_space<vmem>>, vector<1x16xf32>,
      %get3A_268 = arith.index_cast %add3A_168 : i32 to index
      %get3A_269 = arith.constant 96 : index
      %get3A_270 = tpu.vector_load %arg15[%get3A_268, %get3A_269] {strides = array<i32>} : memref<40x128xf32, #tpu.memory_space<vmem>>, vector<1x16xf32>,
      %get3A_271 = vector.shape_cast %get3A_270 : vector<1x16xf32> to vector<16xf32>
      %get3A_272 = arith.index_cast %add3A_168 : i32 to index
      %get3A_273 = arith.constant 96 : index
      %get3A_274 = tpu.vector_load %arg17[%get3A_272, %get3A_273] {strides = array<i32>} : memref<40x128xf32, #tpu.memory_space<vmem>>, vector<1x16xf32>,
      %get3A_275 = vector.shape_cast %get3A_274 : vector<1x16xf32> to vector<16xf32>
      %add3A_276 = arith.addf %get3A_271, %get3A_275 : vector<16xf32>
      %max3A_277 = arith.constant 0.000000e+00 : f32
      %max3A_278 = vector.broadcast %max3A_277 : f32 to vector<16xf32>
      %max3A_279 = arith.maximumf %add3A_276, %max3A_278 : vector<16xf32>
      %swap3A_280 = arith.index_cast %add3A_168 : i32 to index
      %swap3A_281 = arith.constant 96 : index
      %swap3A_282 = tpu.vector_load %arg15[%swap3A_280, %swap3A_281] {strides = array<i32>} : memref<40x128xf32, #tpu.memory_space<vmem>>, vector<1x16xf32>,
      %swap3A_283 = vector.shape_cast %swap3A_282 : vector<1x16xf32> to vector<16xf32>
      %swap3A_284 = vector.shape_cast %max3A_279 : vector<16xf32> to vector<1x16xf32>
      tpu.vector_store %arg15[%swap3A_280, %swap3A_281], %swap3A_284 {strides = array<i32>} : memref<40x128xf32, #tpu.memory_space<vmem>>, vector<1x16xf32>,
      %get3A_285 = arith.index_cast %add3A_168 : i32 to index
      %get3A_286 = arith.constant 112 : index
      %get3A_287 = tpu.vector_load %arg15[%get3A_285, %get3A_286] {strides = array<i32>} : memref<40x128xf32, #tpu.memory_space<vmem>>, vector<1x16xf32>,
      %get3A_288 = vector.shape_cast %get3A_287 : vector<1x16xf32> to vector<16xf32>
      %get3A_289 = arith.index_cast %add3A_168 : i32 to index
      %get3A_290 = arith.constant 112 : index
      %get3A_291 = tpu.vector_load %arg17[%get3A_289, %get3A_290] {strides = array<i32>} : memref<40x128xf32, #tpu.memory_space<vmem>>, vector<1x16xf32>,
      %get3A_292 = vector.shape_cast %get3A_291 : vector<1x16xf32> to vector<16xf32>
      %add3A_293 = arith.addf %get3A_288, %get3A_292 : vector<16xf32>
      %max3A_294 = arith.constant 0.000000e+00 : f32
      %max3A_295 = vector.broadcast %max3A_294 : f32 to vector<16xf32>
      %max3A_296 = arith.maximumf %add3A_293, %max3A_295 : vector<16xf32>
      %swap3A_297 = arith.index_cast %add3A_168 : i32 to index
      %swap3A_298 = arith.constant 112 : index
      %swap3A_299 = tpu.vector_load %arg15[%swap3A_297, %swap3A_298] {strides = array<i32>} : memref<40x128xf32, #tpu.memory_space<vmem>>, vector<1x16xf32>,
      %swap3A_300 = vector.shape_cast %swap3A_299 : vector<1x16xf32> to vector<16xf32>
      %swap3A_301 = vector.shape_cast %max3A_296 : vector<16xf32> to vector<1x16xf32>
      tpu.vector_store %arg15[%swap3A_297, %swap3A_298], %swap3A_301 {strides = array<i32>} : memref<40x128xf32, #tpu.memory_space<vmem>>, vector<1x16xf32>,
    }
    %scan3A_155 = arith.constant 40 : i32
    "tpu.region"() ({
      %run_scoped3A = tpu.sem_alloc : memref<!tpu.dma_semaphore, #tpu.memory_space<semaphore_mem>>
      %dma_start3A_164 = arith.constant 0 : i32
      %dma_start3A_165 = arith.constant 0 : i32
      %dma_start3A_166 = tpu.memref_slice %arg18[%dma_start3A_164, %dma_start3A_165] : memref<10000x128xf32, #tpu.memory_space<vmem_shared>> -> memref<10000x128xf32, #tpu.memory_space<vmem_shared>>
      tpu.enqueue_indirect_dma source(%arg15 : memref<40x128xf32, #tpu.memory_space<vmem>>) target(%dma_start3A_166 : memref<10000x128xf32, #tpu.memory_space<vmem_shared>>) offsets(%arg11 : memref<40xi32, #tpu.memory_space<vmem>>) semaphore(%run_scoped3A : memref<!tpu.dma_semaphore, #tpu.memory_space<semaphore_mem>>) {add = true}
      %dma_wait3A_167 = arith.constant 0 : i32
      %dma_wait3A_168 = arith.constant 0 : i32
      %dma_wait3A_169 = tpu.memref_slice %arg18[%dma_wait3A_167, %dma_wait3A_168] : memref<10000x128xf32, #tpu.memory_space<vmem_shared>> -> memref<10000x128xf32, #tpu.memory_space<vmem_shared>>
      tpu.wait_indirect_dma semaphore(%run_scoped3A : memref<!tpu.dma_semaphore, #tpu.memory_space<semaphore_mem>>) src(%arg15 : memref<40x128xf32, #tpu.memory_space<vmem>>) dst(%dma_wait3A_169 : memref<10000x128xf32, #tpu.memory_space<vmem_shared>>)
      tpu.yield
    }) : () -> ()
    %barrier3A_156 = arith.constant 0 : index
    tpu.barrier barrier_id(%barrier3A_156)
    %lt3A = arith.constant 15 : i32
    %lt3A_157 = arith.cmpi slt, %arg1, %lt3A : i32
    %convert_element_type3A = arith.extui %lt3A_157 : i1 to i32
    %cond3A = arith.constant 0 : i32
    %cond3A_158 = arith.cmpi ne, %convert_element_type3A, %cond3A : i32
    scf.if %cond3A_158 {
      "tpu.region"() ({
        %run_scoped3A = tpu.sem_alloc : memref<!tpu.dma_semaphore, #tpu.memory_space<semaphore_mem>>
        %dma_start3A_164 = arith.constant 0 : i32
        %dma_start3A_165 = tpu.memref_slice %arg5[%arg0, %mul3A_4, %dma_start3A_164] : memref<2x10000x128xf32, #tpu.memory_space<hbm>> -> memref<1x640x128xf32, #tpu.memory_space<hbm>>
        %dma_start3A_166 = tpu.memref_squeeze %dma_start3A_165 : memref<1x640x128xf32, #tpu.memory_space<hbm>> -> memref<640x128xf32, #tpu.memory_space<hbm>>
        %dma_start3A_167 = arith.constant 0 : i32
        %dma_start3A_168 = tpu.memref_slice %arg18[%mul3A_4, %dma_start3A_167] : memref<10000x128xf32, #tpu.memory_space<vmem_shared>> -> memref<640x128xf32, #tpu.memory_space<vmem_shared>>
        tpu.enqueue_dma source(%dma_start3A_168 : memref<640x128xf32, #tpu.memory_space<vmem_shared>>) target(%dma_start3A_166 : memref<640x128xf32, #tpu.memory_space<hbm>>) target_semaphore(%run_scoped3A : memref<!tpu.dma_semaphore, #tpu.memory_space<semaphore_mem>>)
        %dma_wait3A_169 = arith.constant 0 : i32
        %dma_wait3A_170 = tpu.memref_slice %arg5[%arg0, %mul3A_4, %dma_wait3A_169] : memref<2x10000x128xf32, #tpu.memory_space<hbm>> -> memref<1x640x128xf32, #tpu.memory_space<hbm>>
        %dma_wait3A_171 = tpu.memref_squeeze %dma_wait3A_170 : memref<1x640x128xf32, #tpu.memory_space<hbm>> -> memref<640x128xf32, #tpu.memory_space<hbm>>
        %dma_wait3A_172 = arith.constant 0 : i32
        %dma_wait3A_173 = tpu.memref_slice %arg18[%mul3A_4, %dma_wait3A_172] : memref<10000x128xf32, #tpu.memory_space<vmem_shared>> -> memref<640x128xf32, #tpu.memory_space<vmem_shared>>
        tpu.wait_dma2 semaphore(%run_scoped3A : memref<!tpu.dma_semaphore, #tpu.memory_space<semaphore_mem>>) src(%dma_wait3A_173 : memref<640x128xf32, #tpu.memory_space<vmem_shared>>) dst(%dma_wait3A_171 : memref<640x128xf32, #tpu.memory_space<hbm>>)
        tpu.yield
      }) : () -> ()
    } else {
    }
    %eq3A_159 = arith.constant 15 : i32
    %eq3A_160 = arith.cmpi eq, %arg1, %eq3A_159 : i32
    %convert_element_type3A_161 = arith.extui %eq3A_160 : i1 to i32
    %cond3A_162 = arith.constant 0 : i32
    %cond3A_163 = arith.cmpi ne, %convert_element_type3A_161, %cond3A_162 : i32
    scf.if %cond3A_163 {
      "tpu.region"() ({
        %run_scoped3A = tpu.sem_alloc : memref<!tpu.dma_semaphore, #tpu.memory_space<semaphore_mem>>
        %dma_start3A_164 = arith.constant 9600 : i32
        %dma_start3A_165 = arith.constant 0 : i32
        %dma_start3A_166 = tpu.memref_slice %arg5[%arg0, %dma_start3A_164, %dma_start3A_165] : memref<2x10000x128xf32, #tpu.memory_space<hbm>> -> memref<1x400x128xf32, #tpu.memory_space<hbm>>
        %dma_start3A_167 = tpu.memref_squeeze %dma_start3A_166 : memref<1x400x128xf32, #tpu.memory_space<hbm>> -> memref<400x128xf32, #tpu.memory_space<hbm>>
        %dma_start3A_168 = arith.constant 9600 : i32
        %dma_start3A_169 = arith.constant 0 : i32
        %dma_start3A_170 = tpu.memref_slice %arg18[%dma_start3A_168, %dma_start3A_169] : memref<10000x128xf32, #tpu.memory_space<vmem_shared>> -> memref<400x128xf32, #tpu.memory_space<vmem_shared>>
        tpu.enqueue_dma source(%dma_start3A_170 : memref<400x128xf32, #tpu.memory_space<vmem_shared>>) target(%dma_start3A_167 : memref<400x128xf32, #tpu.memory_space<hbm>>) target_semaphore(%run_scoped3A : memref<!tpu.dma_semaphore, #tpu.memory_space<semaphore_mem>>)
        %dma_wait3A_171 = arith.constant 9600 : i32
        %dma_wait3A_172 = arith.constant 0 : i32
        %dma_wait3A_173 = tpu.memref_slice %arg5[%arg0, %dma_wait3A_171, %dma_wait3A_172] : memref<2x10000x128xf32, #tpu.memory_space<hbm>> -> memref<1x400x128xf32, #tpu.memory_space<hbm>>
        %dma_wait3A_174 = tpu.memref_squeeze %dma_wait3A_173 : memref<1x400x128xf32, #tpu.memory_space<hbm>> -> memref<400x128xf32, #tpu.memory_space<hbm>>
        %dma_wait3A_175 = arith.constant 9600 : i32
        %dma_wait3A_176 = arith.constant 0 : i32
        %dma_wait3A_177 = tpu.memref_slice %arg18[%dma_wait3A_175, %dma_wait3A_176] : memref<10000x128xf32, #tpu.memory_space<vmem_shared>> -> memref<400x128xf32, #tpu.memory_space<vmem_shared>>
        tpu.wait_dma2 semaphore(%run_scoped3A : memref<!tpu.dma_semaphore, #tpu.memory_space<semaphore_mem>>) src(%dma_wait3A_177 : memref<400x128xf32, #tpu.memory_space<vmem_shared>>) dst(%dma_wait3A_174 : memref<400x128xf32, #tpu.memory_space<hbm>>)
        tpu.yield
      }) : () -> ()
    } else {
    }
    return
  }
}

module attributes {stable_mosaic.version = 14 : i64} {
  func.func @_mlp_body(%arg0: i32, %arg1: memref<1xf32, #tpu.memory_space<smem>>, %arg2: memref<1000x128xf32, #tpu.memory_space<vmem>>, %arg3: memref<2x1000x128xf32, #tpu.memory_space<vmem>>, %arg4: memref<128x1024xf32, #tpu.memory_space<vmem>>, %arg5: memref<1x1024xf32, #tpu.memory_space<vmem>>, %arg6: memref<1024x64xf32, #tpu.memory_space<vmem>>, %arg7: memref<1x64xf32, #tpu.memory_space<vmem>>, %arg8: memref<1000x64xf32, #tpu.memory_space<vmem>>) attributes {dimension_semantics = [#tpu.dimension_semantics<arbitrary>], iteration_bounds = array<i64: 10>, scalar_prefetch = 0 : i64, scratch_operands = 0 : i64, tpu.core_type = #tpu.core_type<tc>, window_params = [{transform_indices = @transform_0, window_bounds = array<i64: 1>}, {transform_indices = @transform_1, window_bounds = array<i64: 1000, 128>}, {transform_indices = @transform_2, window_bounds = array<i64: 2, 1000, 128>}, {pipeline_mode = #tpu.pipeline_mode<synchronous>, transform_indices = @transform_3, window_bounds = array<i64: 128, 1024>}, {pipeline_mode = #tpu.pipeline_mode<synchronous>, transform_indices = @transform_4, window_bounds = array<i64: 1, 1024>}, {pipeline_mode = #tpu.pipeline_mode<synchronous>, transform_indices = @transform_5, window_bounds = array<i64: 1024, 64>}, {pipeline_mode = #tpu.pipeline_mode<synchronous>, transform_indices = @transform_6, window_bounds = array<i64: 1, 64>}, {transform_indices = @transform_7, window_bounds = array<i64: 1000, 64>}]} {
    %get3A = arith.constant 0 : index
    %get3A_0 = memref.load %arg1[%get3A] : memref<1xf32, #tpu.memory_space<smem>>
    %add3A = arith.constant 1.000000e+00 : f32
    %add3A_1 = arith.addf %add3A, %get3A_0 : f32
    %get3A_2 = arith.constant 0 : index
    %get3A_3 = arith.constant 0 : index
    %get3A_4 = vector.load %arg2[%get3A_2, %get3A_3] : memref<1000x128xf32, #tpu.memory_space<vmem>>, vector<1000x128xf32>
    %mul3A = vector.broadcast %add3A_1 : f32 to vector<1000x128xf32>
    %mul3A_5 = arith.mulf %mul3A, %get3A_4 : vector<1000x128xf32>
    %get3A_6 = arith.constant 0 : index
    %get3A_7 = arith.constant 0 : index
    %get3A_8 = arith.constant 0 : index
    %get3A_9 = vector.load %arg3[%get3A_6, %get3A_7, %get3A_8] : memref<2x1000x128xf32, #tpu.memory_space<vmem>>, vector<1x1000x128xf32>
    %get3A_10 = vector.shape_cast %get3A_9 : vector<1x1000x128xf32> to vector<1000x128xf32>
    %get3A_11 = arith.constant 1 : index
    %get3A_12 = arith.constant 0 : index
    %get3A_13 = arith.constant 0 : index
    %get3A_14 = vector.load %arg3[%get3A_11, %get3A_12, %get3A_13] : memref<2x1000x128xf32, #tpu.memory_space<vmem>>, vector<1x1000x128xf32>
    %get3A_15 = vector.shape_cast %get3A_14 : vector<1x1000x128xf32> to vector<1000x128xf32>
    %add3A_16 = arith.addf %get3A_10, %get3A_15 : vector<1000x128xf32>
    %add3A_17 = arith.addf %mul3A_5, %add3A_16 : vector<1000x128xf32>
    %get3A_18 = arith.constant 0 : index
    %get3A_19 = arith.constant 0 : index
    %get3A_20 = vector.load %arg4[%get3A_18, %get3A_19] : memref<128x1024xf32, #tpu.memory_space<vmem>>, vector<128x1024xf32>
    %dot_general3A = arith.constant dense<0.000000e+00> : vector<1000x1024xf32>
    %dot_general3A_21 = tpu.matmul %add3A_17, %get3A_20, %dot_general3A {dimension_numbers = #tpu.dot_dimension_numbers<[1], [0], [0], [1], [0, 0, 1, 1], [], []>, transpose_lhs_hint = false} : vector<1000x128xf32>, vector<128x1024xf32>, vector<1000x1024xf32> -> vector<1000x1024xf32>
    %get3A_22 = arith.constant 0 : index
    %get3A_23 = arith.constant 0 : index
    %get3A_24 = vector.load %arg5[%get3A_22, %get3A_23] : memref<1x1024xf32, #tpu.memory_space<vmem>>, vector<1x1024xf32>
    %add3A_25 = vector.broadcast %get3A_24 : vector<1x1024xf32> to vector<1000x1024xf32>
    %add3A_26 = arith.addf %dot_general3A_21, %add3A_25 : vector<1000x1024xf32>
    %max3A = arith.constant 0.000000e+00 : f32
    %max3A_27 = vector.broadcast %max3A : f32 to vector<1000x1024xf32>
    %max3A_28 = arith.maximumf %add3A_26, %max3A_27 : vector<1000x1024xf32>
    %get3A_29 = arith.constant 0 : index
    %get3A_30 = arith.constant 0 : index
    %get3A_31 = vector.load %arg6[%get3A_29, %get3A_30] : memref<1024x64xf32, #tpu.memory_space<vmem>>, vector<1024x64xf32>
    %dot_general3A_32 = arith.constant dense<0.000000e+00> : vector<1000x64xf32>
    %dot_general3A_33 = tpu.matmul %max3A_28, %get3A_31, %dot_general3A_32 {dimension_numbers = #tpu.dot_dimension_numbers<[1], [0], [0], [1], [0, 0, 1, 1], [], []>, transpose_lhs_hint = false} : vector<1000x1024xf32>, vector<1024x64xf32>, vector<1000x64xf32> -> vector<1000x64xf32>
    %get3A_34 = arith.constant 0 : index
    %get3A_35 = arith.constant 0 : index
    %get3A_36 = vector.load %arg7[%get3A_34, %get3A_35] : memref<1x64xf32, #tpu.memory_space<vmem>>, vector<1x64xf32>
    %add3A_37 = vector.broadcast %get3A_36 : vector<1x64xf32> to vector<1000x64xf32>
    %add3A_38 = arith.addf %dot_general3A_33, %add3A_37 : vector<1000x64xf32>
    %swap3A = arith.constant 0 : index
    %swap3A_39 = arith.constant 0 : index
    %swap3A_40 = vector.load %arg8[%swap3A, %swap3A_39] : memref<1000x64xf32, #tpu.memory_space<vmem>>, vector<1000x64xf32>
    tpu.vector_store %arg8[%swap3A, %swap3A_39], %add3A_38 {strides = array<i32>} : memref<1000x64xf32, #tpu.memory_space<vmem>>, vector<1000x64xf32>,
    return
  }
  func.func @transform_0(%arg0: i32) -> i32 {
    %c0_i32 = arith.constant 0 : i32
    %c0_i32_0 = arith.constant 0 : i32
    return %c0_i32 : i32
  }
  func.func @transform_1(%arg0: i32) -> (i32, i32) {
    %c0_i32 = arith.constant 0 : i32
    %c0_i32_0 = arith.constant 0 : i32
    return %arg0, %c0_i32 : i32, i32
  }
  func.func @transform_2(%arg0: i32) -> (i32, i32, i32) {
    %c0_i32 = arith.constant 0 : i32
    %c0_i32_0 = arith.constant 0 : i32
    %c0_i32_1 = arith.constant 0 : i32
    return %c0_i32, %arg0, %c0_i32_0 : i32, i32, i32
  }
  func.func @transform_3(%arg0: i32) -> (i32, i32) {
    %c0_i32 = arith.constant 0 : i32
    %c0_i32_0 = arith.constant 0 : i32
    %c0_i32_1 = arith.constant 0 : i32
    return %c0_i32, %c0_i32_0 : i32, i32
  }
  func.func @transform_4(%arg0: i32) -> (i32, i32) {
    %c0_i32 = arith.constant 0 : i32
    %c0_i32_0 = arith.constant 0 : i32
    %c0_i32_1 = arith.constant 0 : i32
    return %c0_i32, %c0_i32_0 : i32, i32
  }
  func.func @transform_5(%arg0: i32) -> (i32, i32) {
    %c0_i32 = arith.constant 0 : i32
    %c0_i32_0 = arith.constant 0 : i32
    %c0_i32_1 = arith.constant 0 : i32
    return %c0_i32, %c0_i32_0 : i32, i32
  }
  func.func @transform_6(%arg0: i32) -> (i32, i32) {
    %c0_i32 = arith.constant 0 : i32
    %c0_i32_0 = arith.constant 0 : i32
    %c0_i32_1 = arith.constant 0 : i32
    return %c0_i32, %c0_i32_0 : i32, i32
  }
  func.func @transform_7(%arg0: i32) -> (i32, i32) {
    %c0_i32 = arith.constant 0 : i32
    %c0_i32_0 = arith.constant 0 : i32
    return %arg0, %c0_i32 : i32, i32
  }
}

module attributes {stable_mosaic.version = 14 : i64} {
  func.func @_edge_lin_body(%arg0: i32, %arg1: memref<16x12800xf32, #tpu.memory_space<vmem>>, %arg2: memref<16x128xf32, #tpu.memory_space<vmem>>, %arg3: memref<1x128xf32, #tpu.memory_space<vmem>>, %arg4: memref<400x128xf32, #tpu.memory_space<vmem>>, %arg5: memref<12800x128xf32, #tpu.memory_space<vmem>>, %arg6: memref<400x128xf32, #tpu.memory_space<vmem>>) attributes {dimension_semantics = [#tpu.dimension_semantics<arbitrary>], iteration_bounds = array<i64: 25>, scalar_prefetch = 0 : i64, scratch_operands = 0 : i64, tpu.core_type = #tpu.core_type<tc>, window_params = [{transform_indices = @transform_0, window_bounds = array<i64: 16, 12800>}, {pipeline_mode = #tpu.pipeline_mode<synchronous>, transform_indices = @transform_1, window_bounds = array<i64: 16, 128>}, {pipeline_mode = #tpu.pipeline_mode<synchronous>, transform_indices = @transform_2, window_bounds = array<i64: 1, 128>}, {transform_indices = @transform_3, window_bounds = array<i64: 400, 128>}, {transform_indices = @transform_4, window_bounds = array<i64: 12800, 128>}, {transform_indices = @transform_5, window_bounds = array<i64: 400, 128>}]} {
    %get3A = arith.constant 0 : index
    %get3A_0 = arith.constant 0 : index
    %get3A_1 = vector.load %arg1[%get3A, %get3A_0] : memref<16x12800xf32, #tpu.memory_space<vmem>>, vector<16x12800xf32>
    %get3A_2 = arith.constant 0 : index
    %get3A_3 = arith.constant 0 : index
    %get3A_4 = vector.load %arg2[%get3A_2, %get3A_3] : memref<16x128xf32, #tpu.memory_space<vmem>>, vector<16x128xf32>
    %dot_general3A = arith.constant dense<0.000000e+00> : vector<12800x128xf32>
    %dot_general3A_5 = tpu.matmul %get3A_1, %get3A_4, %dot_general3A {dimension_numbers = #tpu.dot_dimension_numbers<[0], [0], [1], [1], [0, 1, 1, 1], [], []>, transpose_lhs_hint = false} : vector<16x12800xf32>, vector<16x128xf32>, vector<12800x128xf32> -> vector<12800x128xf32>
    %get3A_6 = arith.constant 0 : index
    %get3A_7 = arith.constant 0 : index
    %get3A_8 = vector.load %arg3[%get3A_6, %get3A_7] : memref<1x128xf32, #tpu.memory_space<vmem>>, vector<1x128xf32>
    %add3A = vector.broadcast %get3A_8 : vector<1x128xf32> to vector<12800x128xf32>
    %add3A_9 = arith.addf %dot_general3A_5, %add3A : vector<12800x128xf32>
    %swap3A = arith.constant 0 : index
    %swap3A_10 = arith.constant 0 : index
    %swap3A_11 = vector.load %arg5[%swap3A, %swap3A_10] : memref<12800x128xf32, #tpu.memory_space<vmem>>, vector<12800x128xf32>
    tpu.vector_store %arg5[%swap3A, %swap3A_10], %add3A_9 {strides = array<i32>} : memref<12800x128xf32, #tpu.memory_space<vmem>>, vector<12800x128xf32>,
    %get3A_12 = arith.constant 0 : index
    %get3A_13 = arith.constant 0 : index
    %get3A_14 = vector.load %arg4[%get3A_12, %get3A_13] : memref<400x128xf32, #tpu.memory_space<vmem>>, vector<400x128xf32>
    %swap3A_15 = arith.constant 0 : index
    %swap3A_16 = arith.constant 0 : index
    %swap3A_17 = vector.load %arg6[%swap3A_15, %swap3A_16] : memref<400x128xf32, #tpu.memory_space<vmem>>, vector<400x128xf32>
    tpu.vector_store %arg6[%swap3A_15, %swap3A_16], %get3A_14 {strides = array<i32>} : memref<400x128xf32, #tpu.memory_space<vmem>>, vector<400x128xf32>,
    return
  }
  func.func @transform_0(%arg0: i32) -> (i32, i32) {
    %c0_i32 = arith.constant 0 : i32
    %c0_i32_0 = arith.constant 0 : i32
    return %c0_i32, %arg0 : i32, i32
  }
  func.func @transform_1(%arg0: i32) -> (i32, i32) {
    %c0_i32 = arith.constant 0 : i32
    %c0_i32_0 = arith.constant 0 : i32
    %c0_i32_1 = arith.constant 0 : i32
    return %c0_i32, %c0_i32_0 : i32, i32
  }
  func.func @transform_2(%arg0: i32) -> (i32, i32) {
    %c0_i32 = arith.constant 0 : i32
    %c0_i32_0 = arith.constant 0 : i32
    %c0_i32_1 = arith.constant 0 : i32
    return %c0_i32, %c0_i32_0 : i32, i32
  }
  func.func @transform_3(%arg0: i32) -> (i32, i32) {
    %c0_i32 = arith.constant 0 : i32
    %c0_i32_0 = arith.constant 0 : i32
    return %arg0, %c0_i32 : i32, i32
  }
  func.func @transform_4(%arg0: i32) -> (i32, i32) {
    %c0_i32 = arith.constant 0 : i32
    %c0_i32_0 = arith.constant 0 : i32
    return %arg0, %c0_i32 : i32, i32
  }
  func.func @transform_5(%arg0: i32) -> (i32, i32) {
    %c0_i32 = arith.constant 0 : i32
    %c0_i32_0 = arith.constant 0 : i32
    return %arg0, %c0_i32 : i32, i32
  }
}

</mosaic_0001>

<sc_bundles>
// kernel: kernel.5.cloned.1.call-start
scs
__scs_entry_jumppad:
0x0: {  	(pc) =	sbr.rel $0x88, $3  }
0x1: {  	(tag) =	ssettag $0x0;
	lr =	simm.s32 $0x1  }
0x2: {  	[smem:$0x3F97] =	sst lr;
	_ =	strace $0xD0000000  }
0x3: {  	_ = 	snop  }
0x4: {  	_ = 	snop  }
0x5: {  	_ = 	snop  }
0x6: {  	_ = 	snop  }
0x7: {  	_ = 	snop  }
__scs_overlays_trampoline_lowered:
0x8: {  	[smem:$0x3FA6] =	sst s0  }
0x9: {  	[smem:$0x3FA7] =	sst s1  }
0xa: {  	[smem:$0x3FA8] =	sst s2  }
0xb: {  	[smem:$0x3FA9] =	sst s3  }
0xc: {  	[smem:$0x3FAA] =	sst s4  }
0xd: {  	[smem:$0x3FAB] =	sst s5  }
0xe: {  	[smem:$0x3FAC] =	sst s6  }
0xf: {  	[smem:$0x3FAD] =	sst s7  }
0x10: {  	[smem:$0x3FAE] =	sst s8  }
0x11: {  	[smem:$0x3FAF] =	sst s9;
	s0 =	simm.s32 @!p0 $0x0  }
0x12: {  	s1 =	sld [smem:$0x3F95];
	s0 =	simm.s32 @p0 $0x1  }
0x13: {  	[smem:$0x3FB0] =	sst s0;
	s0 =	simm.s32 @!p1 $0x0  }
0x14: {  	s2 =	sld [smem:$0x3F94];
	s0 =	simm.s32 @p1 $0x1  }
0x15: {  	[smem:$0x3FB1] =	sst s0;
	s0 =	simm.s32 @!p2 $0x0  }
0x16: {  	s3 =	sld [smem:$0x3FDB];
	s0 =	simm.s32 @p2 $0x1  }
0x17: {  	s4 =	simm.s32 $0x1BF5;
	[smem:$0x3FB3] =	sst s0  }
0x18: {  	s0 =	sld [smem:$0x3F96];
	_ =	swait.ge [sflag:s4], $0x0  }
0x19: {  	s7 =	sld [smem:$0x3F97]  }
0x1a: {  	s8 =	sadd.s32 $0xFFFFE003, lr  }
0x1b: {  	s9 =	sadd.s32 $0xFFFFFEF7, lr;
	s5 =	simm.s32 $0xFFFFFFFF;
	p2 =	slt.u32 s8, $0xFFFFF086  }
0x1c: {  	p1 =	slt.u32 s9, $0xF7A;
	s5 =	simm.s32 @!p2 $0x0  }
0x1d: {  	s5 =	simm.s32 @p1 $0x1;
	p0 =	seq.s32 s7, s2  }
0x1e: {  	s7 =	smul.u32 @!p0 $0xF7A, s2;
	p2 =	seq.s32 @!p0 s5, $0x0  }
0x1f: {  	s9 =	smul.u32 $0xF7A, s1;
	s8 =	simm.s32 @!p0 $0x1BF5;
	p2 =	por !p2, p0  }
0x20: {  	[sflag:s8] =	ssyncset.s32 @!p0 $0xFFFFF086;
	s6 =	sadd.s32 @!p0 s3, s7;
	s7 =	simm.s32 @!p0 $0x108  }
0x21: {  	s3 =	sadd.s32 s3, s9;
	s6 =	sadd.s32 @!p0 $0x88, s6;
	s7 =	simm.s32 @p2 $0x1082  }
0x22: {  	[simem:s7], [sflag:s8] =	dma.local @!p0 [hbm:s6], $0xF7A  }
0x23: {  	s9 =	sor.u32 $0xD0000000, s2;
	s6 =	simm.s32 $0x108;
	_ =	swait.ge @!p0 [sflag:s8], $0x0  }
0x24: {  	s3 =	sadd.s32 $0x88, s3;
	s6 =	simm.s32 @!p1 $0x1082;
	[sflag:s4] =	ssyncset.s32 $0xFFFFF086  }
0x25: {  	[simem:s6], [sflag:s4] =	dma.local [hbm:s3], $0xF7A  }
0x26: {  	[smem:$0x3F97] =	sst s1;
	(tag) =	ssettag s2;
	_ =	strace s9  }
0x27: {  	s1 =	sld [smem:$0x3FA7]  }
0x28: {  	s2 =	sld [smem:$0x3FA8]  }
0x29: {  	s4 =	sld [smem:$0x3FAA]  }
0x2a: {  	p0 =	seq.s32 s5, $0x0;
	s5 =	sld [smem:$0x3FAB]  }
0x2b: {  	s6 =	sld [smem:$0x3FAC]  }
0x2c: {  	s7 =	sld [smem:$0x3FAD]  }
0x2d: {  	s3 =	simm.s32 $0x108;
	s8 =	sld [smem:$0x3FAE]  }
0x2e: {  	s3 =	simm.s32 @!p0 $0x1082;
	s9 =	sld [smem:$0x3FAF]  }
0x2f: {  	lr =	sadd.s32 s0, s3;
	s0 =	sld [smem:$0x3FA6]  }
0x30: {  	s3 =	sld [smem:$0x3FA9]  }
0x31: {  	[smem:$0x3FB2] =	sst s10  }
0x32: {  	s10 =	sld [smem:$0x3FB0];
	_ =	sdelay $0x3  }
0x33: {  	p0 =	seq.s32 s10, $0x1;
	s10 =	sld [smem:$0x3FB2];
	_ =	sdelay $0x3  }
0x34: {  	[smem:$0x3FB2] =	sst s10  }
0x35: {  	s10 =	sld [smem:$0x3FB1];
	_ =	sdelay $0x3  }
0x36: {  	p1 =	seq.s32 s10, $0x1;
	s10 =	sld [smem:$0x3FB2];
	_ =	sdelay $0x3  }
0x37: {  	[smem:$0x3FB2] =	sst s10  }
0x38: {  	s10 =	sld [smem:$0x3FB3]  }
0x39: {  	_ = 	snop;
	(pc) =	sbr.ind lr, $3  }
0x3a: {  	_ = 	snop  }
0x3b: {  	_ = 	snop  }
0x3c: {  	p2 =	seq.s32 s10, $0x1;
	s10 =	sld [smem:$0x3FB2]  }
0x3d: {  	_ =	shalt  }
0x3e: {  	_ =	shalt  }
0x3f: {  	_ =	shalt  }
0x40: {  	_ =	shalt  }
0x41: {  	_ =	shalt  }
0x42: {  	_ =	shalt  }
0x43: {  	_ =	shalt  }
0x44: {  	_ =	shalt  }
0x45: {  	_ =	shalt  }
0x46: {  	_ =	shalt  }
0x47: {  	_ =	shalt  }
0x48: {  	_ =	shalt  }
0x49: {  	_ =	shalt  }
0x4a: {  	_ =	shalt  }
0x4b: {  	_ =	shalt  }
0x4c: {  	_ =	shalt  }
0x4d: {  	_ =	shalt  }
0x4e: {  	_ =	shalt  }
0x4f: {  	_ =	shalt  }
0x50: {  	_ =	shalt  }
0x51: {  	_ =	shalt  }
0x52: {  	_ =	shalt  }
0x53: {  	_ =	shalt  }
0x54: {  	_ =	shalt  }
0x55: {  	_ =	shalt  }
0x56: {  	_ =	shalt  }
0x57: {  	_ =	shalt  }
0x58: {  	_ =	shalt  }
0x59: {  	_ =	shalt  }
0x5a: {  	_ =	shalt  }
0x5b: {  	_ =	shalt  }
0x5c: {  	_ =	shalt  }
0x5d: {  	_ =	shalt  }
0x5e: {  	_ =	shalt  }
0x5f: {  	_ =	shalt  }
0x60: {  	_ =	shalt  }
0x61: {  	_ =	shalt  }
0x62: {  	_ =	shalt  }
0x63: {  	_ =	shalt  }
0x64: {  	_ =	shalt  }
0x65: {  	_ =	shalt  }
0x66: {  	_ =	shalt  }
0x67: {  	_ =	shalt  }
0x68: {  	_ =	shalt  }
0x69: {  	_ =	shalt  }
0x6a: {  	_ =	shalt  }
0x6b: {  	_ =	shalt  }
0x6c: {  	_ =	shalt  }
0x6d: {  	_ =	shalt  }
0x6e: {  	_ =	shalt  }
0x6f: {  	_ =	shalt  }
0x70: {  	_ =	shalt  }
0x71: {  	_ =	shalt  }
0x72: {  	_ =	shalt  }
0x73: {  	_ =	shalt  }
0x74: {  	_ =	shalt  }
0x75: {  	_ =	shalt  }
0x76: {  	_ =	shalt  }
0x77: {  	_ =	shalt  }
0x78: {  	_ =	shalt  }
0x79: {  	_ =	shalt  }
0x7a: {  	_ =	shalt  }
0x7b: {  	_ =	shalt  }
0x7c: {  	_ =	shalt  }
0x7d: {  	_ =	shalt  }
0x7e: {  	_ =	shalt  }
0x7f: {  	_ =	shalt  }
0x80: {  	_ =	shalt  }
0x81: {  	_ =	shalt  }
0x82: {  	_ =	shalt  }
0x83: {  	_ =	shalt  }
0x84: {  	_ =	shalt  }
0x85: {  	_ =	shalt  }
0x86: {  	_ =	shalt  }
0x87: {  	_ =	shalt  }
.Lfunc_end0:
.L_simem_size_0:
called_computation_lowered:
.L_overlay_start_0:
0x88: {  	s2 =	sld [smem:$0x3FD9]  }
0x89: {  	s3 =	sld [smem:$0x3FFE];
	_ =	sdelay $0x1  }
0x8a: {  	s1 =	srdreg.scid  }
0x8b: {  	s0 =	sand.u32 $0x1, s1  }
0x8c: {  	s16 =	sshll.u32 s0, $0xA;
	s2 =	sadd.s32 s3, s2  }
0x8d: {  	s2 =	sadd.s32 s2, s16  }
0x8e: {  	[smem:$0x3FBE] =	sst s2  }
0x8f: {  	_ = 	snop  }
0x90: {  	(tm) =	ssettm $0x1  }
0x91: {  	s17 =	sld [smem:$0x3FFB];
	_ =	sdelay $0x3  }
0x92: {  	_ =	strace s17  }
0x93: {  	s2 =	sld [smem:$0x3FFC];
	_ =	sdelay $0x3  }
0x94: {  	_ =	strace s2  }
0x95: {  	s2 =	sld [smem:$0x3FFD];
	_ =	sdelay $0x3  }
0x96: {  	_ =	strace s2  }
0x97: {  	_ =	strace $0x8FFFFFFF  }
0x98: {  	s18 =	sld [smem:$0x3FDB];
	_ =	sdelay $0x1  }
0x99: {  	s19 =	simm.s32 $_scs_section_size  }
0x9a: {  	s4 =	simm.s32 $_size__tile_overlayer_lowered;
	s5 =	simm.s32 $_tile_overlayer_lowered  }
0x9b: {  	s22 =	simm.s32 $0x1BFF;
	s21 =	sshll.u32 s5, $0x1;
	s2 =	sadd.s32 s19, s18  }
0x9c: {  	s6 =	simm.s32 $0x0;
	s20 =	sshll.u32 s4, $0x1;
	s4 =	sadd.s32 s21, s2  }
0x9d: {  	[timem:s6], [sflag:s22] =	dma.local [hbm:s4], s20  }
0x9e: {  	_ =	swait.ge [sflag:s22], s20  }
0x9f: {  	s3 =	ssub.s32 $0x0, s20;
	[sflag:s22] =	ssyncset.done $0x0  }
0xa0: {  	[sflag:s22] =	ssyncadd.s32 s3;
	_ =	sdelay $0x1  }
0xa1: {  	s23 =	simm.s32 $0x1B8B  }
0xa2: {  	_ =	swait.ge [sflag:s23], $0x1  }
0xa3: {  	[sflag:s23] =	ssyncset.done $0x0  }
0xa4: {  	s25 =	simm.s32 $0x1B8E;
	s24 =	sld [smem:$0x3FFE];
	[sflag:s23] =	ssyncadd.s32 $0xFFFFFFFF  }
0xa5: {  	s26 =	simm.s32 $execute0_lowered;
	[smem:$0x3FD2] =	sst s25  }
0xa6: {  	s4 =	sshll.u32 s26, $0x1;
	_ =	strace $0x80000046;
	[dreg:$0x1] =	wrdreg $0xFFFFFFFF  }
0xa7: {  	s28 =	simm.s32 $_size_execute0_lowered;
	s2 =	sadd.s32 s2, s4;
	[dreg:$0x0] =	wrdreg $0x0  }
0xa8: {  	s4 =	sshll.u32 s28, $0x1;
	[dreg:$0x2] =	wrdreg s2  }
0xa9: {  	[dreg:$0x3] =	wrdreg s4  }
0xaa: {  	[dreg:$0x4] =	wrdreg $0xC0  }
0xab: {  	_ =	task [dreg:s6], $0x5FFFF  }
0xac: {  	[dreg:$0x1] =	wrdreg $0xFFFFFFFF  }
0xad: {  	[dreg:$0x0] =	wrdreg $0x60  }
0xae: {  	[dreg:$0x2] =	wrdreg s24  }
0xaf: {  	[dreg:$0x3] =	wrdreg $0x54000  }
0xb0: {  	[dreg:$0x4] =	wrdreg $0x9  }
0xb1: {  	_ =	task.clear_ibuf [dreg:s6], $0x5FFFF;
	_ =	strace $0x90000046  }
0xb2: {  	s29 =	simm.s32 $0x9;
	_ =	strace $0x80000048  }
0xb3: {  	_ =	swait.ge [sflag:s29], $0x1  }
0xb4: {  	[sflag:s29] =	ssyncadd.s32 $0xFFFFFFFF  }
0xb5: {  	_ =	strace $0x90000048  }
0xb6: {  	_ =	sfence  }
0xb7: {  	s30 =	sld [smem:$0x0];
	_ =	sdelay $0x2  }
0xb8: {  	s31 =	sshll.u32 s1, $0xD;
	s1 =	sshrl.u32 s1, $0x2  }
0xb9: {  	s3 =	sand.u32 $0x4000, s31;
	s1 =	sadd.s32 s1, s30  }
0xba: {  	s0 =	sor.u32 s3, s0;
	s1 =	sshll.u32 s1, $0x11  }
0xbb: {  	s0 =	sor.u32 s1, s0  }
0xbc: {  	s0 =	sadd.s32 $0x8F2B, s0  }
0xbd: {  	[sflag:s0] =	ssyncadd.remote.s32 $0x1  }
0xbe: {  	_ =	sfence.sel $0xFFFF  }
0xbf: {  	[dreg:$0x0] =	wrdreg $0xFFFFFFFF;
	(pc) =	sbr.abs _section_cstart, $3  }
0xc0: {  	[dreg:$0x1] =	wrdreg $0xFFFFFFFF  }
0xc1: {  	_ =	task.clear_ibuf [dreg:s6], $0x2FFFF;
	_ =	strace $0x9FFFFFFF  }
0xc2: {  	(tm) =	ssettm $0x7FFFFFFF  }
0xc3: {  	_ =	shalt  }
tec
execute0_lowered:
.L_overlay_start_1:
0x0: {  	(tag) =	ssettag $0x1  }
0x1: {  	s0 =	rddreg [dreg:$0x0]  }
0x2: {  	s1 =	rddreg [dreg:$0x1]  }
0x3: {  	s14 =	simm.s32 $0x0;
	s2 =	srdreg.scid;
	s15 =	stileid.u32  }
0x4: {  	s10 =	simm.s32 $0xA;
	s28 =	simm.s32 $0x9;
	s29 =	simm.s32 $0x80  }
0x5: {  	s31 =	simm.s32 $0x280;
	s30 =	simm.s32 $0x2C00;
	[smem:$0x7FF] =	sst s14  }
0x6: {  	s4 =	sadd.s32 $0x523A00, s0;
	s2 =	sand.u32 $0x1, s2;
	s5 =	sadd.s32 $0x41A00, s0  }
0x7: {  	s6 =	sadd.s32 $0x1A00, s0;
	s8 =	sshll.u32 s15, $0x1;
	s19 =	smul.u32 $0x14000, s15  }
0x8: {  	s0 =	sadd.s32 $0x54AC00, s0;
	p0 =	seq.s32 s15, $0xF;
	s22 =	smul.u32 $0x50000, s15  }
0x9: {  	_ =	strace $0x80000047;
	s3 =	ssub.s32 $0x2, s2;
	s26 =	sor.u32 s2, s8  }
0xa: {  	s10 =	simm.s32 @!p0 $0x10;
	s2 =	smul.u32 $0x138800, s2;
	s7 =	sshrl.u32 s3, $0x1  }
0xb: {  	s8 =	sshll.u32 s26, $0xF;
	s9 =	smul.u32 $0x2710, s26;
	[dreg:$0x4] =	wrdreg s10  }
0xc: {  	s11 =	sshll.u32 s26, $0xC;
	s13 =	smul.u32 $0x27100, s26;
	s25 =	sshrl.u32 s22, $0x2  }
0xd: {  	s22 =	simm.s32 $0x4;
	s3 =	ssub.s32 s3, s7;
	s11 =	sadd.s32 s6, s11  }
0xe: {  	s10 =	sor.u32 $0x100000, s8;
	s15 =	sadd.s32 s25, s1;
	[dreg:$0x5] =	wrdreg s11  }
0xf: {  	s7 =	smul.u32 $0x138800, s26;
	s16 =	sadd.s32 $0x10, s11;
	[dreg:$0x10] =	wrdreg s15  }
0x10: {  	s25 =	simm.s32 $0x3;
	s17 =	sadd.s32 $0x20010, s11;
	[dreg:$0x7] =	wrdreg s16  }
0x11: {  	s12 =	sshrl.u32 s10, $0x3;
	s18 =	sadd.s32 $0x20, s11;
	[dreg:$0x8] =	wrdreg s17  }
0x12: {  	s11 =	sadd.s32 $0x20020, s11;
	s20 =	sadd.s32 s5, s13;
	[dreg:$0x9] =	wrdreg s18  }
0x13: {  	s21 =	sadd.s32 $0x28, s9;
	s23 =	sadd.s32 $0x50, s9;
	[dreg:$0xa] =	wrdreg s11  }
0x14: {  	s26 =	smax.u32 s3, $0x1;
	s13 =	simm.s32 $0x28;
	[dreg:$0xb] =	wrdreg s20  }
0x15: {  	s12 =	sadd.s32 s6, s12;
	[dreg:$0xc] =	wrdreg s21;
	s7 =	sshrl.u32 s7, $0x3  }
0x16: {  	s11 =	sadd.s32 s19, s2;
	[dreg:$0xd] =	wrdreg s23;
	s2 =	sshrl.u32 s2, $0x3  }
0x17: {  	[dreg:$0x12] =	wrdreg s26;
	s26 =	simm.s32 $0x400;
	s18 =	simm.s32 $0x380  }
0x18: {  	s17 =	simm.s32 $0x2;
	s20 =	simm.s32 $0x1800;
	s21 =	simm.s32 $0x4000  }
0x19: {  	s23 =	simm.s32 $0x5;
	[dreg:$0x6] =	wrdreg s12;
	s7 =	sadd.s32 s5, s7  }
0x1a: {  	s24 =	sshrl.u32 s11, $0x3;
	s12 =	simm.s32 $0x1;
	s7 =	sadd.s32 $0x26E80, s7  }
0x1b: {  	[dreg:$0xe] =	wrdreg s7;
	s7 =	sadd.s32 s0, s24;
	s0 =	sadd.s32 s0, s2  }
0x1c: {  	s2 =	sadd.s32 $0x12C000, s1;
	[dreg:$0xf] =	wrdreg s7;
	s0 =	sadd.s32 $0x25800, s0  }
0x1d: {  	s11 =	simm.s32 $0x6;
	[dreg:$0x11] =	wrdreg s0;
	s0 =	sshrl.u32 @p0 s2, $0x3  }
0x1e: {  	v0 =	vimm.f32 $0.0e+00;
	s24 =	simm.s32 $0x7;
	s7 =	simm.s32 $0x8;
	[dreg:$0x13] =	wrdreg s0  }
.LBB2_1:
0x1f: {  	s0 =	simm.s32 $0x0;
	s2 =	simm.s32 $0x200  }
.LBB2_2:
0x20: {  	p1 =	sne.s32 s2, $0x4E00;
	[tilespmem:s0+$0x470] =	vst v0  }
0x21: {  	[tilespmem:s0+$0x400] =	vst v0  }
0x22: {  	[tilespmem:s0+$0x410] =	vst v0  }
.Ltmp0:
0x23: {  	[tilespmem:s0+$0x420] =	vst v0;
	(pc) =	sbr.rel @p1 .LBB2_2-.Ltmp0, $4  }
0x24: {  	[tilespmem:s0+$0x430] =	vst v0  }
0x25: {  	[tilespmem:s0+$0x440] =	vst v0  }
0x26: {  	[tilespmem:s0+$0x450] =	vst v0  }
0x27: {  	[tilespmem:s0+$0x460] =	vst v0;
	s0 =	sshra.s32 s2, $0x2;
	s2 =	sadd.s32 $0x200, s2  }
0x28: {  	[tilespmem:s0+$0x470] =	vst v0  }
0x29: {  	[tilespmem:s0+$0x400] =	vst v0  }
0x2a: {  	[tilespmem:s0+$0x410] =	vst v0  }
0x2b: {  	[tilespmem:s0+$0x420] =	vst v0  }
0x2c: {  	[tilespmem:s0+$0x430] =	vst v0;
	s19 =	rddreg [dreg:$0x4]  }
0x2d: {  	[tilespmem:s0+$0x440] =	vst v0;
	p1 =	sne.s32 s19, $0x1  }
.Ltmp1:
0x2e: {  	[tilespmem:s0+$0x450] =	vst v0;
	(pc) =	sbr.rel @!p1 .LBB2_5-.Ltmp1, $4  }
0x2f: {  	[dreg:$0x3] =	wrdreg s14;
	[tilespmem:s0+$0x460] =	vst v0  }
0x30: {  	[spmem:s15] =	stream.linear.scatter [tilespmem:s26], [sflag:$0x9], $0x1400, $0x38;
	[tilespmem:$0x18C80] =	vst v63  }
0x31: {  	_ =	swait.ge [sflag:s28], $0x1400  }
0x32: {  	s2 =	smov.u32 s15;
	s0 =	sadd.s32 $0xFFFFFFFF, s19;
	[sflag:s28] =	ssyncset.done $0x0  }
.LBB2_4:
0x33: {  	p1 =	sne.s32 s0, $0x1;
	[sflag:s28] =	ssyncadd.s32 $0xFFFFEC00;
	s2 =	sadd.s32 $0x1400, s2  }
.Ltmp2:
0x34: {  	s0 =	sadd.s32 $0xFFFFFFFF, s0;
	(pc) =	sbr.rel @p1 .LBB2_4-.Ltmp2, $4  }
0x35: {  	_ = 	snop  }
0x36: {  	[spmem:s2] =	stream.linear.scatter [tilespmem:s26], [sflag:$0x9], $0x1400, $0x38;
	[tilespmem:$0x18C80] =	vst v63  }
0x37: {  	_ =	swait.ge [sflag:s28], $0x1400  }
0x38: {  	[sflag:s28] =	ssyncset.done $0x0  }
.LBB2_5:
0x39: {  	[sflag:s28] =	ssyncadd.s32 $0xFFFFEC00;
	s2 =	simm.s32 $0x0;
	s0 =	rddreg [dreg:$0x5]  }
0x3a: {  	[tilespmem:s2], [sflag:$0x1] =	stream.linear.gather [hbm4b:s0+s2], $0x80, $0x38;
	[tilespmem:$0x18C80] =	vst v63  }
0x3b: {  	s16 =	rddreg [dreg:$0x6];
	s3 =	simm.s32 $0x200  }
0x3c: {  	[tilespmem:s3], [sflag:$0x1] =	stream.linear.gather [hbm4b:s16+s2], $0x80, $0x38;
	[tilespmem:$0x18C80] =	vst v63  }
0x3d: {  	s19 =	rddreg [dreg:$0x7]  }
0x3e: {  	[tilespmem:s29], [sflag:$0x2] =	stream.linear.gather [hbm4b:s19+s2], $0x80, $0x38;
	[tilespmem:$0x18C80] =	vst v63  }
0x3f: {  	s3 =	rddreg [dreg:$0x8]  }
0x40: {  	[tilespmem:s31], [sflag:$0x2] =	stream.linear.gather [hbm4b:s3+s2], $0x80, $0x38;
	[tilespmem:$0x18C80] =	vst v63  }
0x41: {  	s14 =	rddreg [dreg:$0x9];
	s15 =	simm.s32 $0x100  }
0x42: {  	[tilespmem:s15], [sflag:$0x3] =	stream.linear.gather [hbm4b:s14+s2], $0x80, $0x38;
	[tilespmem:$0x18C80] =	vst v63  }
0x43: {  	s16 =	rddreg [dreg:$0xa];
	s19 =	simm.s32 $0x300  }
0x44: {  	[tilespmem:s19], [sflag:$0x3] =	stream.linear.gather [hbm4b:s16+s2], $0x80, $0x38;
	[tilespmem:$0x18C80] =	vst v63  }
0x45: {  	[bflag:$0x0] =	sbarrier.arrive $0xFFFF  }
0x46: {  	_ =	swait.ge [sflag:s12], $0x80  }
0x47: {  	[sflag:s12] =	ssyncset.done $0x0  }
0x48: {  	[sflag:s12] =	ssyncadd.s32 $0xFFFFFF80  }
0x49: {  	_ =	swait.ge [sflag:s12], $0x80  }
0x4a: {  	[sflag:s12] =	ssyncset.done $0x0  }
0x4b: {  	[sflag:s12] =	ssyncadd.s32 $0xFFFFFF80  }
0x4c: {  	[tilespmem:s26], [sflag:$0x5] =	stream.indirect.gather [hbm4b:s4+s13], $0x80, s2, s13, $0xb8;
	[tilespmem:$0x18C80] =	vst v63  }
0x4d: {  	s0 =	simm.s32 $0x0;
	s31 =	rddreg [dreg:$0xb]  }
0x4e: {  	[tilespmem:s30], [sflag:$0x7] =	stream.linear.gather [hbm4b:s31+s2], $0x1400, $0x38;
	[tilespmem:$0x18C80] =	vst v63  }
.LBB2_6:
0x4f: {  	s19 =	sshllo.u32 s0, $0x2  }
0x50: {  	s3 =	sshll.u32 s0, $0x9;
	s14 =	sshll.u32 s19, $0x7  }
0x51: {  	s15 =	sand.u32 $0x7C00, s3;
	s14 =	sand.u32 $0x380, s14  }
0x52: {  	s14 =	sor.u32 s15, s14  }
0x53: {  	s15 =	sor.u32 s8, s14  }
0x54: {  	s14 =	sor.u32 s10, s14;
	s15 =	sshrl.u32 s15, $0x3  }
0x55: {  	s16 =	simm.s32 $0x180;
	s14 =	sshrl.u32 s14, $0x3;
	s15 =	sadd.s32 s6, s15  }
0x56: {  	[tilespmem:s16], [sflag:$0x4] =	stream.linear.gather [hbm4b:s15+s2], $0x80, $0x38;
	[tilespmem:$0x18C80] =	vst v63  }
0x57: {  	s14 =	sadd.s32 s6, s14  }
0x58: {  	[tilespmem:s18], [sflag:$0x4] =	stream.linear.gather [hbm4b:s14+s2], $0x80, $0x38;
	[tilespmem:$0x18C80] =	vst v63  }
0x59: {  	_ =	swait.ge [sflag:s17], $0x80  }
0x5a: {  	[sflag:s17] =	ssyncset.done $0x0  }
0x5b: {  	[sflag:s17] =	ssyncadd.s32 $0xFFFFFF80  }
0x5c: {  	s15 =	smul.u32 $0xA0, s0;
	_ =	swait.ge [sflag:s17], $0x80  }
0x5d: {  	[sflag:s17] =	ssyncset.done $0x0;
	s31 =	rddreg [dreg:$0xc]  }
0x5e: {  	[sflag:s17] =	ssyncadd.s32 $0xFFFFFF80;
	s14 =	sadd.s32 s15, s31  }
0x5f: {  	[tilespmem:s20], [sflag:$0x6] =	stream.indirect.gather [hbm4b:s4+s13], $0x80, s29, s13, $0xb8;
	[tilespmem:$0x18C80] =	vst v63  }
0x60: {  	s14 =	sshll.u32 s14, $0x4  }
0x61: {  	s14 =	sadd.s32 s5, s14  }
0x62: {  	[tilespmem:s21], [sflag:$0x8] =	stream.linear.gather [hbm4b:s14+s2], $0x1400, $0x38;
	[tilespmem:$0x18C80] =	vst v63  }
0x63: {  	_ =	swait.ge [sflag:s23], $0x1400  }
0x64: {  	[sflag:s23] =	ssyncset.done $0x0  }
0x65: {  	[sflag:s23] =	ssyncadd.s32 $0xFFFFEC00  }
0x66: {  	_ =	swait.ge [sflag:s24], $0x1400  }
0x67: {  	[sflag:s24] =	ssyncset.done $0x0  }
0x68: {  	s18 =	simm.s32 $0x0;
	[sflag:s24] =	ssyncadd.s32 $0xFFFFEC00  }
0x69: {  	v7 =	vld [tilespmem:s18+$0x2C00]  }
0x6a: {  	v12 =	vld [tilespmem:s18+$0x2C10]  }
0x6b: {  	v6 =	vld [tilespmem:s18+$0x2C20]  }
0x6c: {  	v5 =	vld [tilespmem:s18+$0x2C30]  }
0x6d: {  	v4 =	vld [tilespmem:s18+$0x2C40]  }
0x6e: {  	v3 =	vld [tilespmem:s18+$0x2C50]  }
0x6f: {  	v2 =	vld [tilespmem:s18+$0x2C60]  }
0x70: {  	v1 =	vld [tilespmem:s18+$0x2C70]  }
0x71: {  	v13 =	vld [tilespmem:s18+$0x400]  }
0x72: {  	v14 =	vld [tilespmem:s18+$0x410]  }
0x73: {  	v11 =	vld [tilespmem:s18+$0x420]  }
0x74: {  	v10 =	vld [tilespmem:s18+$0x430]  }
0x75: {  	v9 =	vld [tilespmem:s18+$0x440]  }
0x76: {  	v8 =	vld [tilespmem:s18+$0x450];
	v13 =	vadd.f32 v7, v13  }
0x77: {  	s16 =	sshll.u32 s0, $0x2;
	s14 =	simm.s32 $0x200;
	v12 =	vadd.f32 v12, v14;
	v7 =	vld [tilespmem:s18+$0x460]  }
.LBB2_7:
0x78: {  	s21 =	sshra.s32 s14, $0x2;
	p1 =	sne.s32 s14, $0x4E00;
	v13 =	vmax.f32 v13, $0.0e+00;
	v6 =	vadd.f32 v6, v11;
	v11 =	vld [tilespmem:s18+$0x470]  }
0x79: {  	v14 =	vld [tilespmem:s21+$0x2C00];
	[tilespmem:s18+$0x400] =	vst v13;
	v12 =	vmax.f32 v12, $0.0e+00;
	v5 =	vadd.f32 v5, v10  }
0x7a: {  	v15 =	vld [tilespmem:s21+$0x2C10];
	[tilespmem:s18+$0x410] =	vst v12;
	v10 =	vmax.f32 v6, $0.0e+00;
	v4 =	vadd.f32 v4, v9  }
0x7b: {  	v6 =	vld [tilespmem:s21+$0x2C20];
	[tilespmem:s18+$0x420] =	vst v10;
	v9 =	vmax.f32 v5, $0.0e+00;
	v3 =	vadd.f32 v3, v8  }
0x7c: {  	v5 =	vld [tilespmem:s21+$0x2C30];
	[tilespmem:s18+$0x430] =	vst v9;
	v8 =	vmax.f32 v4, $0.0e+00;
	v2 =	vadd.f32 v2, v7  }
0x7d: {  	v4 =	vld [tilespmem:s21+$0x2C40];
	[tilespmem:s18+$0x440] =	vst v8;
	v7 =	vmax.f32 v3, $0.0e+00;
	v1 =	vadd.f32 v1, v11  }
0x7e: {  	v3 =	vld [tilespmem:s21+$0x2C50];
	[tilespmem:s18+$0x450] =	vst v7;
	v7 =	vmax.f32 v2, $0.0e+00  }
0x7f: {  	v2 =	vld [tilespmem:s21+$0x2C60];
	[tilespmem:s18+$0x460] =	vst v7;
	v7 =	vmax.f32 v1, $0.0e+00  }
0x80: {  	v1 =	vld [tilespmem:s21+$0x2C70];
	[tilespmem:s18+$0x470] =	vst v7;
	s18 =	smov.u32 s21  }
0x81: {  	v7 =	vld [tilespmem:s18+$0x400]  }
0x82: {  	v12 =	vld [tilespmem:s18+$0x410]  }
.Ltmp3:
0x83: {  	v11 =	vld [tilespmem:s18+$0x420];
	(pc) =	sbr.rel @p1 .LBB2_7-.Ltmp3, $4  }
0x84: {  	v10 =	vld [tilespmem:s18+$0x430]  }
0x85: {  	v9 =	vld [tilespmem:s18+$0x440]  }
0x86: {  	v13 =	vadd.f32 v14, v7;
	v8 =	vld [tilespmem:s18+$0x450]  }
0x87: {  	s14 =	sadd.s32 $0x200, s14;
	v12 =	vadd.f32 v15, v12;
	v7 =	vld [tilespmem:s18+$0x460]  }
0x88: {  	v13 =	vmax.f32 v13, $0.0e+00;
	v6 =	vadd.f32 v6, v11;
	v11 =	vld [tilespmem:s18+$0x470]  }
0x89: {  	[tilespmem:s18+$0x400] =	vst v13;
	v12 =	vmax.f32 v12, $0.0e+00;
	v5 =	vadd.f32 v5, v10  }
0x8a: {  	[tilespmem:s18+$0x410] =	vst v12;
	v6 =	vmax.f32 v6, $0.0e+00;
	v4 =	vadd.f32 v4, v9  }
0x8b: {  	[tilespmem:s18+$0x420] =	vst v6;
	v5 =	vmax.f32 v5, $0.0e+00;
	v3 =	vadd.f32 v3, v8  }
0x8c: {  	[tilespmem:s18+$0x430] =	vst v5;
	v4 =	vmax.f32 v4, $0.0e+00;
	v2 =	vadd.f32 v2, v7  }
0x8d: {  	[tilespmem:s18+$0x440] =	vst v4;
	v3 =	vmax.f32 v3, $0.0e+00;
	v1 =	vadd.f32 v1, v11  }
0x8e: {  	[tilespmem:s18+$0x450] =	vst v3;
	v2 =	vmax.f32 v2, $0.0e+00  }
0x8f: {  	[tilespmem:s18+$0x460] =	vst v2;
	v1 =	vmax.f32 v1, $0.0e+00  }
0x90: {  	s31 =	simm.s32 $0x200;
	[tilespmem:s18+$0x470] =	vst v1;
	s18 =	sadd.s32 $0x4, s16  }
0x91: {  	[spmem:s1] =	stream.indirect.scatter.add.f32 [tilespmem:s26], [sflag:$0x9], $0x80, s31, s13, $0xb8;
	[tilespmem:$0x18C80] =	vst v63  }
0x92: {  	s14 =	sshll.u32 s18, $0x7  }
0x93: {  	s16 =	sand.u32 $0xFC00, s14  }
0x94: {  	s29 =	simm.s32 $0x0;
	s14 =	sand.u32 $0x200, s14;
	s21 =	sadd.s32 s8, s16  }
0x95: {  	_ =	swait.ge [sflag:s28], $0x1400;
	s16 =	sadd.s32 s10, s16;
	s21 =	sor.u32 s14, s21  }
0x96: {  	[sflag:s28] =	ssyncset.done $0x0;
	s14 =	sor.u32 s14, s16;
	s21 =	sshrl.u32 s21, $0x3  }
0x97: {  	[sflag:s28] =	ssyncadd.s32 $0xFFFFEC00;
	s14 =	sshrl.u32 s14, $0x3;
	s21 =	sadd.s32 s6, s21  }
0x98: {  	[tilespmem:s29], [sflag:$0x1] =	stream.linear.gather [hbm4b:s21+s29], $0x80, $0x38;
	[tilespmem:$0x18C80] =	vst v63  }
0x99: {  	s14 =	sadd.s32 s6, s14  }
0x9a: {  	[tilespmem:s31], [sflag:$0x1] =	stream.linear.gather [hbm4b:s14+s29], $0x80, $0x38;
	[tilespmem:$0x18C80] =	vst v63  }
0x9b: {  	_ =	swait.ge [sflag:s25], $0x80  }
0x9c: {  	[sflag:s25] =	ssyncset.done $0x0  }
0x9d: {  	[sflag:s25] =	ssyncadd.s32 $0xFFFFFF80  }
0x9e: {  	_ =	swait.ge [sflag:s25], $0x80  }
0x9f: {  	[sflag:s25] =	ssyncset.done $0x0;
	s31 =	rddreg [dreg:$0xd]  }
0xa0: {  	s21 =	simm.s32 $0x100;
	[sflag:s25] =	ssyncadd.s32 $0xFFFFFF80;
	s14 =	sadd.s32 s15, s31  }
0xa1: {  	[tilespmem:s26], [sflag:$0x5] =	stream.indirect.gather [hbm4b:s4+s13], $0x80, s21, s13, $0xb8;
	[tilespmem:$0x18C80] =	vst v63  }
0xa2: {  	s14 =	sshll.u32 s14, $0x4  }
0xa3: {  	s14 =	sadd.s32 s5, s14  }
0xa4: {  	[tilespmem:s30], [sflag:$0x7] =	stream.linear.gather [hbm4b:s14+s29], $0x1400, $0x38;
	[tilespmem:$0x18C80] =	vst v63  }
0xa5: {  	_ =	swait.ge [sflag:s11], $0x1400  }
0xa6: {  	[sflag:s11] =	ssyncset.done $0x0  }
0xa7: {  	[sflag:s11] =	ssyncadd.s32 $0xFFFFEC00  }
0xa8: {  	_ =	swait.ge [sflag:s7], $0x1400  }
0xa9: {  	[sflag:s7] =	ssyncset.done $0x0  }
0xaa: {  	s15 =	simm.s32 $0x0;
	[sflag:s7] =	ssyncadd.s32 $0xFFFFEC00  }
0xab: {  	v7 =	vld [tilespmem:s15+$0x4000]  }
0xac: {  	v12 =	vld [tilespmem:s15+$0x4010]  }
0xad: {  	v6 =	vld [tilespmem:s15+$0x4020]  }
0xae: {  	v5 =	vld [tilespmem:s15+$0x4030]  }
0xaf: {  	v4 =	vld [tilespmem:s15+$0x4040]  }
0xb0: {  	v3 =	vld [tilespmem:s15+$0x4050]  }
0xb1: {  	v2 =	vld [tilespmem:s15+$0x4060]  }
0xb2: {  	v1 =	vld [tilespmem:s15+$0x4070]  }
0xb3: {  	v13 =	vld [tilespmem:s15+$0x1800]  }
0xb4: {  	v14 =	vld [tilespmem:s15+$0x1810]  }
0xb5: {  	v11 =	vld [tilespmem:s15+$0x1820]  }
0xb6: {  	v10 =	vld [tilespmem:s15+$0x1830]  }
0xb7: {  	v9 =	vld [tilespmem:s15+$0x1840]  }
0xb8: {  	v8 =	vld [tilespmem:s15+$0x1850];
	v13 =	vadd.f32 v7, v13  }
0xb9: {  	s14 =	simm.s32 $0x200;
	v12 =	vadd.f32 v12, v14;
	v7 =	vld [tilespmem:s15+$0x1860]  }
.LBB2_9:
0xba: {  	s16 =	sshra.s32 s14, $0x2;
	p1 =	sne.s32 s14, $0x4E00;
	v13 =	vmax.f32 v13, $0.0e+00;
	v6 =	vadd.f32 v6, v11;
	v11 =	vld [tilespmem:s15+$0x1870]  }
0xbb: {  	v14 =	vld [tilespmem:s16+$0x4000];
	[tilespmem:s15+$0x1800] =	vst v13;
	v12 =	vmax.f32 v12, $0.0e+00;
	v5 =	vadd.f32 v5, v10  }
0xbc: {  	v15 =	vld [tilespmem:s16+$0x4010];
	[tilespmem:s15+$0x1810] =	vst v12;
	v10 =	vmax.f32 v6, $0.0e+00;
	v4 =	vadd.f32 v4, v9  }
0xbd: {  	v6 =	vld [tilespmem:s16+$0x4020];
	[tilespmem:s15+$0x1820] =	vst v10;
	v9 =	vmax.f32 v5, $0.0e+00;
	v3 =	vadd.f32 v3, v8  }
0xbe: {  	v5 =	vld [tilespmem:s16+$0x4030];
	[tilespmem:s15+$0x1830] =	vst v9;
	v8 =	vmax.f32 v4, $0.0e+00;
	v2 =	vadd.f32 v2, v7  }
0xbf: {  	v4 =	vld [tilespmem:s16+$0x4040];
	[tilespmem:s15+$0x1840] =	vst v8;
	v7 =	vmax.f32 v3, $0.0e+00;
	v1 =	vadd.f32 v1, v11  }
0xc0: {  	v3 =	vld [tilespmem:s16+$0x4050];
	[tilespmem:s15+$0x1850] =	vst v7;
	v7 =	vmax.f32 v2, $0.0e+00  }
0xc1: {  	v2 =	vld [tilespmem:s16+$0x4060];
	[tilespmem:s15+$0x1860] =	vst v7;
	v7 =	vmax.f32 v1, $0.0e+00  }
0xc2: {  	v1 =	vld [tilespmem:s16+$0x4070];
	[tilespmem:s15+$0x1870] =	vst v7;
	s15 =	smov.u32 s16  }
0xc3: {  	v7 =	vld [tilespmem:s15+$0x1800]  }
0xc4: {  	v12 =	vld [tilespmem:s15+$0x1810]  }
.Ltmp4:
0xc5: {  	v11 =	vld [tilespmem:s15+$0x1820];
	(pc) =	sbr.rel @p1 .LBB2_9-.Ltmp4, $4  }
0xc6: {  	v10 =	vld [tilespmem:s15+$0x1830]  }
0xc7: {  	v9 =	vld [tilespmem:s15+$0x1840]  }
0xc8: {  	v13 =	vadd.f32 v14, v7;
	v8 =	vld [tilespmem:s15+$0x1850]  }
0xc9: {  	s14 =	sadd.s32 $0x200, s14;
	v12 =	vadd.f32 v15, v12;
	v7 =	vld [tilespmem:s15+$0x1860]  }
0xca: {  	v13 =	vmax.f32 v13, $0.0e+00;
	v6 =	vadd.f32 v6, v11;
	v11 =	vld [tilespmem:s15+$0x1870]  }
0xcb: {  	[tilespmem:s15+$0x1800] =	vst v13;
	v12 =	vmax.f32 v12, $0.0e+00;
	v5 =	vadd.f32 v5, v10  }
0xcc: {  	[tilespmem:s15+$0x1810] =	vst v12;
	v6 =	vmax.f32 v6, $0.0e+00;
	v4 =	vadd.f32 v4, v9  }
0xcd: {  	[tilespmem:s15+$0x1820] =	vst v6;
	v5 =	vmax.f32 v5, $0.0e+00;
	v3 =	vadd.f32 v3, v8  }
0xce: {  	[tilespmem:s15+$0x1830] =	vst v5;
	v4 =	vmax.f32 v4, $0.0e+00;
	v2 =	vadd.f32 v2, v7  }
0xcf: {  	[tilespmem:s15+$0x1840] =	vst v4;
	v3 =	vmax.f32 v3, $0.0e+00;
	v1 =	vadd.f32 v1, v11  }
0xd0: {  	[tilespmem:s15+$0x1850] =	vst v3;
	v2 =	vmax.f32 v2, $0.0e+00  }
0xd1: {  	s14 =	sadd.s32 $0x280, s3;
	[tilespmem:s15+$0x1860] =	vst v2;
	v1 =	vmax.f32 v1, $0.0e+00  }
0xd2: {  	s30 =	simm.s32 $0x280;
	s21 =	simm.s32 $0x0;
	[tilespmem:s15+$0x1870] =	vst v1;
	s15 =	sand.u32 $0xFC00, s14  }
0xd3: {  	[spmem:s1] =	stream.indirect.scatter.add.f32 [tilespmem:s20], [sflag:$0x9], $0x80, s30, s13, $0xb8;
	[tilespmem:$0x18C80] =	vst v63  }
0xd4: {  	s29 =	simm.s32 $0x80;
	s14 =	sand.u32 $0x280, s14;
	s16 =	sadd.s32 s8, s15  }
0xd5: {  	s15 =	sadd.s32 s10, s15;
	_ =	swait.ge [sflag:s28], $0x1400;
	s16 =	sor.u32 s14, s16  }
0xd6: {  	s14 =	sor.u32 s14, s15;
	[sflag:s28] =	ssyncset.done $0x0;
	s16 =	sshrl.u32 s16, $0x3  }
0xd7: {  	s14 =	sshrl.u32 s14, $0x3;
	[sflag:s28] =	ssyncadd.s32 $0xFFFFEC00;
	s16 =	sadd.s32 s6, s16  }
0xd8: {  	[tilespmem:s29], [sflag:$0x2] =	stream.linear.gather [hbm4b:s16+s21], $0x80, $0x38;
	[tilespmem:$0x18C80] =	vst v63  }
0xd9: {  	s14 =	sadd.s32 s6, s14  }
0xda: {  	[tilespmem:s30], [sflag:$0x2] =	stream.linear.gather [hbm4b:s14+s21], $0x80, $0x38;
	[tilespmem:$0x18C80] =	vst v63  }
0xdb: {  	_ =	swait.ge [sflag:s22], $0x80  }
0xdc: {  	[sflag:s22] =	ssyncset.done $0x0  }
0xdd: {  	s16 =	smul.u32 $0x28, s19;
	[sflag:s22] =	ssyncadd.s32 $0xFFFFFF80  }
0xde: {  	_ =	swait.ge [sflag:s22], $0x80  }
0xdf: {  	s14 =	sadd.s32 s9, s16;
	[sflag:s22] =	ssyncset.done $0x0  }
0xe0: {  	s19 =	simm.s32 $0x180;
	s14 =	sshll.u32 s14, $0x4;
	[sflag:s22] =	ssyncadd.s32 $0xFFFFFF80  }
0xe1: {  	[tilespmem:s20], [sflag:$0x6] =	stream.indirect.gather [hbm4b:s4+s13], $0x80, s19, s13, $0xb8;
	[tilespmem:$0x18C80] =	vst v63  }
0xe2: {  	s30 =	simm.s32 $0x4000;
	s14 =	sadd.s32 s5, s14  }
0xe3: {  	[tilespmem:s30], [sflag:$0x8] =	stream.linear.gather [hbm4b:s14+s21], $0x1400, $0x38;
	[tilespmem:$0x18C80] =	vst v63  }
0xe4: {  	_ =	swait.ge [sflag:s23], $0x1400  }
0xe5: {  	[sflag:s23] =	ssyncset.done $0x0  }
0xe6: {  	[sflag:s23] =	ssyncadd.s32 $0xFFFFEC00  }
0xe7: {  	_ =	swait.ge [sflag:s24], $0x1400  }
0xe8: {  	[sflag:s24] =	ssyncset.done $0x0  }
0xe9: {  	s15 =	simm.s32 $0x0;
	[sflag:s24] =	ssyncadd.s32 $0xFFFFEC00  }
0xea: {  	v7 =	vld [tilespmem:s15+$0x2C00]  }
0xeb: {  	v12 =	vld [tilespmem:s15+$0x2C10]  }
0xec: {  	v6 =	vld [tilespmem:s15+$0x2C20]  }
0xed: {  	v5 =	vld [tilespmem:s15+$0x2C30]  }
0xee: {  	v4 =	vld [tilespmem:s15+$0x2C40]  }
0xef: {  	v3 =	vld [tilespmem:s15+$0x2C50]  }
0xf0: {  	v2 =	vld [tilespmem:s15+$0x2C60]  }
0xf1: {  	v1 =	vld [tilespmem:s15+$0x2C70]  }
0xf2: {  	v13 =	vld [tilespmem:s15+$0x400]  }
0xf3: {  	v14 =	vld [tilespmem:s15+$0x410]  }
0xf4: {  	v11 =	vld [tilespmem:s15+$0x420]  }
0xf5: {  	v10 =	vld [tilespmem:s15+$0x430]  }
0xf6: {  	v9 =	vld [tilespmem:s15+$0x440]  }
0xf7: {  	v8 =	vld [tilespmem:s15+$0x450];
	v13 =	vadd.f32 v7, v13  }
0xf8: {  	s31 =	simm.s32 $0x280;
	s21 =	simm.s32 $0x4000;
	s14 =	simm.s32 $0x200;
	v12 =	vadd.f32 v12, v14;
	v7 =	vld [tilespmem:s15+$0x460]  }
.LBB2_11:
0xf9: {  	s16 =	sshra.s32 s14, $0x2;
	p1 =	sne.s32 s14, $0x4E00;
	v13 =	vmax.f32 v13, $0.0e+00;
	v6 =	vadd.f32 v6, v11;
	v11 =	vld [tilespmem:s15+$0x470]  }
0xfa: {  	v14 =	vld [tilespmem:s16+$0x2C00];
	[tilespmem:s15+$0x400] =	vst v13;
	v12 =	vmax.f32 v12, $0.0e+00;
	v5 =	vadd.f32 v5, v10  }
0xfb: {  	v15 =	vld [tilespmem:s16+$0x2C10];
	[tilespmem:s15+$0x410] =	vst v12;
	v10 =	vmax.f32 v6, $0.0e+00;
	v4 =	vadd.f32 v4, v9  }
0xfc: {  	v6 =	vld [tilespmem:s16+$0x2C20];
	[tilespmem:s15+$0x420] =	vst v10;
	v9 =	vmax.f32 v5, $0.0e+00;
	v3 =	vadd.f32 v3, v8  }
0xfd: {  	v5 =	vld [tilespmem:s16+$0x2C30];
	[tilespmem:s15+$0x430] =	vst v9;
	v8 =	vmax.f32 v4, $0.0e+00;
	v2 =	vadd.f32 v2, v7  }
0xfe: {  	v4 =	vld [tilespmem:s16+$0x2C40];
	[tilespmem:s15+$0x440] =	vst v8;
	v7 =	vmax.f32 v3, $0.0e+00;
	v1 =	vadd.f32 v1, v11  }
0xff: {  	v3 =	vld [tilespmem:s16+$0x2C50];
	[tilespmem:s15+$0x450] =	vst v7;
	v7 =	vmax.f32 v2, $0.0e+00  }
0x100: {  	v2 =	vld [tilespmem:s16+$0x2C60];
	[tilespmem:s15+$0x460] =	vst v7;
	v7 =	vmax.f32 v1, $0.0e+00  }
0x101: {  	v1 =	vld [tilespmem:s16+$0x2C70];
	[tilespmem:s15+$0x470] =	vst v7;
	s15 =	smov.u32 s16  }
0x102: {  	v7 =	vld [tilespmem:s15+$0x400]  }
0x103: {  	v12 =	vld [tilespmem:s15+$0x410]  }
.Ltmp5:
0x104: {  	v11 =	vld [tilespmem:s15+$0x420];
	(pc) =	sbr.rel @p1 .LBB2_11-.Ltmp5, $4  }
0x105: {  	v10 =	vld [tilespmem:s15+$0x430]  }
0x106: {  	v9 =	vld [tilespmem:s15+$0x440]  }
0x107: {  	v13 =	vadd.f32 v14, v7;
	v8 =	vld [tilespmem:s15+$0x450]  }
0x108: {  	s14 =	sadd.s32 $0x200, s14;
	v12 =	vadd.f32 v15, v12;
	v7 =	vld [tilespmem:s15+$0x460]  }
0x109: {  	v13 =	vmax.f32 v13, $0.0e+00;
	v6 =	vadd.f32 v6, v11;
	v11 =	vld [tilespmem:s15+$0x470]  }
0x10a: {  	[tilespmem:s15+$0x400] =	vst v13;
	v12 =	vmax.f32 v12, $0.0e+00;
	v5 =	vadd.f32 v5, v10  }
0x10b: {  	[tilespmem:s15+$0x410] =	vst v12;
	v6 =	vmax.f32 v6, $0.0e+00;
	v4 =	vadd.f32 v4, v9  }
0x10c: {  	[tilespmem:s15+$0x420] =	vst v6;
	v5 =	vmax.f32 v5, $0.0e+00;
	v3 =	vadd.f32 v3, v8  }
0x10d: {  	[tilespmem:s15+$0x430] =	vst v5;
	v4 =	vmax.f32 v4, $0.0e+00;
	v2 =	vadd.f32 v2, v7  }
0x10e: {  	[tilespmem:s15+$0x440] =	vst v4;
	v3 =	vmax.f32 v3, $0.0e+00;
	v1 =	vadd.f32 v1, v11  }
0x10f: {  	[tilespmem:s15+$0x450] =	vst v3;
	v2 =	vmax.f32 v2, $0.0e+00  }
0x110: {  	p1 =	seq.s32 s0, $0x3D;
	[tilespmem:s15+$0x460] =	vst v2;
	v1 =	vmax.f32 v1, $0.0e+00  }
0x111: {  	s14 =	simm.s32 $0x300;
	s3 =	sadd.s32 @!p1 $0x300, s3;
	[tilespmem:s15+$0x470] =	vst v1  }
0x112: {  	[spmem:s1] =	stream.indirect.scatter.add.f32 [tilespmem:s26], [sflag:$0x9], $0x80, s14, s13, $0xb8;
	[tilespmem:$0x18C80] =	vst v63  }
0x113: {  	s16 =	simm.s32 @!p1 $0x0;
	s14 =	sand.u32 @!p1 $0xFC00, s3  }
0x114: {  	s19 =	simm.s32 @!p1 $0x100;
	s3 =	sand.u32 @!p1 $0x300, s3;
	s15 =	sadd.s32 @!p1 s8, s14  }
0x115: {  	_ =	swait.ge [sflag:s28], $0x1400;
	s14 =	sadd.s32 @!p1 s10, s14;
	s15 =	sor.u32 @!p1 s3, s15  }
0x116: {  	[sflag:s28] =	ssyncset.done $0x0;
	s3 =	sor.u32 @!p1 s3, s14;
	s15 =	sshrl.u32 @!p1 s15, $0x3  }
0x117: {  	[sflag:s28] =	ssyncadd.s32 $0xFFFFEC00;
	s3 =	sshrl.u32 @!p1 s3, $0x3;
	s15 =	sadd.s32 @!p1 s6, s15  }
0x118: {  	[tilespmem:s19], [sflag:$0x3] =	stream.linear.gather @!p1 [hbm4b:s15+s16], $0x80, $0x38;
	[tilespmem:$0x18C80] =	vst v63  }
0x119: {  	s14 =	simm.s32 @!p1 $0x300;
	s3 =	sadd.s32 @!p1 s6, s3  }
0x11a: {  	[tilespmem:s14], [sflag:$0x3] =	stream.linear.gather @!p1 [hbm4b:s3+s16], $0x80, $0x38;
	[tilespmem:$0x18C80] =	vst v63  }
0x11b: {  	_ =	swait.ge [sflag:s12], $0x80  }
0x11c: {  	[sflag:s12] =	ssyncset.done $0x0  }
0x11d: {  	s19 =	smul.u32 $0x28, s18;
	[sflag:s12] =	ssyncadd.s32 $0xFFFFFF80  }
0x11e: {  	_ =	swait.ge [sflag:s12], $0x80  }
0x11f: {  	s14 =	sadd.s32 s9, s19;
	[sflag:s12] =	ssyncset.done $0x0  }
0x120: {  	s16 =	simm.s32 $0x0;
	s14 =	sshll.u32 s14, $0x4;
	[sflag:s12] =	ssyncadd.s32 $0xFFFFFF80  }
0x121: {  	[tilespmem:s26], [sflag:$0x5] =	stream.indirect.gather [hbm4b:s4+s13], $0x80, s16, s13, $0xb8;
	[tilespmem:$0x18C80] =	vst v63  }
0x122: {  	s30 =	simm.s32 $0x2C00;
	s14 =	sadd.s32 s5, s14  }
0x123: {  	[tilespmem:s30], [sflag:$0x7] =	stream.linear.gather [hbm4b:s14+s16], $0x1400, $0x38;
	[tilespmem:$0x18C80] =	vst v63  }
0x124: {  	_ =	swait.ge [sflag:s11], $0x1400  }
0x125: {  	[sflag:s11] =	ssyncset.done $0x0  }
0x126: {  	[sflag:s11] =	ssyncadd.s32 $0xFFFFEC00  }
0x127: {  	_ =	swait.ge [sflag:s7], $0x1400  }
0x128: {  	[sflag:s7] =	ssyncset.done $0x0  }
0x129: {  	s3 =	simm.s32 $0x0;
	[sflag:s7] =	ssyncadd.s32 $0xFFFFEC00  }
0x12a: {  	v7 =	vld [tilespmem:s3+$0x4000]  }
0x12b: {  	v12 =	vld [tilespmem:s3+$0x4010]  }
0x12c: {  	v6 =	vld [tilespmem:s3+$0x4020]  }
0x12d: {  	v5 =	vld [tilespmem:s3+$0x4030]  }
0x12e: {  	v4 =	vld [tilespmem:s3+$0x4040]  }
0x12f: {  	v3 =	vld [tilespmem:s3+$0x4050]  }
0x130: {  	v2 =	vld [tilespmem:s3+$0x4060]  }
0x131: {  	v1 =	vld [tilespmem:s3+$0x4070]  }
0x132: {  	v13 =	vld [tilespmem:s3+$0x1800]  }
0x133: {  	v14 =	vld [tilespmem:s3+$0x1810]  }
0x134: {  	v11 =	vld [tilespmem:s3+$0x1820]  }
0x135: {  	v10 =	vld [tilespmem:s3+$0x1830]  }
0x136: {  	v9 =	vld [tilespmem:s3+$0x1840]  }
0x137: {  	v8 =	vld [tilespmem:s3+$0x1850];
	v13 =	vadd.f32 v7, v13  }
0x138: {  	s14 =	simm.s32 $0x200;
	v12 =	vadd.f32 v12, v14;
	v7 =	vld [tilespmem:s3+$0x1860]  }
.LBB2_13:
0x139: {  	s15 =	sshra.s32 s14, $0x2;
	p1 =	sne.s32 s14, $0x4E00;
	v13 =	vmax.f32 v13, $0.0e+00;
	v6 =	vadd.f32 v6, v11;
	v11 =	vld [tilespmem:s3+$0x1870]  }
0x13a: {  	v14 =	vld [tilespmem:s15+$0x4000];
	[tilespmem:s3+$0x1800] =	vst v13;
	v12 =	vmax.f32 v12, $0.0e+00;
	v5 =	vadd.f32 v5, v10  }
0x13b: {  	v15 =	vld [tilespmem:s15+$0x4010];
	[tilespmem:s3+$0x1810] =	vst v12;
	v10 =	vmax.f32 v6, $0.0e+00;
	v4 =	vadd.f32 v4, v9  }
0x13c: {  	v6 =	vld [tilespmem:s15+$0x4020];
	[tilespmem:s3+$0x1820] =	vst v10;
	v9 =	vmax.f32 v5, $0.0e+00;
	v3 =	vadd.f32 v3, v8  }
0x13d: {  	v5 =	vld [tilespmem:s15+$0x4030];
	[tilespmem:s3+$0x1830] =	vst v9;
	v8 =	vmax.f32 v4, $0.0e+00;
	v2 =	vadd.f32 v2, v7  }
0x13e: {  	v4 =	vld [tilespmem:s15+$0x4040];
	[tilespmem:s3+$0x1840] =	vst v8;
	v7 =	vmax.f32 v3, $0.0e+00;
	v1 =	vadd.f32 v1, v11  }
0x13f: {  	v3 =	vld [tilespmem:s15+$0x4050];
	[tilespmem:s3+$0x1850] =	vst v7;
	v7 =	vmax.f32 v2, $0.0e+00  }
0x140: {  	v2 =	vld [tilespmem:s15+$0x4060];
	[tilespmem:s3+$0x1860] =	vst v7;
	v7 =	vmax.f32 v1, $0.0e+00  }
0x141: {  	v1 =	vld [tilespmem:s15+$0x4070];
	[tilespmem:s3+$0x1870] =	vst v7;
	s3 =	smov.u32 s15  }
0x142: {  	v7 =	vld [tilespmem:s3+$0x1800]  }
0x143: {  	v12 =	vld [tilespmem:s3+$0x1810]  }
.Ltmp6:
0x144: {  	v11 =	vld [tilespmem:s3+$0x1820];
	(pc) =	sbr.rel @p1 .LBB2_13-.Ltmp6, $4  }
0x145: {  	v10 =	vld [tilespmem:s3+$0x1830]  }
0x146: {  	v9 =	vld [tilespmem:s3+$0x1840]  }
0x147: {  	v13 =	vadd.f32 v14, v7;
	v8 =	vld [tilespmem:s3+$0x1850]  }
0x148: {  	s14 =	sadd.s32 $0x200, s14;
	v12 =	vadd.f32 v15, v12;
	v7 =	vld [tilespmem:s3+$0x1860]  }
0x149: {  	v13 =	vmax.f32 v13, $0.0e+00;
	v6 =	vadd.f32 v6, v11;
	v63 =	vld [tilespmem:s3+$0x1870]  }
0x14a: {  	[tilespmem:s3+$0x1800] =	vst v13;
	v12 =	vmax.f32 v12, $0.0e+00;
	v5 =	vadd.f32 v5, v10  }
0x14b: {  	[tilespmem:s3+$0x1810] =	vst v12;
	v6 =	vmax.f32 v6, $0.0e+00;
	v4 =	vadd.f32 v4, v9  }
0x14c: {  	[tilespmem:s3+$0x1820] =	vst v6;
	v5 =	vmax.f32 v5, $0.0e+00;
	v3 =	vadd.f32 v3, v8  }
0x14d: {  	[tilespmem:s3+$0x1830] =	vst v5;
	v4 =	vmax.f32 v4, $0.0e+00;
	v2 =	vadd.f32 v2, v7  }
0x14e: {  	[tilespmem:s3+$0x1840] =	vst v4;
	v3 =	vmax.f32 v3, $0.0e+00;
	v1 =	vadd.f32 v1, v63  }
0x14f: {  	s0 =	sadd.s32 $0x1, s0;
	[tilespmem:s3+$0x1850] =	vst v3;
	v2 =	vmax.f32 v2, $0.0e+00  }
0x150: {  	p1 =	sne.s32 s0, $0x3E;
	[tilespmem:s3+$0x1860] =	vst v2;
	v1 =	vmax.f32 v1, $0.0e+00  }
.Ltmp7:
0x151: {  	s18 =	simm.s32 $0x380;
	[tilespmem:s3+$0x1870] =	vst v1;
	(pc) =	sbr.rel @p1 .LBB2_6-.Ltmp7, $4  }
0x152: {  	[spmem:s1] =	stream.indirect.scatter.add.f32 [tilespmem:s20], [sflag:$0x9], $0x80, s18, s13, $0xb8;
	[tilespmem:$0x18C80] =	vst v63  }
0x153: {  	_ =	swait.ge [sflag:s28], $0x1400  }
0x154: {  	[sflag:s28] =	ssyncset.done $0x0  }
0x155: {  	[sflag:s28] =	ssyncadd.s32 $0xFFFFEC00  }
0x156: {  	_ =	swait.ge [sflag:s17], $0x80  }
0x157: {  	[sflag:s17] =	ssyncset.done $0x0  }
0x158: {  	[sflag:s17] =	ssyncadd.s32 $0xFFFFFF80  }
0x159: {  	_ =	swait.ge [sflag:s17], $0x80  }
0x15a: {  	[sflag:s17] =	ssyncset.done $0x0  }
0x15b: {  	[sflag:s17] =	ssyncadd.s32 $0xFFFFFF80  }
0x15c: {  	[tilespmem:s20], [sflag:$0x6] =	stream.indirect.gather [hbm4b:s4+s13], $0x80, s29, s13, $0xb8;
	[tilespmem:$0x18C80] =	vst v63  }
0x15d: {  	s0 =	simm.s32 $0x0;
	s2 =	rddreg [dreg:$0xe]  }
0x15e: {  	[tilespmem:s21], [sflag:$0x8] =	stream.linear.gather [hbm4b:s2+s0], $0x1400, $0x38;
	[tilespmem:$0x18C80] =	vst v63  }
0x15f: {  	_ =	swait.ge [sflag:s23], $0x1400  }
0x160: {  	[sflag:s23] =	ssyncset.done $0x0  }
0x161: {  	[sflag:s23] =	ssyncadd.s32 $0xFFFFEC00  }
0x162: {  	_ =	swait.ge [sflag:s24], $0x1400  }
0x163: {  	[sflag:s24] =	ssyncset.done $0x0  }
0x164: {  	s0 =	simm.s32 $0x0;
	[sflag:s24] =	ssyncadd.s32 $0xFFFFEC00  }
0x165: {  	v7 =	vld [tilespmem:s0+$0x2C00]  }
0x166: {  	v12 =	vld [tilespmem:s0+$0x2C10]  }
0x167: {  	v6 =	vld [tilespmem:s0+$0x2C20]  }
0x168: {  	v5 =	vld [tilespmem:s0+$0x2C30]  }
0x169: {  	v4 =	vld [tilespmem:s0+$0x2C40]  }
0x16a: {  	v3 =	vld [tilespmem:s0+$0x2C50]  }
0x16b: {  	v2 =	vld [tilespmem:s0+$0x2C60]  }
0x16c: {  	v1 =	vld [tilespmem:s0+$0x2C70]  }
0x16d: {  	v13 =	vld [tilespmem:s0+$0x400]  }
0x16e: {  	v14 =	vld [tilespmem:s0+$0x410]  }
0x16f: {  	v11 =	vld [tilespmem:s0+$0x420]  }
0x170: {  	v10 =	vld [tilespmem:s0+$0x430]  }
0x171: {  	v9 =	vld [tilespmem:s0+$0x440]  }
0x172: {  	v8 =	vld [tilespmem:s0+$0x450];
	v13 =	vadd.f32 v7, v13  }
0x173: {  	s2 =	simm.s32 $0x200;
	v12 =	vadd.f32 v12, v14;
	v7 =	vld [tilespmem:s0+$0x460]  }
.LBB2_16:
0x174: {  	s3 =	sshra.s32 s2, $0x2;
	p1 =	sne.s32 s2, $0x4E00;
	v13 =	vmax.f32 v13, $0.0e+00;
	v6 =	vadd.f32 v6, v11;
	v11 =	vld [tilespmem:s0+$0x470]  }
0x175: {  	v14 =	vld [tilespmem:s3+$0x2C00];
	[tilespmem:s0+$0x400] =	vst v13;
	v12 =	vmax.f32 v12, $0.0e+00;
	v5 =	vadd.f32 v5, v10  }
0x176: {  	v15 =	vld [tilespmem:s3+$0x2C10];
	[tilespmem:s0+$0x410] =	vst v12;
	v10 =	vmax.f32 v6, $0.0e+00;
	v4 =	vadd.f32 v4, v9  }
0x177: {  	v6 =	vld [tilespmem:s3+$0x2C20];
	[tilespmem:s0+$0x420] =	vst v10;
	v9 =	vmax.f32 v5, $0.0e+00;
	v3 =	vadd.f32 v3, v8  }
0x178: {  	v5 =	vld [tilespmem:s3+$0x2C30];
	[tilespmem:s0+$0x430] =	vst v9;
	v8 =	vmax.f32 v4, $0.0e+00;
	v2 =	vadd.f32 v2, v7  }
0x179: {  	v4 =	vld [tilespmem:s3+$0x2C40];
	[tilespmem:s0+$0x440] =	vst v8;
	v7 =	vmax.f32 v3, $0.0e+00;
	v1 =	vadd.f32 v1, v11  }
0x17a: {  	v3 =	vld [tilespmem:s3+$0x2C50];
	[tilespmem:s0+$0x450] =	vst v7;
	v7 =	vmax.f32 v2, $0.0e+00  }
0x17b: {  	v2 =	vld [tilespmem:s3+$0x2C60];
	[tilespmem:s0+$0x460] =	vst v7;
	v7 =	vmax.f32 v1, $0.0e+00  }
0x17c: {  	v1 =	vld [tilespmem:s3+$0x2C70];
	[tilespmem:s0+$0x470] =	vst v7;
	s0 =	smov.u32 s3  }
0x17d: {  	v7 =	vld [tilespmem:s0+$0x400]  }
0x17e: {  	v12 =	vld [tilespmem:s0+$0x410]  }
.Ltmp8:
0x17f: {  	v11 =	vld [tilespmem:s0+$0x420];
	(pc) =	sbr.rel @p1 .LBB2_16-.Ltmp8, $4  }
0x180: {  	v10 =	vld [tilespmem:s0+$0x430]  }
0x181: {  	v9 =	vld [tilespmem:s0+$0x440]  }
0x182: {  	v13 =	vadd.f32 v14, v7;
	v8 =	vld [tilespmem:s0+$0x450]  }
0x183: {  	s2 =	sadd.s32 $0x200, s2;
	v12 =	vadd.f32 v15, v12;
	v7 =	vld [tilespmem:s0+$0x460]  }
0x184: {  	v13 =	vmax.f32 v13, $0.0e+00;
	v6 =	vadd.f32 v6, v11;
	v11 =	vld [tilespmem:s0+$0x470]  }
0x185: {  	[tilespmem:s0+$0x400] =	vst v13;
	v12 =	vmax.f32 v12, $0.0e+00;
	v5 =	vadd.f32 v5, v10  }
0x186: {  	[tilespmem:s0+$0x410] =	vst v12;
	v6 =	vmax.f32 v6, $0.0e+00;
	v4 =	vadd.f32 v4, v9  }
0x187: {  	[tilespmem:s0+$0x420] =	vst v6;
	v5 =	vmax.f32 v5, $0.0e+00;
	v3 =	vadd.f32 v3, v8  }
0x188: {  	[tilespmem:s0+$0x430] =	vst v5;
	v4 =	vmax.f32 v4, $0.0e+00;
	v2 =	vadd.f32 v2, v7  }
0x189: {  	[tilespmem:s0+$0x440] =	vst v4;
	v3 =	vmax.f32 v3, $0.0e+00;
	v1 =	vadd.f32 v1, v11  }
0x18a: {  	[tilespmem:s0+$0x450] =	vst v3;
	v2 =	vmax.f32 v2, $0.0e+00  }
0x18b: {  	[tilespmem:s0+$0x460] =	vst v2;
	v1 =	vmax.f32 v1, $0.0e+00  }
0x18c: {  	s19 =	simm.s32 $0x200;
	[tilespmem:s0+$0x470] =	vst v1  }
0x18d: {  	[spmem:s1] =	stream.indirect.scatter.add.f32 [tilespmem:s26], [sflag:$0x9], $0x80, s19, s13, $0xb8;
	[tilespmem:$0x18C80] =	vst v63  }
0x18e: {  	_ =	swait.ge [sflag:s28], $0x1400  }
0x18f: {  	[sflag:s28] =	ssyncset.done $0x0  }
0x190: {  	[sflag:s28] =	ssyncadd.s32 $0xFFFFEC00  }
0x191: {  	_ =	swait.ge [sflag:s11], $0x1400  }
0x192: {  	[sflag:s11] =	ssyncset.done $0x0  }
0x193: {  	[sflag:s11] =	ssyncadd.s32 $0xFFFFEC00  }
0x194: {  	_ =	swait.ge [sflag:s7], $0x1400  }
0x195: {  	[sflag:s7] =	ssyncset.done $0x0  }
0x196: {  	s0 =	simm.s32 $0x0;
	[sflag:s7] =	ssyncadd.s32 $0xFFFFEC00  }
0x197: {  	v7 =	vld [tilespmem:s0+$0x4000]  }
0x198: {  	v12 =	vld [tilespmem:s0+$0x4010]  }
0x199: {  	v6 =	vld [tilespmem:s0+$0x4020]  }
0x19a: {  	v5 =	vld [tilespmem:s0+$0x4030]  }
0x19b: {  	v4 =	vld [tilespmem:s0+$0x4040]  }
0x19c: {  	v3 =	vld [tilespmem:s0+$0x4050]  }
0x19d: {  	v2 =	vld [tilespmem:s0+$0x4060]  }
0x19e: {  	v1 =	vld [tilespmem:s0+$0x4070]  }
0x19f: {  	v13 =	vld [tilespmem:s0+$0x1800]  }
0x1a0: {  	v14 =	vld [tilespmem:s0+$0x1810]  }
0x1a1: {  	v11 =	vld [tilespmem:s0+$0x1820]  }
0x1a2: {  	v10 =	vld [tilespmem:s0+$0x1830]  }
0x1a3: {  	v9 =	vld [tilespmem:s0+$0x1840]  }
0x1a4: {  	s14 =	rddreg [dreg:$0x3];
	v8 =	vld [tilespmem:s0+$0x1850];
	v13 =	vadd.f32 v7, v13  }
0x1a5: {  	s2 =	simm.s32 $0x200;
	s15 =	rddreg [dreg:$0x10];
	v12 =	vadd.f32 v12, v14;
	v7 =	vld [tilespmem:s0+$0x1860]  }
.LBB2_18:
0x1a6: {  	s3 =	sshra.s32 s2, $0x2;
	p1 =	sne.s32 s2, $0x4E00;
	v13 =	vmax.f32 v13, $0.0e+00;
	v6 =	vadd.f32 v6, v11;
	v11 =	vld [tilespmem:s0+$0x1870]  }
0x1a7: {  	v14 =	vld [tilespmem:s3+$0x4000];
	[tilespmem:s0+$0x1800] =	vst v13;
	v12 =	vmax.f32 v12, $0.0e+00;
	v5 =	vadd.f32 v5, v10  }
0x1a8: {  	v15 =	vld [tilespmem:s3+$0x4010];
	[tilespmem:s0+$0x1810] =	vst v12;
	v10 =	vmax.f32 v6, $0.0e+00;
	v4 =	vadd.f32 v4, v9  }
0x1a9: {  	v6 =	vld [tilespmem:s3+$0x4020];
	[tilespmem:s0+$0x1820] =	vst v10;
	v9 =	vmax.f32 v5, $0.0e+00;
	v3 =	vadd.f32 v3, v8  }
0x1aa: {  	v5 =	vld [tilespmem:s3+$0x4030];
	[tilespmem:s0+$0x1830] =	vst v9;
	v8 =	vmax.f32 v4, $0.0e+00;
	v2 =	vadd.f32 v2, v7  }
0x1ab: {  	v4 =	vld [tilespmem:s3+$0x4040];
	[tilespmem:s0+$0x1840] =	vst v8;
	v7 =	vmax.f32 v3, $0.0e+00;
	v1 =	vadd.f32 v1, v11  }
0x1ac: {  	v3 =	vld [tilespmem:s3+$0x4050];
	[tilespmem:s0+$0x1850] =	vst v7;
	v7 =	vmax.f32 v2, $0.0e+00  }
0x1ad: {  	v2 =	vld [tilespmem:s3+$0x4060];
	[tilespmem:s0+$0x1860] =	vst v7;
	v7 =	vmax.f32 v1, $0.0e+00  }
0x1ae: {  	v1 =	vld [tilespmem:s3+$0x4070];
	[tilespmem:s0+$0x1870] =	vst v7;
	s0 =	smov.u32 s3  }
0x1af: {  	v7 =	vld [tilespmem:s0+$0x1800]  }
0x1b0: {  	v12 =	vld [tilespmem:s0+$0x1810]  }
.Ltmp9:
0x1b1: {  	v11 =	vld [tilespmem:s0+$0x1820];
	(pc) =	sbr.rel @p1 .LBB2_18-.Ltmp9, $4  }
0x1b2: {  	v10 =	vld [tilespmem:s0+$0x1830]  }
0x1b3: {  	v9 =	vld [tilespmem:s0+$0x1840]  }
0x1b4: {  	v13 =	vadd.f32 v14, v7;
	v8 =	vld [tilespmem:s0+$0x1850]  }
0x1b5: {  	s2 =	sadd.s32 $0x200, s2;
	v12 =	vadd.f32 v15, v12;
	v7 =	vld [tilespmem:s0+$0x1860]  }
0x1b6: {  	v13 =	vmax.f32 v13, $0.0e+00;
	v6 =	vadd.f32 v6, v11;
	v63 =	vld [tilespmem:s0+$0x1870]  }
0x1b7: {  	[tilespmem:s0+$0x1800] =	vst v13;
	v12 =	vmax.f32 v12, $0.0e+00;
	v5 =	vadd.f32 v5, v10  }
0x1b8: {  	[tilespmem:s0+$0x1810] =	vst v12;
	v6 =	vmax.f32 v6, $0.0e+00;
	v4 =	vadd.f32 v4, v9  }
0x1b9: {  	[tilespmem:s0+$0x1820] =	vst v6;
	v5 =	vmax.f32 v5, $0.0e+00;
	v3 =	vadd.f32 v3, v8  }
0x1ba: {  	[tilespmem:s0+$0x1830] =	vst v5;
	v4 =	vmax.f32 v4, $0.0e+00;
	v2 =	vadd.f32 v2, v7  }
0x1bb: {  	[tilespmem:s0+$0x1840] =	vst v4;
	v3 =	vmax.f32 v3, $0.0e+00;
	v1 =	vadd.f32 v1, v63  }
0x1bc: {  	[tilespmem:s0+$0x1850] =	vst v3;
	v2 =	vmax.f32 v2, $0.0e+00  }
0x1bd: {  	[tilespmem:s0+$0x1860] =	vst v2;
	v1 =	vmax.f32 v1, $0.0e+00  }
0x1be: {  	[tilespmem:s0+$0x1870] =	vst v1  }
0x1bf: {  	[spmem:s1] =	stream.indirect.scatter.add.f32 [tilespmem:s20], [sflag:$0x9], $0x80, s31, s13, $0xb8;
	[tilespmem:$0x18C80] =	vst v63  }
0x1c0: {  	_ =	swait.ge [sflag:s28], $0x1400  }
0x1c1: {  	[sflag:s28] =	ssyncset.done $0x0  }
0x1c2: {  	[sflag:s28] =	ssyncadd.s32 $0xFFFFEC00  }
0x1c3: {  	[bflag:$0x0] =	sbarrier.arrive $0xFFFF  }
0x1c4: {  	s2 =	rddreg [dreg:$0x11]  }
0x1c5: {  	s0 =	simm.s32 @p0 $0x1FC9;
	s3 =	rddreg [dreg:$0x13]  }
0x1c6: {  	[hbm:s2], [sflag:s0] =	dma.local @p0 [spmem:s3], $0x1900  }
0x1c7: {  	s0 =	simm.s32 @p0 $0x9  }
0x1c8: {  	s2 =	stileid.u32;
	_ =	swait.ge @p0 [sflag:s0], $0x1900  }
0x1c9: {  	s2 =	sshll.u32 @!p0 s2, $0x6;
	[sflag:s0] =	ssyncset.done @p0 $0x0;
	s3 =	rddreg [dreg:$0xf]  }
0x1ca: {  	[sflag:s0] =	ssyncadd.s32 @p0 $0xFFFFE700;
	s0 =	sor.u32 @!p0 $0x1C09, s2;
	s2 =	sshrl.u32 @!p0 s15, $0x3  }
0x1cb: {  	[hbm:s3], [sflag:s0] =	dma.local @!p0 [spmem:s2], $0x2800  }
0x1cc: {  	s0 =	simm.s32 @!p0 $0x9  }
0x1cd: {  	_ =	swait.ge @!p0 [sflag:s0], $0x2800  }
0x1ce: {  	s14 =	sadd.s32 $0x1, s14;
	s19 =	rddreg [dreg:$0x12]  }
0x1cf: {  	p1 =	sne.s32 s14, s19  }
.Ltmp10:
0x1d0: {  	_ = 	snop;
	(pc) =	sbr.rel @p1 .LBB2_1-.Ltmp10, $3  }
0x1d1: {  	_ =	sdelay $0x1  }
0x1d2: {  	[sflag:s0] =	ssyncset.done @!p0 $0x0  }
0x1d3: {  	[sflag:s0] =	ssyncadd.s32 @!p0 $0xFFFFD800  }
0x1d4: {  	_ =	sfence.sel $0x180000  }
0x1d5: {  	[bflag:$0x0] =	sbarrier.arrive $0xFFFF  }
0x1d6: {  	_ =	strace $0x90000047  }
0x1d7: {  	s0 =	stileid.u32;
	[bflag:$0x2] =	sbarrier.arrive $0xFFFF  }
0x1d8: {  	p0 =	sne.s32 s0, $0x0;
	s0 =	rddreg [dreg:$0x2]  }
0x1d9: {  	s0 =	sadd.s32 @!p0 $0x100000, s0  }
0x1da: {  	[sflag:s0] =	ssyncadd.tile.s32 @!p0 $0x1;
	_ =	shalt  }
.Lfunc_end2:
_tile_overlayer_lowered:
.L_overlay_start_2:
0x1db: {  	(tag) =	ssettag $0x2  }
0x1dc: {  	s0 =	rddreg [dreg:$0x0];
	s2 =	stileid.u32  }
0x1dd: {  	s1 =	rddreg [dreg:$0x1];
	p0 =	sne.s32 s2, $0x0  }
0x1de: {  	s3 =	rddreg [dreg:$0x2];
	[bflag:$0x3] =	sbarrier.arrive $0xFFFF;
	s2 =	simm.s32 @!p0 $0x1C09  }
0x1df: {  	[timem:s3], [sflag:s2] =	dma.local @!p0 [hbm:s0], s1  }
0x1e0: {  	s0 =	simm.s32 @!p0 $0x9  }
0x1e1: {  	_ =	swait.ge @!p0 [sflag:s0], s1  }
0x1e2: {  	s1 =	ssub.s32 @!p0 $0x0, s1;
	[sflag:s0] =	ssyncset.done @!p0 $0x0  }
0x1e3: {  	[sflag:s0] =	ssyncadd.s32 @!p0 s1  }
0x1e4: {  	[bflag:$0x3] =	sbarrier.arrive $0xFFFF  }
0x1e5: {  	_ =	shalt  }

</sc_bundles>
